<compile_context>
chip_gen: v7x
topology: tpu7x:2x2x1
jax: 0.10.2.dev20260603
libtpu: 0.0.44.dev20260713+nightly
codegen_flags: <defaults>
</compile_context>

<pallas_src>
import jax
import jax.numpy as jnp
from jax import lax
from jax.experimental import pallas as pl
from jax.experimental.pallas import tpu as pltpu
from jax.experimental.pallas import tpu_sc as plsc

B = 16384
D = 64
W = 2 * D
K = 20
NC = 2
NS = 16
NW = NC * NS
L = 16
Q = D // L
PER_W = B // NW
C = 16
NCHUNK = PER_W // C
IO_C = 2 * C
NEG_C = C * K
TP = 17
NT = K + 1


def _log_sigmoid(x):
    u = jnp.exp(-jnp.abs(x))
    z = u / (u + 2.0)
    z2 = z * z
    poly = 1.0 + z2 * (1.0 / 3.0 + z2 * (1.0 / 5.0 + z2 * (1.0 / 7.0 + z2 * (1.0 / 9.0))))
    return jnp.minimum(x, 0.0) - 2.0 * z * poly


def _sc_body(io_idx_hbm, neg_idx_hbm, tab,
             out_hbm, pio_v, pneg_v,
             iob0, negb0, iob1, negb1,
             tbuf, partial_v, sem0, sem1):
    wid = lax.axis_index("s") * NC + lax.axis_index("c")
    base = wid * PER_W

    pltpu.sync_copy(io_idx_hbm.at[pl.ds(base * 2, PER_W * 2)], pio_v)
    pltpu.sync_copy(neg_idx_hbm.at[pl.ds(base * K, PER_W * K)], pneg_v)

    lane = lax.iota(jnp.int32, L)
    zeros = jnp.zeros((L,), jnp.float32)
    laneq_in = [lane + q * L for q in range(Q)]
    laneq_out = [lane + D + q * L for q in range(Q)]
    for i in range(2 * L * TP // L):
        tbuf[pl.ds(i * L, L)] = zeros

    sign1 = jnp.where(lane == 0, 1.0, -1.0)
    mask2 = jnp.where(lane < NT - L, 1.0, 0.0)

    def issue(c, iob, negb, sem):
        pltpu.async_copy(tab.at[pio_v.at[pl.ds(c * IO_C, IO_C)]], iob, sem)
        nb = c * NEG_C
        pltpu.async_copy(tab.at[pneg_v.at[pl.ds(nb, 128)]],
                         negb.at[pl.ds(0, 128)], sem)
        pltpu.async_copy(tab.at[pneg_v.at[pl.ds(nb + 128, 128)]],
                         negb.at[pl.ds(128, 128)], sem)
        pltpu.async_copy(tab.at[pneg_v.at[pl.ds(nb + 256, 64)]],
                         negb.at[pl.ds(256, 64)], sem)

    def drain(iob, negb, sem):
        pltpu.make_async_copy(tab.at[pio_v.at[pl.ds(0, IO_C)]], iob, sem).wait()
        pltpu.make_async_copy(tab.at[pneg_v.at[pl.ds(0, 128)]],
                              negb.at[pl.ds(0, 128)], sem).wait()
        pltpu.make_async_copy(tab.at[pneg_v.at[pl.ds(128, 128)]],
                              negb.at[pl.ds(128, 128)], sem).wait()
        pltpu.make_async_copy(tab.at[pneg_v.at[pl.ds(256, 64)]],
                              negb.at[pl.ds(256, 64)], sem).wait()

    def compute(iob, negb, total):
        def elem(e, tot):
            erow = jnp.full((L,), e, jnp.int32)
            in_q = [plsc.load_gather(iob, [erow, laneq_in[q]])
                    for q in range(Q)]
            for t in range(NT):
                if t == 0:
                    row = iob
                    rowv = erow + C
                else:
                    row = negb
                    rowv = jnp.full((L,), e * K + (t - 1), jnp.int32)
                p = in_q[0] * plsc.load_gather(row, [rowv, laneq_out[0]])
                for q in range(1, Q):
                    p = p + in_q[q] * plsc.load_gather(row, [rowv, laneq_out[q]])
                plsc.store_scatter(tbuf, [lane + t * TP], p)
            r1 = plsc.load_gather(tbuf, [lane * TP])
            r2 = plsc.load_gather(tbuf, [lane * TP + L * TP])
            for j in range(1, L):
                r1 = r1 + plsc.load_gather(tbuf, [lane * TP + j])
                r2 = r2 + plsc.load_gather(tbuf, [lane * TP + L * TP + j])
            return tot + _log_sigmoid(r1 * sign1) + _log_sigmoid(-r2) * mask2

        return lax.fori_loop(0, C, elem, total)

    issue(0, iob0, negb0, sem0)

    def pair(i, total):
        c0 = 2 * i
        issue(c0 + 1, iob1, negb1, sem1)
        drain(iob0, negb0, sem0)
        total = compute(iob0, negb0, total)
        cn = lax.select(c0 + 2 < NCHUNK, c0 + 2, 0)
        issue(cn, iob0, negb0, sem0)
        drain(iob1, negb1, sem1)
        return compute(iob1, negb1, total)

    total = lax.fori_loop(0, NCHUNK // 2, pair, zeros)
    drain(iob0, negb0, sem0)

    partial_v[...] = total * (1.0 / B)
    pltpu.sync_copy(partial_v, out_hbm.at[pl.ds(wid * L, L)])


TBLK = 20480
NROWS = 1000000


def _tc_combine_body(a_ref, b_ref, o_ref):
    eye = jnp.float32(
        lax.broadcasted_iota(jnp.int32, (D, D), 0)
        == lax.broadcasted_iota(jnp.int32, (D, D), 1))
    dn = (((0,), (0,)), ((), ()))
    o_ref[:, 0:D] = lax.dot_general(
        a_ref[...], eye, dn, preferred_element_type=jnp.float32)
    o_ref[:, D:W] = lax.dot_general(
        b_ref[...], eye, dn, preferred_element_type=jnp.float32)


def _tc_combine(inT, outT):
    grid = (pl.cdiv(NROWS, TBLK),)
    in_spec = pl.BlockSpec((D, TBLK), lambda i: (0, i))
    out_spec = pl.BlockSpec((TBLK, W), lambda i: (i, 0))
    return pl.pallas_call(
        _tc_combine_body,
        grid=grid,
        in_specs=[in_spec, in_spec],
        out_specs=out_spec,
        out_shape=jax.ShapeDtypeStruct((NROWS, W), jnp.float32),
    )(inT, outT)


@jax.jit
def _sc_call(io_idx, neg_flat, tab):
    mesh = plsc.VectorSubcoreMesh(core_axis_name="c", subcore_axis_name="s")
    f = pl.kernel(
        _sc_body,
        out_type=jax.ShapeDtypeStruct((NW * L,), jnp.float32),
        mesh=mesh,
        scratch_types=[
            pltpu.VMEM((2 * PER_W,), jnp.int32),
            pltpu.VMEM((PER_W * K,), jnp.int32),
            pltpu.VMEM((IO_C, W), jnp.float32),
            pltpu.VMEM((NEG_C, W), jnp.float32),
            pltpu.VMEM((IO_C, W), jnp.float32),
            pltpu.VMEM((NEG_C, W), jnp.float32),
            pltpu.VMEM((2 * L * TP,), jnp.float32),
            pltpu.VMEM((L,), jnp.float32),
            pltpu.SemaphoreType.DMA,
            pltpu.SemaphoreType.DMA,
        ],
        compiler_params=pltpu.CompilerParams(
            needs_layout_passes=False, use_tc_tiling_on_sc=True),
    )
    return f(io_idx, neg_flat, tab)


def kernel(input_idx, output_idx, neg_idx, input_vectors, output_vectors):
    ii = input_idx.astype(jnp.int32)
    oi = output_idx.astype(jnp.int32)
    ni = neg_idx.astype(jnp.int32)
    tab = _tc_combine(input_vectors.T, output_vectors.T)
    io_idx = jnp.concatenate(
        [ii.reshape(-1, C), oi.reshape(-1, C)], axis=1).reshape(-1)
    partials = _sc_call(io_idx, ni.reshape(-1), tab)
    return jnp.sum(partials)

# --- scband reference (transcript-rebuilt; emitter-appended) ---
"""Pipeline reference for scband-skipgram-70927089926296 (READ-ONLY COPY).

The authoritative reference and input builder live on the scoring server;
editing this copy changes nothing except your own understanding.
"""

import jax, jax.numpy as jnp
import numpy as np

N_WORDS = 1000000
N_DIMS = 64
BATCH = 16384
N_NEG = 20

def setup_inputs(seed: int = 0) -> dict:
    key = jax.random.key(seed)
    k1, k2, k3, k4, k5 = jax.random.split(key, 5)
    input_idx = jax.random.randint(k1, (BATCH,), 0, N_WORDS)
    output_idx = jax.random.randint(k2, (BATCH,), 0, N_WORDS)
    neg_idx = jax.random.randint(k3, (BATCH, N_NEG), 0, N_WORDS)
    input_vectors = jax.random.uniform(k4, (N_WORDS, N_DIMS), dtype=jnp.float32, minval=-1.0, maxval=1.0)
    output_vectors = jax.random.uniform(k5, (N_WORDS, N_DIMS), dtype=jnp.float32, minval=-1.0, maxval=1.0)
    return {"input_idx": input_idx, "output_idx": output_idx, "neg_idx": neg_idx,
            "input_vectors": input_vectors, "output_vectors": output_vectors}

def reference(input_idx, output_idx, neg_idx, input_vectors, output_vectors):
    # Embedding gathers
    in_vecs = jnp.take(input_vectors, input_idx, axis=0)      # [N, d]
    out_vecs = jnp.take(output_vectors, output_idx, axis=0)   # [N, d]
    neg_vecs = -jnp.take(output_vectors, neg_idx, axis=0)     # [N, k, d]
    # bmm(in_vecs[:,None,:], out_vecs[:,:,None]).squeeze() -> dot product per row
    prob = jnp.sum(in_vecs * out_vecs, axis=-1)               # [N]
    # bmm(in_vecs[:,None,:], neg_vecs.transpose(1,2)).squeeze() -> [N, k]
    noise = jnp.einsum('nd,nkd->nk', in_vecs, neg_vecs)       # [N, k]
    return jnp.mean(jax.nn.log_sigmoid(prob) + jnp.sum(jax.nn.log_sigmoid(noise), axis=1))

if __name__ == "__main__":
    import jax
    _d = setup_inputs()
    print(jax.jit(kernel)(*tuple(_d.values())))

</pallas_src>

<mosaic_0001>
#map = affine_map<(d0, d1) -> (0)>
#map1 = affine_map<(d0, d1) -> (0, 0)>
module attributes {stable_mosaic.version = 14 : i64} {
  func.func @_sc_body(%arg0: i32, %arg1: i32, %arg2: memref<32768xi32, #tpu.memory_space<hbm>>, %arg3: memref<327680xi32, #tpu.memory_space<hbm>>, %arg4: memref<1000000x128xf32, #tpu.memory_space<hbm>>, %arg5: memref<512xf32, #tpu.memory_space<hbm>>, %arg6: memref<1024xi32, #tpu.memory_space<vmem>>, %arg7: memref<10240xi32, #tpu.memory_space<vmem>>, %arg8: memref<32x128xf32, #tpu.memory_space<vmem>>, %arg9: memref<320x128xf32, #tpu.memory_space<vmem>>, %arg10: memref<32x128xf32, #tpu.memory_space<vmem>>, %arg11: memref<320x128xf32, #tpu.memory_space<vmem>>, %arg12: memref<544xf32, #tpu.memory_space<vmem>>, %arg13: memref<16xf32, #tpu.memory_space<vmem>>, %arg14: memref<!tpu.dma_semaphore, #tpu.memory_space<semaphore_mem>>, %arg15: memref<!tpu.dma_semaphore, #tpu.memory_space<semaphore_mem>>) attributes {dimension_semantics = [#tpu.dimension_semantics<core_parallel>, #tpu.dimension_semantics<subcore_parallel>], iteration_bounds = array<i64: 2, 16>, scalar_prefetch = 0 : i64, scratch_operands = 10 : i64, tpu.core_type = #tpu.core_type<sc_vector_subcore>, window_params = [{transform_indices = #map}, {transform_indices = #map}, {transform_indices = #map1}, {transform_indices = #map}]} {
    %mul3A = arith.constant 2 : i32
    %mul3A_0 = arith.muli %arg1, %mul3A : i32
    %add3A = arith.addi %mul3A_0, %arg0 : i32
    %mul3A_1 = arith.constant 512 : i32
    %mul3A_2 = arith.muli %add3A, %mul3A_1 : i32
    %mul3A_3 = arith.constant 2 : i32
    %mul3A_4 = arith.muli %mul3A_2, %mul3A_3 : i32
    "tpu.region"() ({
      %run_scoped3A = tpu.sem_alloc : memref<!tpu.dma_semaphore, #tpu.memory_space<semaphore_mem>>
      %dma_start3A_191 = tpu.memref_slice %arg2[%mul3A_4] : memref<32768xi32, #tpu.memory_space<hbm>> -> memref<1024xi32, #tpu.memory_space<hbm>>
      %dma_start3A_192 = tpu.memref_slice %arg2[%mul3A_4] : memref<32768xi32, #tpu.memory_space<hbm>> -> memref<1024xi32, #tpu.memory_space<hbm>>
      tpu.enqueue_dma source(%dma_start3A_192 : memref<1024xi32, #tpu.memory_space<hbm>>) target(%arg6 : memref<1024xi32, #tpu.memory_space<vmem>>) target_semaphore(%run_scoped3A : memref<!tpu.dma_semaphore, #tpu.memory_space<semaphore_mem>>)
      %dma_wait3A_193 = tpu.memref_slice %arg2[%mul3A_4] : memref<32768xi32, #tpu.memory_space<hbm>> -> memref<1024xi32, #tpu.memory_space<hbm>>
      %dma_wait3A_194 = tpu.memref_slice %arg2[%mul3A_4] : memref<32768xi32, #tpu.memory_space<hbm>> -> memref<1024xi32, #tpu.memory_space<hbm>>
      tpu.wait_dma2 semaphore(%run_scoped3A : memref<!tpu.dma_semaphore, #tpu.memory_space<semaphore_mem>>) src(%dma_wait3A_194 : memref<1024xi32, #tpu.memory_space<hbm>>) dst(%arg6 : memref<1024xi32, #tpu.memory_space<vmem>>)
      tpu.yield
    }) : () -> ()
    %mul3A_5 = arith.constant 20 : i32
    %mul3A_6 = arith.muli %mul3A_2, %mul3A_5 : i32
    "tpu.region"() ({
      %run_scoped3A = tpu.sem_alloc : memref<!tpu.dma_semaphore, #tpu.memory_space<semaphore_mem>>
      %dma_start3A_191 = tpu.memref_slice %arg3[%mul3A_6] : memref<327680xi32, #tpu.memory_space<hbm>> -> memref<10240xi32, #tpu.memory_space<hbm>>
      %dma_start3A_192 = tpu.memref_slice %arg3[%mul3A_6] : memref<327680xi32, #tpu.memory_space<hbm>> -> memref<10240xi32, #tpu.memory_space<hbm>>
      tpu.enqueue_dma source(%dma_start3A_192 : memref<10240xi32, #tpu.memory_space<hbm>>) target(%arg7 : memref<10240xi32, #tpu.memory_space<vmem>>) target_semaphore(%run_scoped3A : memref<!tpu.dma_semaphore, #tpu.memory_space<semaphore_mem>>)
      %dma_wait3A_193 = tpu.memref_slice %arg3[%mul3A_6] : memref<327680xi32, #tpu.memory_space<hbm>> -> memref<10240xi32, #tpu.memory_space<hbm>>
      %dma_wait3A_194 = tpu.memref_slice %arg3[%mul3A_6] : memref<327680xi32, #tpu.memory_space<hbm>> -> memref<10240xi32, #tpu.memory_space<hbm>>
      tpu.wait_dma2 semaphore(%run_scoped3A : memref<!tpu.dma_semaphore, #tpu.memory_space<semaphore_mem>>) src(%dma_wait3A_194 : memref<10240xi32, #tpu.memory_space<hbm>>) dst(%arg7 : memref<10240xi32, #tpu.memory_space<vmem>>)
      tpu.yield
    }) : () -> ()
    %iota3A = tpu.iota {dimensions = array<i32: 0>} : vector<16xi32>
    %broadcast_in_dim3A = arith.constant 0.000000e+00 : f32
    %broadcast_in_dim3A_7 = vector.broadcast %broadcast_in_dim3A : f32 to vector<16xf32>
    %add3A_8 = arith.constant 0 : i32
    %add3A_9 = vector.broadcast %add3A_8 : i32 to vector<16xi32>
    %add3A_10 = arith.addi %iota3A, %add3A_9 : vector<16xi32>
    %add3A_11 = arith.constant 16 : i32
    %add3A_12 = vector.broadcast %add3A_11 : i32 to vector<16xi32>
    %add3A_13 = arith.addi %iota3A, %add3A_12 : vector<16xi32>
    %add3A_14 = arith.constant 32 : i32
    %add3A_15 = vector.broadcast %add3A_14 : i32 to vector<16xi32>
    %add3A_16 = arith.addi %iota3A, %add3A_15 : vector<16xi32>
    %add3A_17 = arith.constant 48 : i32
    %add3A_18 = vector.broadcast %add3A_17 : i32 to vector<16xi32>
    %add3A_19 = arith.addi %iota3A, %add3A_18 : vector<16xi32>
    %add3A_20 = arith.constant 64 : i32
    %add3A_21 = vector.broadcast %add3A_20 : i32 to vector<16xi32>
    %add3A_22 = arith.addi %iota3A, %add3A_21 : vector<16xi32>
    %add3A_23 = arith.constant 0 : i32
    %add3A_24 = vector.broadcast %add3A_23 : i32 to vector<16xi32>
    %add3A_25 = arith.addi %add3A_22, %add3A_24 : vector<16xi32>
    %add3A_26 = arith.constant 64 : i32
    %add3A_27 = vector.broadcast %add3A_26 : i32 to vector<16xi32>
    %add3A_28 = arith.addi %iota3A, %add3A_27 : vector<16xi32>
    %add3A_29 = arith.constant 16 : i32
    %add3A_30 = vector.broadcast %add3A_29 : i32 to vector<16xi32>
    %add3A_31 = arith.addi %add3A_28, %add3A_30 : vector<16xi32>
    %add3A_32 = arith.constant 64 : i32
    %add3A_33 = vector.broadcast %add3A_32 : i32 to vector<16xi32>
    %add3A_34 = arith.addi %iota3A, %add3A_33 : vector<16xi32>
    %add3A_35 = arith.constant 32 : i32
    %add3A_36 = vector.broadcast %add3A_35 : i32 to vector<16xi32>
    %add3A_37 = arith.addi %add3A_34, %add3A_36 : vector<16xi32>
    %add3A_38 = arith.constant 64 : i32
    %add3A_39 = vector.broadcast %add3A_38 : i32 to vector<16xi32>
    %add3A_40 = arith.addi %iota3A, %add3A_39 : vector<16xi32>
    %add3A_41 = arith.constant 48 : i32
    %add3A_42 = vector.broadcast %add3A_41 : i32 to vector<16xi32>
    %add3A_43 = arith.addi %add3A_40, %add3A_42 : vector<16xi32>
    %swap3A = arith.constant 0 : index
    %swap3A_44 = tpu.vector_load %arg12[%swap3A] {strides = array<i32>} : memref<544xf32, #tpu.memory_space<vmem>>, vector<16xf32>,
    tpu.vector_store %arg12[%swap3A], %broadcast_in_dim3A_7 {strides = array<i32>} : memref<544xf32, #tpu.memory_space<vmem>>, vector<16xf32>,
    %swap3A_45 = arith.constant 16 : index
    %swap3A_46 = tpu.vector_load %arg12[%swap3A_45] {strides = array<i32>} : memref<544xf32, #tpu.memory_space<vmem>>, vector<16xf32>,
    tpu.vector_store %arg12[%swap3A_45], %broadcast_in_dim3A_7 {strides = array<i32>} : memref<544xf32, #tpu.memory_space<vmem>>, vector<16xf32>,
    %swap3A_47 = arith.constant 32 : index
    %swap3A_48 = tpu.vector_load %arg12[%swap3A_47] {strides = array<i32>} : memref<544xf32, #tpu.memory_space<vmem>>, vector<16xf32>,
    tpu.vector_store %arg12[%swap3A_47], %broadcast_in_dim3A_7 {strides = array<i32>} : memref<544xf32, #tpu.memory_space<vmem>>, vector<16xf32>,
    %swap3A_49 = arith.constant 48 : index
    %swap3A_50 = tpu.vector_load %arg12[%swap3A_49] {strides = array<i32>} : memref<544xf32, #tpu.memory_space<vmem>>, vector<16xf32>,
    tpu.vector_store %arg12[%swap3A_49], %broadcast_in_dim3A_7 {strides = array<i32>} : memref<544xf32, #tpu.memory_space<vmem>>, vector<16xf32>,
    %swap3A_51 = arith.constant 64 : index
    %swap3A_52 = tpu.vector_load %arg12[%swap3A_51] {strides = array<i32>} : memref<544xf32, #tpu.memory_space<vmem>>, vector<16xf32>,
    tpu.vector_store %arg12[%swap3A_51], %broadcast_in_dim3A_7 {strides = array<i32>} : memref<544xf32, #tpu.memory_space<vmem>>, vector<16xf32>,
    %swap3A_53 = arith.constant 80 : index
    %swap3A_54 = tpu.vector_load %arg12[%swap3A_53] {strides = array<i32>} : memref<544xf32, #tpu.memory_space<vmem>>, vector<16xf32>,
    tpu.vector_store %arg12[%swap3A_53], %broadcast_in_dim3A_7 {strides = array<i32>} : memref<544xf32, #tpu.memory_space<vmem>>, vector<16xf32>,
    %swap3A_55 = arith.constant 96 : index
    %swap3A_56 = tpu.vector_load %arg12[%swap3A_55] {strides = array<i32>} : memref<544xf32, #tpu.memory_space<vmem>>, vector<16xf32>,
    tpu.vector_store %arg12[%swap3A_55], %broadcast_in_dim3A_7 {strides = array<i32>} : memref<544xf32, #tpu.memory_space<vmem>>, vector<16xf32>,
    %swap3A_57 = arith.constant 112 : index
    %swap3A_58 = tpu.vector_load %arg12[%swap3A_57] {strides = array<i32>} : memref<544xf32, #tpu.memory_space<vmem>>, vector<16xf32>,
    tpu.vector_store %arg12[%swap3A_57], %broadcast_in_dim3A_7 {strides = array<i32>} : memref<544xf32, #tpu.memory_space<vmem>>, vector<16xf32>,
    %swap3A_59 = arith.constant 128 : index
    %swap3A_60 = tpu.vector_load %arg12[%swap3A_59] {strides = array<i32>} : memref<544xf32, #tpu.memory_space<vmem>>, vector<16xf32>,
    tpu.vector_store %arg12[%swap3A_59], %broadcast_in_dim3A_7 {strides = array<i32>} : memref<544xf32, #tpu.memory_space<vmem>>, vector<16xf32>,
    %swap3A_61 = arith.constant 144 : index
    %swap3A_62 = tpu.vector_load %arg12[%swap3A_61] {strides = array<i32>} : memref<544xf32, #tpu.memory_space<vmem>>, vector<16xf32>,
    tpu.vector_store %arg12[%swap3A_61], %broadcast_in_dim3A_7 {strides = array<i32>} : memref<544xf32, #tpu.memory_space<vmem>>, vector<16xf32>,
    %swap3A_63 = arith.constant 160 : index
    %swap3A_64 = tpu.vector_load %arg12[%swap3A_63] {strides = array<i32>} : memref<544xf32, #tpu.memory_space<vmem>>, vector<16xf32>,
    tpu.vector_store %arg12[%swap3A_63], %broadcast_in_dim3A_7 {strides = array<i32>} : memref<544xf32, #tpu.memory_space<vmem>>, vector<16xf32>,
    %swap3A_65 = arith.constant 176 : index
    %swap3A_66 = tpu.vector_load %arg12[%swap3A_65] {strides = array<i32>} : memref<544xf32, #tpu.memory_space<vmem>>, vector<16xf32>,
    tpu.vector_store %arg12[%swap3A_65], %broadcast_in_dim3A_7 {strides = array<i32>} : memref<544xf32, #tpu.memory_space<vmem>>, vector<16xf32>,
    %swap3A_67 = arith.constant 192 : index
    %swap3A_68 = tpu.vector_load %arg12[%swap3A_67] {strides = array<i32>} : memref<544xf32, #tpu.memory_space<vmem>>, vector<16xf32>,
    tpu.vector_store %arg12[%swap3A_67], %broadcast_in_dim3A_7 {strides = array<i32>} : memref<544xf32, #tpu.memory_space<vmem>>, vector<16xf32>,
    %swap3A_69 = arith.constant 208 : index
    %swap3A_70 = tpu.vector_load %arg12[%swap3A_69] {strides = array<i32>} : memref<544xf32, #tpu.memory_space<vmem>>, vector<16xf32>,
    tpu.vector_store %arg12[%swap3A_69], %broadcast_in_dim3A_7 {strides = array<i32>} : memref<544xf32, #tpu.memory_space<vmem>>, vector<16xf32>,
    %swap3A_71 = arith.constant 224 : index
    %swap3A_72 = tpu.vector_load %arg12[%swap3A_71] {strides = array<i32>} : memref<544xf32, #tpu.memory_space<vmem>>, vector<16xf32>,
    tpu.vector_store %arg12[%swap3A_71], %broadcast_in_dim3A_7 {strides = array<i32>} : memref<544xf32, #tpu.memory_space<vmem>>, vector<16xf32>,
    %swap3A_73 = arith.constant 240 : index
    %swap3A_74 = tpu.vector_load %arg12[%swap3A_73] {strides = array<i32>} : memref<544xf32, #tpu.memory_space<vmem>>, vector<16xf32>,
    tpu.vector_store %arg12[%swap3A_73], %broadcast_in_dim3A_7 {strides = array<i32>} : memref<544xf32, #tpu.memory_space<vmem>>, vector<16xf32>,
    %swap3A_75 = arith.constant 256 : index
    %swap3A_76 = tpu.vector_load %arg12[%swap3A_75] {strides = array<i32>} : memref<544xf32, #tpu.memory_space<vmem>>, vector<16xf32>,
    tpu.vector_store %arg12[%swap3A_75], %broadcast_in_dim3A_7 {strides = array<i32>} : memref<544xf32, #tpu.memory_space<vmem>>, vector<16xf32>,
    %swap3A_77 = arith.constant 272 : index
    %swap3A_78 = tpu.vector_load %arg12[%swap3A_77] {strides = array<i32>} : memref<544xf32, #tpu.memory_space<vmem>>, vector<16xf32>,
    tpu.vector_store %arg12[%swap3A_77], %broadcast_in_dim3A_7 {strides = array<i32>} : memref<544xf32, #tpu.memory_space<vmem>>, vector<16xf32>,
    %swap3A_79 = arith.constant 288 : index
    %swap3A_80 = tpu.vector_load %arg12[%swap3A_79] {strides = array<i32>} : memref<544xf32, #tpu.memory_space<vmem>>, vector<16xf32>,
    tpu.vector_store %arg12[%swap3A_79], %broadcast_in_dim3A_7 {strides = array<i32>} : memref<544xf32, #tpu.memory_space<vmem>>, vector<16xf32>,
    %swap3A_81 = arith.constant 304 : index
    %swap3A_82 = tpu.vector_load %arg12[%swap3A_81] {strides = array<i32>} : memref<544xf32, #tpu.memory_space<vmem>>, vector<16xf32>,
    tpu.vector_store %arg12[%swap3A_81], %broadcast_in_dim3A_7 {strides = array<i32>} : memref<544xf32, #tpu.memory_space<vmem>>, vector<16xf32>,
    %swap3A_83 = arith.constant 320 : index
    %swap3A_84 = tpu.vector_load %arg12[%swap3A_83] {strides = array<i32>} : memref<544xf32, #tpu.memory_space<vmem>>, vector<16xf32>,
    tpu.vector_store %arg12[%swap3A_83], %broadcast_in_dim3A_7 {strides = array<i32>} : memref<544xf32, #tpu.memory_space<vmem>>, vector<16xf32>,
    %swap3A_85 = arith.constant 336 : index
    %swap3A_86 = tpu.vector_load %arg12[%swap3A_85] {strides = array<i32>} : memref<544xf32, #tpu.memory_space<vmem>>, vector<16xf32>,
    tpu.vector_store %arg12[%swap3A_85], %broadcast_in_dim3A_7 {strides = array<i32>} : memref<544xf32, #tpu.memory_space<vmem>>, vector<16xf32>,
    %swap3A_87 = arith.constant 352 : index
    %swap3A_88 = tpu.vector_load %arg12[%swap3A_87] {strides = array<i32>} : memref<544xf32, #tpu.memory_space<vmem>>, vector<16xf32>,
    tpu.vector_store %arg12[%swap3A_87], %broadcast_in_dim3A_7 {strides = array<i32>} : memref<544xf32, #tpu.memory_space<vmem>>, vector<16xf32>,
    %swap3A_89 = arith.constant 368 : index
    %swap3A_90 = tpu.vector_load %arg12[%swap3A_89] {strides = array<i32>} : memref<544xf32, #tpu.memory_space<vmem>>, vector<16xf32>,
    tpu.vector_store %arg12[%swap3A_89], %broadcast_in_dim3A_7 {strides = array<i32>} : memref<544xf32, #tpu.memory_space<vmem>>, vector<16xf32>,
    %swap3A_91 = arith.constant 384 : index
    %swap3A_92 = tpu.vector_load %arg12[%swap3A_91] {strides = array<i32>} : memref<544xf32, #tpu.memory_space<vmem>>, vector<16xf32>,
    tpu.vector_store %arg12[%swap3A_91], %broadcast_in_dim3A_7 {strides = array<i32>} : memref<544xf32, #tpu.memory_space<vmem>>, vector<16xf32>,
    %swap3A_93 = arith.constant 400 : index
    %swap3A_94 = tpu.vector_load %arg12[%swap3A_93] {strides = array<i32>} : memref<544xf32, #tpu.memory_space<vmem>>, vector<16xf32>,
    tpu.vector_store %arg12[%swap3A_93], %broadcast_in_dim3A_7 {strides = array<i32>} : memref<544xf32, #tpu.memory_space<vmem>>, vector<16xf32>,
    %swap3A_95 = arith.constant 416 : index
    %swap3A_96 = tpu.vector_load %arg12[%swap3A_95] {strides = array<i32>} : memref<544xf32, #tpu.memory_space<vmem>>, vector<16xf32>,
    tpu.vector_store %arg12[%swap3A_95], %broadcast_in_dim3A_7 {strides = array<i32>} : memref<544xf32, #tpu.memory_space<vmem>>, vector<16xf32>,
    %swap3A_97 = arith.constant 432 : index
    %swap3A_98 = tpu.vector_load %arg12[%swap3A_97] {strides = array<i32>} : memref<544xf32, #tpu.memory_space<vmem>>, vector<16xf32>,
    tpu.vector_store %arg12[%swap3A_97], %broadcast_in_dim3A_7 {strides = array<i32>} : memref<544xf32, #tpu.memory_space<vmem>>, vector<16xf32>,
    %swap3A_99 = arith.constant 448 : index
    %swap3A_100 = tpu.vector_load %arg12[%swap3A_99] {strides = array<i32>} : memref<544xf32, #tpu.memory_space<vmem>>, vector<16xf32>,
    tpu.vector_store %arg12[%swap3A_99], %broadcast_in_dim3A_7 {strides = array<i32>} : memref<544xf32, #tpu.memory_space<vmem>>, vector<16xf32>,
    %swap3A_101 = arith.constant 464 : index
    %swap3A_102 = tpu.vector_load %arg12[%swap3A_101] {strides = array<i32>} : memref<544xf32, #tpu.memory_space<vmem>>, vector<16xf32>,
    tpu.vector_store %arg12[%swap3A_101], %broadcast_in_dim3A_7 {strides = array<i32>} : memref<544xf32, #tpu.memory_space<vmem>>, vector<16xf32>,
    %swap3A_103 = arith.constant 480 : index
    %swap3A_104 = tpu.vector_load %arg12[%swap3A_103] {strides = array<i32>} : memref<544xf32, #tpu.memory_space<vmem>>, vector<16xf32>,
    tpu.vector_store %arg12[%swap3A_103], %broadcast_in_dim3A_7 {strides = array<i32>} : memref<544xf32, #tpu.memory_space<vmem>>, vector<16xf32>,
    %swap3A_105 = arith.constant 496 : index
    %swap3A_106 = tpu.vector_load %arg12[%swap3A_105] {strides = array<i32>} : memref<544xf32, #tpu.memory_space<vmem>>, vector<16xf32>,
    tpu.vector_store %arg12[%swap3A_105], %broadcast_in_dim3A_7 {strides = array<i32>} : memref<544xf32, #tpu.memory_space<vmem>>, vector<16xf32>,
    %swap3A_107 = arith.constant 512 : index
    %swap3A_108 = tpu.vector_load %arg12[%swap3A_107] {strides = array<i32>} : memref<544xf32, #tpu.memory_space<vmem>>, vector<16xf32>,
    tpu.vector_store %arg12[%swap3A_107], %broadcast_in_dim3A_7 {strides = array<i32>} : memref<544xf32, #tpu.memory_space<vmem>>, vector<16xf32>,
    %swap3A_109 = arith.constant 528 : index
    %swap3A_110 = tpu.vector_load %arg12[%swap3A_109] {strides = array<i32>} : memref<544xf32, #tpu.memory_space<vmem>>, vector<16xf32>,
    tpu.vector_store %arg12[%swap3A_109], %broadcast_in_dim3A_7 {strides = array<i32>} : memref<544xf32, #tpu.memory_space<vmem>>, vector<16xf32>,
    %eq3A = arith.constant 0 : i32
    %eq3A_111 = vector.broadcast %eq3A : i32 to vector<16xi32>
    %eq3A_112 = arith.cmpi eq, %iota3A, %eq3A_111 : vector<16xi32>
    %jit3A = arith.constant 1.000000e+00 : f32
    %jit3A_113 = arith.constant -1.000000e+00 : f32
    %broadcast_in_dim3A_114 = vector.broadcast %jit3A : f32 to vector<16xf32>
    %broadcast_in_dim3A_115 = vector.broadcast %jit3A_113 : f32 to vector<16xf32>
    %select_n3A = arith.select %eq3A_112, %broadcast_in_dim3A_114, %broadcast_in_dim3A_115 : vector<16xi1>, vector<16xf32>
    %lt3A = arith.constant 5 : i32
    %lt3A_116 = vector.broadcast %lt3A : i32 to vector<16xi32>
    %lt3A_117 = arith.cmpi slt, %iota3A, %lt3A_116 : vector<16xi32>
    %jit3A_118 = arith.constant 1.000000e+00 : f32
    %jit3A_119 = arith.constant 0.000000e+00 : f32
    %broadcast_in_dim3A_120 = vector.broadcast %jit3A_118 : f32 to vector<16xf32>
    %broadcast_in_dim3A_121 = vector.broadcast %jit3A_119 : f32 to vector<16xf32>
    %select_n3A_122 = arith.select %lt3A_117, %broadcast_in_dim3A_120, %broadcast_in_dim3A_121 : vector<16xi1>, vector<16xf32>
    %dma_start3A = arith.constant 0 : i32
    %dma_start3A_123 = tpu.memref_slice %arg6[%dma_start3A] : memref<1024xi32, #tpu.memory_space<vmem>> -> memref<32xi32, #tpu.memory_space<vmem>>
    %dma_start3A_124 = arith.constant 0 : i32
    %dma_start3A_125 = arith.constant 0 : i32
    %dma_start3A_126 = tpu.memref_slice %arg4[%dma_start3A_124, %dma_start3A_125] : memref<1000000x128xf32, #tpu.memory_space<hbm>> -> memref<1000000x128xf32, #tpu.memory_space<hbm>>
    tpu.enqueue_indirect_dma source(%dma_start3A_126 : memref<1000000x128xf32, #tpu.memory_space<hbm>>) target(%arg8 : memref<32x128xf32, #tpu.memory_space<vmem>>) offsets(%dma_start3A_123 : memref<32xi32, #tpu.memory_space<vmem>>) semaphore(%arg14 : memref<!tpu.dma_semaphore, #tpu.memory_space<semaphore_mem>>)
    %dma_start3A_127 = arith.constant 0 : i32
    %dma_start3A_128 = arith.constant 0 : i32
    %dma_start3A_129 = tpu.memref_slice %arg9[%dma_start3A_127, %dma_start3A_128] : memref<320x128xf32, #tpu.memory_space<vmem>> -> memref<128x128xf32, #tpu.memory_space<vmem>>
    %dma_start3A_130 = arith.constant 0 : i32
    %dma_start3A_131 = tpu.memref_slice %arg7[%dma_start3A_130] : memref<10240xi32, #tpu.memory_space<vmem>> -> memref<128xi32, #tpu.memory_space<vmem>>
    %dma_start3A_132 = arith.constant 0 : i32
    %dma_start3A_133 = arith.constant 0 : i32
    %dma_start3A_134 = tpu.memref_slice %arg4[%dma_start3A_132, %dma_start3A_133] : memref<1000000x128xf32, #tpu.memory_space<hbm>> -> memref<1000000x128xf32, #tpu.memory_space<hbm>>
    tpu.enqueue_indirect_dma source(%dma_start3A_134 : memref<1000000x128xf32, #tpu.memory_space<hbm>>) target(%dma_start3A_129 : memref<128x128xf32, #tpu.memory_space<vmem>>) offsets(%dma_start3A_131 : memref<128xi32, #tpu.memory_space<vmem>>) semaphore(%arg14 : memref<!tpu.dma_semaphore, #tpu.memory_space<semaphore_mem>>)
    %dma_start3A_135 = arith.constant 128 : i32
    %dma_start3A_136 = arith.constant 0 : i32
    %dma_start3A_137 = tpu.memref_slice %arg9[%dma_start3A_135, %dma_start3A_136] : memref<320x128xf32, #tpu.memory_space<vmem>> -> memref<128x128xf32, #tpu.memory_space<vmem>>
    %dma_start3A_138 = arith.constant 128 : i32
    %dma_start3A_139 = tpu.memref_slice %arg7[%dma_start3A_138] : memref<10240xi32, #tpu.memory_space<vmem>> -> memref<128xi32, #tpu.memory_space<vmem>>
    %dma_start3A_140 = arith.constant 0 : i32
    %dma_start3A_141 = arith.constant 0 : i32
    %dma_start3A_142 = tpu.memref_slice %arg4[%dma_start3A_140, %dma_start3A_141] : memref<1000000x128xf32, #tpu.memory_space<hbm>> -> memref<1000000x128xf32, #tpu.memory_space<hbm>>
    tpu.enqueue_indirect_dma source(%dma_start3A_142 : memref<1000000x128xf32, #tpu.memory_space<hbm>>) target(%dma_start3A_137 : memref<128x128xf32, #tpu.memory_space<vmem>>) offsets(%dma_start3A_139 : memref<128xi32, #tpu.memory_space<vmem>>) semaphore(%arg14 : memref<!tpu.dma_semaphore, #tpu.memory_space<semaphore_mem>>)
    %dma_start3A_143 = arith.constant 256 : i32
    %dma_start3A_144 = arith.constant 0 : i32
    %dma_start3A_145 = tpu.memref_slice %arg9[%dma_start3A_143, %dma_start3A_144] : memref<320x128xf32, #tpu.memory_space<vmem>> -> memref<64x128xf32, #tpu.memory_space<vmem>>
    %dma_start3A_146 = arith.constant 256 : i32
    %dma_start3A_147 = tpu.memref_slice %arg7[%dma_start3A_146] : memref<10240xi32, #tpu.memory_space<vmem>> -> memref<64xi32, #tpu.memory_space<vmem>>
    %dma_start3A_148 = arith.constant 0 : i32
    %dma_start3A_149 = arith.constant 0 : i32
    %dma_start3A_150 = tpu.memref_slice %arg4[%dma_start3A_148, %dma_start3A_149] : memref<1000000x128xf32, #tpu.memory_space<hbm>> -> memref<1000000x128xf32, #tpu.memory_space<hbm>>
    tpu.enqueue_indirect_dma source(%dma_start3A_150 : memref<1000000x128xf32, #tpu.memory_space<hbm>>) target(%dma_start3A_145 : memref<64x128xf32, #tpu.memory_space<vmem>>) offsets(%dma_start3A_147 : memref<64xi32, #tpu.memory_space<vmem>>) semaphore(%arg14 : memref<!tpu.dma_semaphore, #tpu.memory_space<semaphore_mem>>)
    %scan3A = arith.constant 0 : i32
    %scan3A_151 = arith.constant 16 : i32
    %scan3A_152 = arith.addi %scan3A, %scan3A_151 : i32
    %scan3A_153 = arith.constant 1 : i32
    %scan3A_154 = scf.for %scan3A_191 = %scan3A to %scan3A_152 step %scan3A_153 iter_args(%scan3A_192 = %broadcast_in_dim3A_7) -> (vector<16xf32>)  : i32 {
      %mul3A_193 = arith.constant 2 : i32
      %mul3A_194 = arith.muli %mul3A_193, %scan3A_191 : i32
      %add3A_195 = arith.constant 1 : i32
      %add3A_196 = arith.addi %mul3A_194, %add3A_195 : i32
      %mul3A_197 = arith.constant 32 : i32
      %mul3A_198 = arith.muli %add3A_196, %mul3A_197 : i32
      %dma_start3A_199 = tpu.memref_slice %arg6[%mul3A_198] : memref<1024xi32, #tpu.memory_space<vmem>> -> memref<32xi32, #tpu.memory_space<vmem>>
      %dma_start3A_200 = arith.constant 0 : i32
      %dma_start3A_201 = arith.constant 0 : i32
      %dma_start3A_202 = tpu.memref_slice %arg4[%dma_start3A_200, %dma_start3A_201] : memref<1000000x128xf32, #tpu.memory_space<hbm>> -> memref<1000000x128xf32, #tpu.memory_space<hbm>>
      tpu.enqueue_indirect_dma source(%dma_start3A_202 : memref<1000000x128xf32, #tpu.memory_space<hbm>>) target(%arg10 : memref<32x128xf32, #tpu.memory_space<vmem>>) offsets(%dma_start3A_199 : memref<32xi32, #tpu.memory_space<vmem>>) semaphore(%arg15 : memref<!tpu.dma_semaphore, #tpu.memory_space<semaphore_mem>>)
      %mul3A_203 = arith.constant 320 : i32
      %mul3A_204 = arith.muli %add3A_196, %mul3A_203 : i32
      %dma_start3A_205 = arith.constant 0 : i32
      %dma_start3A_206 = arith.constant 0 : i32
      %dma_start3A_207 = tpu.memref_slice %arg11[%dma_start3A_205, %dma_start3A_206] : memref<320x128xf32, #tpu.memory_space<vmem>> -> memref<128x128xf32, #tpu.memory_space<vmem>>
      %dma_start3A_208 = tpu.memref_slice %arg7[%mul3A_204] : memref<10240xi32, #tpu.memory_space<vmem>> -> memref<128xi32, #tpu.memory_space<vmem>>
      %dma_start3A_209 = arith.constant 0 : i32
      %dma_start3A_210 = arith.constant 0 : i32
      %dma_start3A_211 = tpu.memref_slice %arg4[%dma_start3A_209, %dma_start3A_210] : memref<1000000x128xf32, #tpu.memory_space<hbm>> -> memref<1000000x128xf32, #tpu.memory_space<hbm>>
      tpu.enqueue_indirect_dma source(%dma_start3A_211 : memref<1000000x128xf32, #tpu.memory_space<hbm>>) target(%dma_start3A_207 : memref<128x128xf32, #tpu.memory_space<vmem>>) offsets(%dma_start3A_208 : memref<128xi32, #tpu.memory_space<vmem>>) semaphore(%arg15 : memref<!tpu.dma_semaphore, #tpu.memory_space<semaphore_mem>>)
      %add3A_212 = arith.constant 128 : i32
      %add3A_213 = arith.addi %mul3A_204, %add3A_212 : i32
      %dma_start3A_214 = arith.constant 128 : i32
      %dma_start3A_215 = arith.constant 0 : i32
      %dma_start3A_216 = tpu.memref_slice %arg11[%dma_start3A_214, %dma_start3A_215] : memref<320x128xf32, #tpu.memory_space<vmem>> -> memref<128x128xf32, #tpu.memory_space<vmem>>
      %dma_start3A_217 = tpu.memref_slice %arg7[%add3A_213] : memref<10240xi32, #tpu.memory_space<vmem>> -> memref<128xi32, #tpu.memory_space<vmem>>
      %dma_start3A_218 = arith.constant 0 : i32
      %dma_start3A_219 = arith.constant 0 : i32
      %dma_start3A_220 = tpu.memref_slice %arg4[%dma_start3A_218, %dma_start3A_219] : memref<1000000x128xf32, #tpu.memory_space<hbm>> -> memref<1000000x128xf32, #tpu.memory_space<hbm>>
      tpu.enqueue_indirect_dma source(%dma_start3A_220 : memref<1000000x128xf32, #tpu.memory_space<hbm>>) target(%dma_start3A_216 : memref<128x128xf32, #tpu.memory_space<vmem>>) offsets(%dma_start3A_217 : memref<128xi32, #tpu.memory_space<vmem>>) semaphore(%arg15 : memref<!tpu.dma_semaphore, #tpu.memory_space<semaphore_mem>>)
      %add3A_221 = arith.constant 256 : i32
      %add3A_222 = arith.addi %mul3A_204, %add3A_221 : i32
      %dma_start3A_223 = arith.constant 256 : i32
      %dma_start3A_224 = arith.constant 0 : i32
      %dma_start3A_225 = tpu.memref_slice %arg11[%dma_start3A_223, %dma_start3A_224] : memref<320x128xf32, #tpu.memory_space<vmem>> -> memref<64x128xf32, #tpu.memory_space<vmem>>
      %dma_start3A_226 = tpu.memref_slice %arg7[%add3A_222] : memref<10240xi32, #tpu.memory_space<vmem>> -> memref<64xi32, #tpu.memory_space<vmem>>
      %dma_start3A_227 = arith.constant 0 : i32
      %dma_start3A_228 = arith.constant 0 : i32
      %dma_start3A_229 = tpu.memref_slice %arg4[%dma_start3A_227, %dma_start3A_228] : memref<1000000x128xf32, #tpu.memory_space<hbm>> -> memref<1000000x128xf32, #tpu.memory_space<hbm>>
      tpu.enqueue_indirect_dma source(%dma_start3A_229 : memref<1000000x128xf32, #tpu.memory_space<hbm>>) target(%dma_start3A_225 : memref<64x128xf32, #tpu.memory_space<vmem>>) offsets(%dma_start3A_226 : memref<64xi32, #tpu.memory_space<vmem>>) semaphore(%arg15 : memref<!tpu.dma_semaphore, #tpu.memory_space<semaphore_mem>>)
      %dma_wait3A_230 = arith.constant 0 : i32
      %dma_wait3A_231 = tpu.memref_slice %arg6[%dma_wait3A_230] : memref<1024xi32, #tpu.memory_space<vmem>> -> memref<32xi32, #tpu.memory_space<vmem>>
      %dma_wait3A_232 = arith.constant 0 : i32
      %dma_wait3A_233 = arith.constant 0 : i32
      %dma_wait3A_234 = tpu.memref_slice %arg4[%dma_wait3A_232, %dma_wait3A_233] : memref<1000000x128xf32, #tpu.memory_space<hbm>> -> memref<1000000x128xf32, #tpu.memory_space<hbm>>
      tpu.wait_indirect_dma semaphore(%arg14 : memref<!tpu.dma_semaphore, #tpu.memory_space<semaphore_mem>>) src(%dma_wait3A_234 : memref<1000000x128xf32, #tpu.memory_space<hbm>>) dst(%arg8 : memref<32x128xf32, #tpu.memory_space<vmem>>)
      %dma_wait3A_235 = arith.constant 0 : i32
      %dma_wait3A_236 = arith.constant 0 : i32
      %dma_wait3A_237 = tpu.memref_slice %arg9[%dma_wait3A_235, %dma_wait3A_236] : memref<320x128xf32, #tpu.memory_space<vmem>> -> memref<128x128xf32, #tpu.memory_space<vmem>>
      %dma_wait3A_238 = arith.constant 0 : i32
      %dma_wait3A_239 = tpu.memref_slice %arg7[%dma_wait3A_238] : memref<10240xi32, #tpu.memory_space<vmem>> -> memref<128xi32, #tpu.memory_space<vmem>>
      %dma_wait3A_240 = arith.constant 0 : i32
      %dma_wait3A_241 = arith.constant 0 : i32
      %dma_wait3A_242 = tpu.memref_slice %arg4[%dma_wait3A_240, %dma_wait3A_241] : memref<1000000x128xf32, #tpu.memory_space<hbm>> -> memref<1000000x128xf32, #tpu.memory_space<hbm>>
      tpu.wait_indirect_dma semaphore(%arg14 : memref<!tpu.dma_semaphore, #tpu.memory_space<semaphore_mem>>) src(%dma_wait3A_242 : memref<1000000x128xf32, #tpu.memory_space<hbm>>) dst(%dma_wait3A_237 : memref<128x128xf32, #tpu.memory_space<vmem>>)
      %dma_wait3A_243 = arith.constant 128 : i32
      %dma_wait3A_244 = arith.constant 0 : i32
      %dma_wait3A_245 = tpu.memref_slice %arg9[%dma_wait3A_243, %dma_wait3A_244] : memref<320x128xf32, #tpu.memory_space<vmem>> -> memref<128x128xf32, #tpu.memory_space<vmem>>
      %dma_wait3A_246 = arith.constant 128 : i32
      %dma_wait3A_247 = tpu.memref_slice %arg7[%dma_wait3A_246] : memref<10240xi32, #tpu.memory_space<vmem>> -> memref<128xi32, #tpu.memory_space<vmem>>
      %dma_wait3A_248 = arith.constant 0 : i32
      %dma_wait3A_249 = arith.constant 0 : i32
      %dma_wait3A_250 = tpu.memref_slice %arg4[%dma_wait3A_248, %dma_wait3A_249] : memref<1000000x128xf32, #tpu.memory_space<hbm>> -> memref<1000000x128xf32, #tpu.memory_space<hbm>>
      tpu.wait_indirect_dma semaphore(%arg14 : memref<!tpu.dma_semaphore, #tpu.memory_space<semaphore_mem>>) src(%dma_wait3A_250 : memref<1000000x128xf32, #tpu.memory_space<hbm>>) dst(%dma_wait3A_245 : memref<128x128xf32, #tpu.memory_space<vmem>>)
      %dma_wait3A_251 = arith.constant 256 : i32
      %dma_wait3A_252 = arith.constant 0 : i32
      %dma_wait3A_253 = tpu.memref_slice %arg9[%dma_wait3A_251, %dma_wait3A_252] : memref<320x128xf32, #tpu.memory_space<vmem>> -> memref<64x128xf32, #tpu.memory_space<vmem>>
      %dma_wait3A_254 = arith.constant 256 : i32
      %dma_wait3A_255 = tpu.memref_slice %arg7[%dma_wait3A_254] : memref<10240xi32, #tpu.memory_space<vmem>> -> memref<64xi32, #tpu.memory_space<vmem>>
      %dma_wait3A_256 = arith.constant 0 : i32
      %dma_wait3A_257 = arith.constant 0 : i32
      %dma_wait3A_258 = tpu.memref_slice %arg4[%dma_wait3A_256, %dma_wait3A_257] : memref<1000000x128xf32, #tpu.memory_space<hbm>> -> memref<1000000x128xf32, #tpu.memory_space<hbm>>
      tpu.wait_indirect_dma semaphore(%arg14 : memref<!tpu.dma_semaphore, #tpu.memory_space<semaphore_mem>>) src(%dma_wait3A_258 : memref<1000000x128xf32, #tpu.memory_space<hbm>>) dst(%dma_wait3A_253 : memref<64x128xf32, #tpu.memory_space<vmem>>)
      %scan3A_259 = arith.constant 0 : i32
      %scan3A_260 = arith.constant 16 : i32
      %scan3A_261 = arith.addi %scan3A_259, %scan3A_260 : i32
      %scan3A_262 = arith.constant 1 : i32
      %scan3A_263 = scf.for %scan3A_341 = %scan3A_259 to %scan3A_261 step %scan3A_262 iter_args(%scan3A_342 = %scan3A_192) -> (vector<16xf32>)  : i32 {
        %broadcast_in_dim3A_343 = vector.broadcast %scan3A_341 : i32 to vector<16xi32>
        %gather3A = tpu.vector_load_idx %arg8[%broadcast_in_dim3A_343, %add3A_10] : memref<32x128xf32, #tpu.memory_space<vmem>>[vector<16xi32>, vector<16xi32>], vector<16xf32>,
        %gather3A_344 = tpu.vector_load_idx %arg8[%broadcast_in_dim3A_343, %add3A_13] : memref<32x128xf32, #tpu.memory_space<vmem>>[vector<16xi32>, vector<16xi32>], vector<16xf32>,
        %gather3A_345 = tpu.vector_load_idx %arg8[%broadcast_in_dim3A_343, %add3A_16] : memref<32x128xf32, #tpu.memory_space<vmem>>[vector<16xi32>, vector<16xi32>], vector<16xf32>,
        %gather3A_346 = tpu.vector_load_idx %arg8[%broadcast_in_dim3A_343, %add3A_19] : memref<32x128xf32, #tpu.memory_space<vmem>>[vector<16xi32>, vector<16xi32>], vector<16xf32>,
        %add3A_347 = arith.constant 16 : i32
        %add3A_348 = vector.broadcast %add3A_347 : i32 to vector<16xi32>
        %add3A_349 = arith.addi %broadcast_in_dim3A_343, %add3A_348 : vector<16xi32>
        %gather3A_350 = tpu.vector_load_idx %arg8[%add3A_349, %add3A_25] : memref<32x128xf32, #tpu.memory_space<vmem>>[vector<16xi32>, vector<16xi32>], vector<16xf32>,
        %mul3A_351 = arith.mulf %gather3A, %gather3A_350 : vector<16xf32>
        %gather3A_352 = tpu.vector_load_idx %arg8[%add3A_349, %add3A_31] : memref<32x128xf32, #tpu.memory_space<vmem>>[vector<16xi32>, vector<16xi32>], vector<16xf32>,
        %mul3A_353 = arith.mulf %gather3A_344, %gather3A_352 : vector<16xf32>
        %add3A_354 = arith.addf %mul3A_351, %mul3A_353 : vector<16xf32>
        %gather3A_355 = tpu.vector_load_idx %arg8[%add3A_349, %add3A_37] : memref<32x128xf32, #tpu.memory_space<vmem>>[vector<16xi32>, vector<16xi32>], vector<16xf32>,
        %mul3A_356 = arith.mulf %gather3A_345, %gather3A_355 : vector<16xf32>
        %add3A_357 = arith.addf %add3A_354, %mul3A_356 : vector<16xf32>
        %gather3A_358 = tpu.vector_load_idx %arg8[%add3A_349, %add3A_43] : memref<32x128xf32, #tpu.memory_space<vmem>>[vector<16xi32>, vector<16xi32>], vector<16xf32>,
        %mul3A_359 = arith.mulf %gather3A_346, %gather3A_358 : vector<16xf32>
        %add3A_360 = arith.addf %add3A_357, %mul3A_359 : vector<16xf32>
        %add3A_361 = arith.constant 0 : i32
        %add3A_362 = vector.broadcast %add3A_361 : i32 to vector<16xi32>
        %add3A_363 = arith.addi %iota3A, %add3A_362 : vector<16xi32>
        tpu.vector_store_idx %arg12[%add3A_363], %add3A_360 : memref<544xf32, #tpu.memory_space<vmem>>[vector<16xi32>], vector<16xf32>,
        %mul3A_364 = arith.constant 20 : i32
        %mul3A_365 = arith.muli %scan3A_341, %mul3A_364 : i32
        %add3A_366 = arith.constant 0 : i32
        %add3A_367 = arith.addi %mul3A_365, %add3A_366 : i32
        %broadcast_in_dim3A_368 = vector.broadcast %add3A_367 : i32 to vector<16xi32>
        %gather3A_369 = tpu.vector_load_idx %arg9[%broadcast_in_dim3A_368, %add3A_25] : memref<320x128xf32, #tpu.memory_space<vmem>>[vector<16xi32>, vector<16xi32>], vector<16xf32>,
        %mul3A_370 = arith.mulf %gather3A, %gather3A_369 : vector<16xf32>
        %gather3A_371 = tpu.vector_load_idx %arg9[%broadcast_in_dim3A_368, %add3A_31] : memref<320x128xf32, #tpu.memory_space<vmem>>[vector<16xi32>, vector<16xi32>], vector<16xf32>,
        %mul3A_372 = arith.mulf %gather3A_344, %gather3A_371 : vector<16xf32>
        %add3A_373 = arith.addf %mul3A_370, %mul3A_372 : vector<16xf32>
        %gather3A_374 = tpu.vector_load_idx %arg9[%broadcast_in_dim3A_368, %add3A_37] : memref<320x128xf32, #tpu.memory_space<vmem>>[vector<16xi32>, vector<16xi32>], vector<16xf32>,
        %mul3A_375 = arith.mulf %gather3A_345, %gather3A_374 : vector<16xf32>
        %add3A_376 = arith.addf %add3A_373, %mul3A_375 : vector<16xf32>
        %gather3A_377 = tpu.vector_load_idx %arg9[%broadcast_in_dim3A_368, %add3A_43] : memref<320x128xf32, #tpu.memory_space<vmem>>[vector<16xi32>, vector<16xi32>], vector<16xf32>,
        %mul3A_378 = arith.mulf %gather3A_346, %gather3A_377 : vector<16xf32>
        %add3A_379 = arith.addf %add3A_376, %mul3A_378 : vector<16xf32>
        %add3A_380 = arith.constant 17 : i32
        %add3A_381 = vector.broadcast %add3A_380 : i32 to vector<16xi32>
        %add3A_382 = arith.addi %iota3A, %add3A_381 : vector<16xi32>
        tpu.vector_store_idx %arg12[%add3A_382], %add3A_379 : memref<544xf32, #tpu.memory_space<vmem>>[vector<16xi32>], vector<16xf32>,
        %mul3A_383 = arith.constant 20 : i32
        %mul3A_384 = arith.muli %scan3A_341, %mul3A_383 : i32
        %add3A_385 = arith.constant 1 : i32
        %add3A_386 = arith.addi %mul3A_384, %add3A_385 : i32
        %broadcast_in_dim3A_387 = vector.broadcast %add3A_386 : i32 to vector<16xi32>
        %gather3A_388 = tpu.vector_load_idx %arg9[%broadcast_in_dim3A_387, %add3A_25] : memref<320x128xf32, #tpu.memory_space<vmem>>[vector<16xi32>, vector<16xi32>], vector<16xf32>,
        %mul3A_389 = arith.mulf %gather3A, %gather3A_388 : vector<16xf32>
        %gather3A_390 = tpu.vector_load_idx %arg9[%broadcast_in_dim3A_387, %add3A_31] : memref<320x128xf32, #tpu.memory_space<vmem>>[vector<16xi32>, vector<16xi32>], vector<16xf32>,
        %mul3A_391 = arith.mulf %gather3A_344, %gather3A_390 : vector<16xf32>
        %add3A_392 = arith.addf %mul3A_389, %mul3A_391 : vector<16xf32>
        %gather3A_393 = tpu.vector_load_idx %arg9[%broadcast_in_dim3A_387, %add3A_37] : memref<320x128xf32, #tpu.memory_space<vmem>>[vector<16xi32>, vector<16xi32>], vector<16xf32>,
        %mul3A_394 = arith.mulf %gather3A_345, %gather3A_393 : vector<16xf32>
        %add3A_395 = arith.addf %add3A_392, %mul3A_394 : vector<16xf32>
        %gather3A_396 = tpu.vector_load_idx %arg9[%broadcast_in_dim3A_387, %add3A_43] : memref<320x128xf32, #tpu.memory_space<vmem>>[vector<16xi32>, vector<16xi32>], vector<16xf32>,
        %mul3A_397 = arith.mulf %gather3A_346, %gather3A_396 : vector<16xf32>
        %add3A_398 = arith.addf %add3A_395, %mul3A_397 : vector<16xf32>
        %add3A_399 = arith.constant 34 : i32
        %add3A_400 = vector.broadcast %add3A_399 : i32 to vector<16xi32>
        %add3A_401 = arith.addi %iota3A, %add3A_400 : vector<16xi32>
        tpu.vector_store_idx %arg12[%add3A_401], %add3A_398 : memref<544xf32, #tpu.memory_space<vmem>>[vector<16xi32>], vector<16xf32>,
        %mul3A_402 = arith.constant 20 : i32
        %mul3A_403 = arith.muli %scan3A_341, %mul3A_402 : i32
        %add3A_404 = arith.constant 2 : i32
        %add3A_405 = arith.addi %mul3A_403, %add3A_404 : i32
        %broadcast_in_dim3A_406 = vector.broadcast %add3A_405 : i32 to vector<16xi32>
        %gather3A_407 = tpu.vector_load_idx %arg9[%broadcast_in_dim3A_406, %add3A_25] : memref<320x128xf32, #tpu.memory_space<vmem>>[vector<16xi32>, vector<16xi32>], vector<16xf32>,
        %mul3A_408 = arith.mulf %gather3A, %gather3A_407 : vector<16xf32>
        %gather3A_409 = tpu.vector_load_idx %arg9[%broadcast_in_dim3A_406, %add3A_31] : memref<320x128xf32, #tpu.memory_space<vmem>>[vector<16xi32>, vector<16xi32>], vector<16xf32>,
        %mul3A_410 = arith.mulf %gather3A_344, %gather3A_409 : vector<16xf32>
        %add3A_411 = arith.addf %mul3A_408, %mul3A_410 : vector<16xf32>
        %gather3A_412 = tpu.vector_load_idx %arg9[%broadcast_in_dim3A_406, %add3A_37] : memref<320x128xf32, #tpu.memory_space<vmem>>[vector<16xi32>, vector<16xi32>], vector<16xf32>,
        %mul3A_413 = arith.mulf %gather3A_345, %gather3A_412 : vector<16xf32>
        %add3A_414 = arith.addf %add3A_411, %mul3A_413 : vector<16xf32>
        %gather3A_415 = tpu.vector_load_idx %arg9[%broadcast_in_dim3A_406, %add3A_43] : memref<320x128xf32, #tpu.memory_space<vmem>>[vector<16xi32>, vector<16xi32>], vector<16xf32>,
        %mul3A_416 = arith.mulf %gather3A_346, %gather3A_415 : vector<16xf32>
        %add3A_417 = arith.addf %add3A_414, %mul3A_416 : vector<16xf32>
        %add3A_418 = arith.constant 51 : i32
        %add3A_419 = vector.broadcast %add3A_418 : i32 to vector<16xi32>
        %add3A_420 = arith.addi %iota3A, %add3A_419 : vector<16xi32>
        tpu.vector_store_idx %arg12[%add3A_420], %add3A_417 : memref<544xf32, #tpu.memory_space<vmem>>[vector<16xi32>], vector<16xf32>,
        %mul3A_421 = arith.constant 20 : i32
        %mul3A_422 = arith.muli %scan3A_341, %mul3A_421 : i32
        %add3A_423 = arith.constant 3 : i32
        %add3A_424 = arith.addi %mul3A_422, %add3A_423 : i32
        %broadcast_in_dim3A_425 = vector.broadcast %add3A_424 : i32 to vector<16xi32>
        %gather3A_426 = tpu.vector_load_idx %arg9[%broadcast_in_dim3A_425, %add3A_25] : memref<320x128xf32, #tpu.memory_space<vmem>>[vector<16xi32>, vector<16xi32>], vector<16xf32>,
        %mul3A_427 = arith.mulf %gather3A, %gather3A_426 : vector<16xf32>
        %gather3A_428 = tpu.vector_load_idx %arg9[%broadcast_in_dim3A_425, %add3A_31] : memref<320x128xf32, #tpu.memory_space<vmem>>[vector<16xi32>, vector<16xi32>], vector<16xf32>,
        %mul3A_429 = arith.mulf %gather3A_344, %gather3A_428 : vector<16xf32>
        %add3A_430 = arith.addf %mul3A_427, %mul3A_429 : vector<16xf32>
        %gather3A_431 = tpu.vector_load_idx %arg9[%broadcast_in_dim3A_425, %add3A_37] : memref<320x128xf32, #tpu.memory_space<vmem>>[vector<16xi32>, vector<16xi32>], vector<16xf32>,
        %mul3A_432 = arith.mulf %gather3A_345, %gather3A_431 : vector<16xf32>
        %add3A_433 = arith.addf %add3A_430, %mul3A_432 : vector<16xf32>
        %gather3A_434 = tpu.vector_load_idx %arg9[%broadcast_in_dim3A_425, %add3A_43] : memref<320x128xf32, #tpu.memory_space<vmem>>[vector<16xi32>, vector<16xi32>], vector<16xf32>,
        %mul3A_435 = arith.mulf %gather3A_346, %gather3A_434 : vector<16xf32>
        %add3A_436 = arith.addf %add3A_433, %mul3A_435 : vector<16xf32>
        %add3A_437 = arith.constant 68 : i32
        %add3A_438 = vector.broadcast %add3A_437 : i32 to vector<16xi32>
        %add3A_439 = arith.addi %iota3A, %add3A_438 : vector<16xi32>
        tpu.vector_store_idx %arg12[%add3A_439], %add3A_436 : memref<544xf32, #tpu.memory_space<vmem>>[vector<16xi32>], vector<16xf32>,
        %mul3A_440 = arith.constant 20 : i32
        %mul3A_441 = arith.muli %scan3A_341, %mul3A_440 : i32
        %add3A_442 = arith.constant 4 : i32
        %add3A_443 = arith.addi %mul3A_441, %add3A_442 : i32
        %broadcast_in_dim3A_444 = vector.broadcast %add3A_443 : i32 to vector<16xi32>
        %gather3A_445 = tpu.vector_load_idx %arg9[%broadcast_in_dim3A_444, %add3A_25] : memref<320x128xf32, #tpu.memory_space<vmem>>[vector<16xi32>, vector<16xi32>], vector<16xf32>,
        %mul3A_446 = arith.mulf %gather3A, %gather3A_445 : vector<16xf32>
        %gather3A_447 = tpu.vector_load_idx %arg9[%broadcast_in_dim3A_444, %add3A_31] : memref<320x128xf32, #tpu.memory_space<vmem>>[vector<16xi32>, vector<16xi32>], vector<16xf32>,
        %mul3A_448 = arith.mulf %gather3A_344, %gather3A_447 : vector<16xf32>
        %add3A_449 = arith.addf %mul3A_446, %mul3A_448 : vector<16xf32>
        %gather3A_450 = tpu.vector_load_idx %arg9[%broadcast_in_dim3A_444, %add3A_37] : memref<320x128xf32, #tpu.memory_space<vmem>>[vector<16xi32>, vector<16xi32>], vector<16xf32>,
        %mul3A_451 = arith.mulf %gather3A_345, %gather3A_450 : vector<16xf32>
        %add3A_452 = arith.addf %add3A_449, %mul3A_451 : vector<16xf32>
        %gather3A_453 = tpu.vector_load_idx %arg9[%broadcast_in_dim3A_444, %add3A_43] : memref<320x128xf32, #tpu.memory_space<vmem>>[vector<16xi32>, vector<16xi32>], vector<16xf32>,
        %mul3A_454 = arith.mulf %gather3A_346, %gather3A_453 : vector<16xf32>
        %add3A_455 = arith.addf %add3A_452, %mul3A_454 : vector<16xf32>
        %add3A_456 = arith.constant 85 : i32
        %add3A_457 = vector.broadcast %add3A_456 : i32 to vector<16xi32>
        %add3A_458 = arith.addi %iota3A, %add3A_457 : vector<16xi32>
        tpu.vector_store_idx %arg12[%add3A_458], %add3A_455 : memref<544xf32, #tpu.memory_space<vmem>>[vector<16xi32>], vector<16xf32>,
        %mul3A_459 = arith.constant 20 : i32
        %mul3A_460 = arith.muli %scan3A_341, %mul3A_459 : i32
        %add3A_461 = arith.constant 5 : i32
        %add3A_462 = arith.addi %mul3A_460, %add3A_461 : i32
        %broadcast_in_dim3A_463 = vector.broadcast %add3A_462 : i32 to vector<16xi32>
        %gather3A_464 = tpu.vector_load_idx %arg9[%broadcast_in_dim3A_463, %add3A_25] : memref<320x128xf32, #tpu.memory_space<vmem>>[vector<16xi32>, vector<16xi32>], vector<16xf32>,
        %mul3A_465 = arith.mulf %gather3A, %gather3A_464 : vector<16xf32>
        %gather3A_466 = tpu.vector_load_idx %arg9[%broadcast_in_dim3A_463, %add3A_31] : memref<320x128xf32, #tpu.memory_space<vmem>>[vector<16xi32>, vector<16xi32>], vector<16xf32>,
        %mul3A_467 = arith.mulf %gather3A_344, %gather3A_466 : vector<16xf32>
        %add3A_468 = arith.addf %mul3A_465, %mul3A_467 : vector<16xf32>
        %gather3A_469 = tpu.vector_load_idx %arg9[%broadcast_in_dim3A_463, %add3A_37] : memref<320x128xf32, #tpu.memory_space<vmem>>[vector<16xi32>, vector<16xi32>], vector<16xf32>,
        %mul3A_470 = arith.mulf %gather3A_345, %gather3A_469 : vector<16xf32>
        %add3A_471 = arith.addf %add3A_468, %mul3A_470 : vector<16xf32>
        %gather3A_472 = tpu.vector_load_idx %arg9[%broadcast_in_dim3A_463, %add3A_43] : memref<320x128xf32, #tpu.memory_space<vmem>>[vector<16xi32>, vector<16xi32>], vector<16xf32>,
        %mul3A_473 = arith.mulf %gather3A_346, %gather3A_472 : vector<16xf32>
        %add3A_474 = arith.addf %add3A_471, %mul3A_473 : vector<16xf32>
        %add3A_475 = arith.constant 102 : i32
        %add3A_476 = vector.broadcast %add3A_475 : i32 to vector<16xi32>
        %add3A_477 = arith.addi %iota3A, %add3A_476 : vector<16xi32>
        tpu.vector_store_idx %arg12[%add3A_477], %add3A_474 : memref<544xf32, #tpu.memory_space<vmem>>[vector<16xi32>], vector<16xf32>,
        %mul3A_478 = arith.constant 20 : i32
        %mul3A_479 = arith.muli %scan3A_341, %mul3A_478 : i32
        %add3A_480 = arith.constant 6 : i32
        %add3A_481 = arith.addi %mul3A_479, %add3A_480 : i32
        %broadcast_in_dim3A_482 = vector.broadcast %add3A_481 : i32 to vector<16xi32>
        %gather3A_483 = tpu.vector_load_idx %arg9[%broadcast_in_dim3A_482, %add3A_25] : memref<320x128xf32, #tpu.memory_space<vmem>>[vector<16xi32>, vector<16xi32>], vector<16xf32>,
        %mul3A_484 = arith.mulf %gather3A, %gather3A_483 : vector<16xf32>
        %gather3A_485 = tpu.vector_load_idx %arg9[%broadcast_in_dim3A_482, %add3A_31] : memref<320x128xf32, #tpu.memory_space<vmem>>[vector<16xi32>, vector<16xi32>], vector<16xf32>,
        %mul3A_486 = arith.mulf %gather3A_344, %gather3A_485 : vector<16xf32>
        %add3A_487 = arith.addf %mul3A_484, %mul3A_486 : vector<16xf32>
        %gather3A_488 = tpu.vector_load_idx %arg9[%broadcast_in_dim3A_482, %add3A_37] : memref<320x128xf32, #tpu.memory_space<vmem>>[vector<16xi32>, vector<16xi32>], vector<16xf32>,
        %mul3A_489 = arith.mulf %gather3A_345, %gather3A_488 : vector<16xf32>
        %add3A_490 = arith.addf %add3A_487, %mul3A_489 : vector<16xf32>
        %gather3A_491 = tpu.vector_load_idx %arg9[%broadcast_in_dim3A_482, %add3A_43] : memref<320x128xf32, #tpu.memory_space<vmem>>[vector<16xi32>, vector<16xi32>], vector<16xf32>,
        %mul3A_492 = arith.mulf %gather3A_346, %gather3A_491 : vector<16xf32>
        %add3A_493 = arith.addf %add3A_490, %mul3A_492 : vector<16xf32>
        %add3A_494 = arith.constant 119 : i32
        %add3A_495 = vector.broadcast %add3A_494 : i32 to vector<16xi32>
        %add3A_496 = arith.addi %iota3A, %add3A_495 : vector<16xi32>
        tpu.vector_store_idx %arg12[%add3A_496], %add3A_493 : memref<544xf32, #tpu.memory_space<vmem>>[vector<16xi32>], vector<16xf32>,
        %mul3A_497 = arith.constant 20 : i32
        %mul3A_498 = arith.muli %scan3A_341, %mul3A_497 : i32
        %add3A_499 = arith.constant 7 : i32
        %add3A_500 = arith.addi %mul3A_498, %add3A_499 : i32
        %broadcast_in_dim3A_501 = vector.broadcast %add3A_500 : i32 to vector<16xi32>
        %gather3A_502 = tpu.vector_load_idx %arg9[%broadcast_in_dim3A_501, %add3A_25] : memref<320x128xf32, #tpu.memory_space<vmem>>[vector<16xi32>, vector<16xi32>], vector<16xf32>,
        %mul3A_503 = arith.mulf %gather3A, %gather3A_502 : vector<16xf32>
        %gather3A_504 = tpu.vector_load_idx %arg9[%broadcast_in_dim3A_501, %add3A_31] : memref<320x128xf32, #tpu.memory_space<vmem>>[vector<16xi32>, vector<16xi32>], vector<16xf32>,
        %mul3A_505 = arith.mulf %gather3A_344, %gather3A_504 : vector<16xf32>
        %add3A_506 = arith.addf %mul3A_503, %mul3A_505 : vector<16xf32>
        %gather3A_507 = tpu.vector_load_idx %arg9[%broadcast_in_dim3A_501, %add3A_37] : memref<320x128xf32, #tpu.memory_space<vmem>>[vector<16xi32>, vector<16xi32>], vector<16xf32>,
        %mul3A_508 = arith.mulf %gather3A_345, %gather3A_507 : vector<16xf32>
        %add3A_509 = arith.addf %add3A_506, %mul3A_508 : vector<16xf32>
        %gather3A_510 = tpu.vector_load_idx %arg9[%broadcast_in_dim3A_501, %add3A_43] : memref<320x128xf32, #tpu.memory_space<vmem>>[vector<16xi32>, vector<16xi32>], vector<16xf32>,
        %mul3A_511 = arith.mulf %gather3A_346, %gather3A_510 : vector<16xf32>
        %add3A_512 = arith.addf %add3A_509, %mul3A_511 : vector<16xf32>
        %add3A_513 = arith.constant 136 : i32
        %add3A_514 = vector.broadcast %add3A_513 : i32 to vector<16xi32>
        %add3A_515 = arith.addi %iota3A, %add3A_514 : vector<16xi32>
        tpu.vector_store_idx %arg12[%add3A_515], %add3A_512 : memref<544xf32, #tpu.memory_space<vmem>>[vector<16xi32>], vector<16xf32>,
        %mul3A_516 = arith.constant 20 : i32
        %mul3A_517 = arith.muli %scan3A_341, %mul3A_516 : i32
        %add3A_518 = arith.constant 8 : i32
        %add3A_519 = arith.addi %mul3A_517, %add3A_518 : i32
        %broadcast_in_dim3A_520 = vector.broadcast %add3A_519 : i32 to vector<16xi32>
        %gather3A_521 = tpu.vector_load_idx %arg9[%broadcast_in_dim3A_520, %add3A_25] : memref<320x128xf32, #tpu.memory_space<vmem>>[vector<16xi32>, vector<16xi32>], vector<16xf32>,
        %mul3A_522 = arith.mulf %gather3A, %gather3A_521 : vector<16xf32>
        %gather3A_523 = tpu.vector_load_idx %arg9[%broadcast_in_dim3A_520, %add3A_31] : memref<320x128xf32, #tpu.memory_space<vmem>>[vector<16xi32>, vector<16xi32>], vector<16xf32>,
        %mul3A_524 = arith.mulf %gather3A_344, %gather3A_523 : vector<16xf32>
        %add3A_525 = arith.addf %mul3A_522, %mul3A_524 : vector<16xf32>
        %gather3A_526 = tpu.vector_load_idx %arg9[%broadcast_in_dim3A_520, %add3A_37] : memref<320x128xf32, #tpu.memory_space<vmem>>[vector<16xi32>, vector<16xi32>], vector<16xf32>,
        %mul3A_527 = arith.mulf %gather3A_345, %gather3A_526 : vector<16xf32>
        %add3A_528 = arith.addf %add3A_525, %mul3A_527 : vector<16xf32>
        %gather3A_529 = tpu.vector_load_idx %arg9[%broadcast_in_dim3A_520, %add3A_43] : memref<320x128xf32, #tpu.memory_space<vmem>>[vector<16xi32>, vector<16xi32>], vector<16xf32>,
        %mul3A_530 = arith.mulf %gather3A_346, %gather3A_529 : vector<16xf32>
        %add3A_531 = arith.addf %add3A_528, %mul3A_530 : vector<16xf32>
        %add3A_532 = arith.constant 153 : i32
        %add3A_533 = vector.broadcast %add3A_532 : i32 to vector<16xi32>
        %add3A_534 = arith.addi %iota3A, %add3A_533 : vector<16xi32>
        tpu.vector_store_idx %arg12[%add3A_534], %add3A_531 : memref<544xf32, #tpu.memory_space<vmem>>[vector<16xi32>], vector<16xf32>,
        %mul3A_535 = arith.constant 20 : i32
        %mul3A_536 = arith.muli %scan3A_341, %mul3A_535 : i32
        %add3A_537 = arith.constant 9 : i32
        %add3A_538 = arith.addi %mul3A_536, %add3A_537 : i32
        %broadcast_in_dim3A_539 = vector.broadcast %add3A_538 : i32 to vector<16xi32>
        %gather3A_540 = tpu.vector_load_idx %arg9[%broadcast_in_dim3A_539, %add3A_25] : memref<320x128xf32, #tpu.memory_space<vmem>>[vector<16xi32>, vector<16xi32>], vector<16xf32>,
        %mul3A_541 = arith.mulf %gather3A, %gather3A_540 : vector<16xf32>
        %gather3A_542 = tpu.vector_load_idx %arg9[%broadcast_in_dim3A_539, %add3A_31] : memref<320x128xf32, #tpu.memory_space<vmem>>[vector<16xi32>, vector<16xi32>], vector<16xf32>,
        %mul3A_543 = arith.mulf %gather3A_344, %gather3A_542 : vector<16xf32>
        %add3A_544 = arith.addf %mul3A_541, %mul3A_543 : vector<16xf32>
        %gather3A_545 = tpu.vector_load_idx %arg9[%broadcast_in_dim3A_539, %add3A_37] : memref<320x128xf32, #tpu.memory_space<vmem>>[vector<16xi32>, vector<16xi32>], vector<16xf32>,
        %mul3A_546 = arith.mulf %gather3A_345, %gather3A_545 : vector<16xf32>
        %add3A_547 = arith.addf %add3A_544, %mul3A_546 : vector<16xf32>
        %gather3A_548 = tpu.vector_load_idx %arg9[%broadcast_in_dim3A_539, %add3A_43] : memref<320x128xf32, #tpu.memory_space<vmem>>[vector<16xi32>, vector<16xi32>], vector<16xf32>,
        %mul3A_549 = arith.mulf %gather3A_346, %gather3A_548 : vector<16xf32>
        %add3A_550 = arith.addf %add3A_547, %mul3A_549 : vector<16xf32>
        %add3A_551 = arith.constant 170 : i32
        %add3A_552 = vector.broadcast %add3A_551 : i32 to vector<16xi32>
        %add3A_553 = arith.addi %iota3A, %add3A_552 : vector<16xi32>
        tpu.vector_store_idx %arg12[%add3A_553], %add3A_550 : memref<544xf32, #tpu.memory_space<vmem>>[vector<16xi32>], vector<16xf32>,
        %mul3A_554 = arith.constant 20 : i32
        %mul3A_555 = arith.muli %scan3A_341, %mul3A_554 : i32
        %add3A_556 = arith.constant 10 : i32
        %add3A_557 = arith.addi %mul3A_555, %add3A_556 : i32
        %broadcast_in_dim3A_558 = vector.broadcast %add3A_557 : i32 to vector<16xi32>
        %gather3A_559 = tpu.vector_load_idx %arg9[%broadcast_in_dim3A_558, %add3A_25] : memref<320x128xf32, #tpu.memory_space<vmem>>[vector<16xi32>, vector<16xi32>], vector<16xf32>,
        %mul3A_560 = arith.mulf %gather3A, %gather3A_559 : vector<16xf32>
        %gather3A_561 = tpu.vector_load_idx %arg9[%broadcast_in_dim3A_558, %add3A_31] : memref<320x128xf32, #tpu.memory_space<vmem>>[vector<16xi32>, vector<16xi32>], vector<16xf32>,
        %mul3A_562 = arith.mulf %gather3A_344, %gather3A_561 : vector<16xf32>
        %add3A_563 = arith.addf %mul3A_560, %mul3A_562 : vector<16xf32>
        %gather3A_564 = tpu.vector_load_idx %arg9[%broadcast_in_dim3A_558, %add3A_37] : memref<320x128xf32, #tpu.memory_space<vmem>>[vector<16xi32>, vector<16xi32>], vector<16xf32>,
        %mul3A_565 = arith.mulf %gather3A_345, %gather3A_564 : vector<16xf32>
        %add3A_566 = arith.addf %add3A_563, %mul3A_565 : vector<16xf32>
        %gather3A_567 = tpu.vector_load_idx %arg9[%broadcast_in_dim3A_558, %add3A_43] : memref<320x128xf32, #tpu.memory_space<vmem>>[vector<16xi32>, vector<16xi32>], vector<16xf32>,
        %mul3A_568 = arith.mulf %gather3A_346, %gather3A_567 : vector<16xf32>
        %add3A_569 = arith.addf %add3A_566, %mul3A_568 : vector<16xf32>
        %add3A_570 = arith.constant 187 : i32
        %add3A_571 = vector.broadcast %add3A_570 : i32 to vector<16xi32>
        %add3A_572 = arith.addi %iota3A, %add3A_571 : vector<16xi32>
        tpu.vector_store_idx %arg12[%add3A_572], %add3A_569 : memref<544xf32, #tpu.memory_space<vmem>>[vector<16xi32>], vector<16xf32>,
        %mul3A_573 = arith.constant 20 : i32
        %mul3A_574 = arith.muli %scan3A_341, %mul3A_573 : i32
        %add3A_575 = arith.constant 11 : i32
        %add3A_576 = arith.addi %mul3A_574, %add3A_575 : i32
        %broadcast_in_dim3A_577 = vector.broadcast %add3A_576 : i32 to vector<16xi32>
        %gather3A_578 = tpu.vector_load_idx %arg9[%broadcast_in_dim3A_577, %add3A_25] : memref<320x128xf32, #tpu.memory_space<vmem>>[vector<16xi32>, vector<16xi32>], vector<16xf32>,
        %mul3A_579 = arith.mulf %gather3A, %gather3A_578 : vector<16xf32>
        %gather3A_580 = tpu.vector_load_idx %arg9[%broadcast_in_dim3A_577, %add3A_31] : memref<320x128xf32, #tpu.memory_space<vmem>>[vector<16xi32>, vector<16xi32>], vector<16xf32>,
        %mul3A_581 = arith.mulf %gather3A_344, %gather3A_580 : vector<16xf32>
        %add3A_582 = arith.addf %mul3A_579, %mul3A_581 : vector<16xf32>
        %gather3A_583 = tpu.vector_load_idx %arg9[%broadcast_in_dim3A_577, %add3A_37] : memref<320x128xf32, #tpu.memory_space<vmem>>[vector<16xi32>, vector<16xi32>], vector<16xf32>,
        %mul3A_584 = arith.mulf %gather3A_345, %gather3A_583 : vector<16xf32>
        %add3A_585 = arith.addf %add3A_582, %mul3A_584 : vector<16xf32>
        %gather3A_586 = tpu.vector_load_idx %arg9[%broadcast_in_dim3A_577, %add3A_43] : memref<320x128xf32, #tpu.memory_space<vmem>>[vector<16xi32>, vector<16xi32>], vector<16xf32>,
        %mul3A_587 = arith.mulf %gather3A_346, %gather3A_586 : vector<16xf32>
        %add3A_588 = arith.addf %add3A_585, %mul3A_587 : vector<16xf32>
        %add3A_589 = arith.constant 204 : i32
        %add3A_590 = vector.broadcast %add3A_589 : i32 to vector<16xi32>
        %add3A_591 = arith.addi %iota3A, %add3A_590 : vector<16xi32>
        tpu.vector_store_idx %arg12[%add3A_591], %add3A_588 : memref<544xf32, #tpu.memory_space<vmem>>[vector<16xi32>], vector<16xf32>,
        %mul3A_592 = arith.constant 20 : i32
        %mul3A_593 = arith.muli %scan3A_341, %mul3A_592 : i32
        %add3A_594 = arith.constant 12 : i32
        %add3A_595 = arith.addi %mul3A_593, %add3A_594 : i32
        %broadcast_in_dim3A_596 = vector.broadcast %add3A_595 : i32 to vector<16xi32>
        %gather3A_597 = tpu.vector_load_idx %arg9[%broadcast_in_dim3A_596, %add3A_25] : memref<320x128xf32, #tpu.memory_space<vmem>>[vector<16xi32>, vector<16xi32>], vector<16xf32>,
        %mul3A_598 = arith.mulf %gather3A, %gather3A_597 : vector<16xf32>
        %gather3A_599 = tpu.vector_load_idx %arg9[%broadcast_in_dim3A_596, %add3A_31] : memref<320x128xf32, #tpu.memory_space<vmem>>[vector<16xi32>, vector<16xi32>], vector<16xf32>,
        %mul3A_600 = arith.mulf %gather3A_344, %gather3A_599 : vector<16xf32>
        %add3A_601 = arith.addf %mul3A_598, %mul3A_600 : vector<16xf32>
        %gather3A_602 = tpu.vector_load_idx %arg9[%broadcast_in_dim3A_596, %add3A_37] : memref<320x128xf32, #tpu.memory_space<vmem>>[vector<16xi32>, vector<16xi32>], vector<16xf32>,
        %mul3A_603 = arith.mulf %gather3A_345, %gather3A_602 : vector<16xf32>
        %add3A_604 = arith.addf %add3A_601, %mul3A_603 : vector<16xf32>
        %gather3A_605 = tpu.vector_load_idx %arg9[%broadcast_in_dim3A_596, %add3A_43] : memref<320x128xf32, #tpu.memory_space<vmem>>[vector<16xi32>, vector<16xi32>], vector<16xf32>,
        %mul3A_606 = arith.mulf %gather3A_346, %gather3A_605 : vector<16xf32>
        %add3A_607 = arith.addf %add3A_604, %mul3A_606 : vector<16xf32>
        %add3A_608 = arith.constant 221 : i32
        %add3A_609 = vector.broadcast %add3A_608 : i32 to vector<16xi32>
        %add3A_610 = arith.addi %iota3A, %add3A_609 : vector<16xi32>
        tpu.vector_store_idx %arg12[%add3A_610], %add3A_607 : memref<544xf32, #tpu.memory_space<vmem>>[vector<16xi32>], vector<16xf32>,
        %mul3A_611 = arith.constant 20 : i32
        %mul3A_612 = arith.muli %scan3A_341, %mul3A_611 : i32
        %add3A_613 = arith.constant 13 : i32
        %add3A_614 = arith.addi %mul3A_612, %add3A_613 : i32
        %broadcast_in_dim3A_615 = vector.broadcast %add3A_614 : i32 to vector<16xi32>
        %gather3A_616 = tpu.vector_load_idx %arg9[%broadcast_in_dim3A_615, %add3A_25] : memref<320x128xf32, #tpu.memory_space<vmem>>[vector<16xi32>, vector<16xi32>], vector<16xf32>,
        %mul3A_617 = arith.mulf %gather3A, %gather3A_616 : vector<16xf32>
        %gather3A_618 = tpu.vector_load_idx %arg9[%broadcast_in_dim3A_615, %add3A_31] : memref<320x128xf32, #tpu.memory_space<vmem>>[vector<16xi32>, vector<16xi32>], vector<16xf32>,
        %mul3A_619 = arith.mulf %gather3A_344, %gather3A_618 : vector<16xf32>
        %add3A_620 = arith.addf %mul3A_617, %mul3A_619 : vector<16xf32>
        %gather3A_621 = tpu.vector_load_idx %arg9[%broadcast_in_dim3A_615, %add3A_37] : memref<320x128xf32, #tpu.memory_space<vmem>>[vector<16xi32>, vector<16xi32>], vector<16xf32>,
        %mul3A_622 = arith.mulf %gather3A_345, %gather3A_621 : vector<16xf32>
        %add3A_623 = arith.addf %add3A_620, %mul3A_622 : vector<16xf32>
        %gather3A_624 = tpu.vector_load_idx %arg9[%broadcast_in_dim3A_615, %add3A_43] : memref<320x128xf32, #tpu.memory_space<vmem>>[vector<16xi32>, vector<16xi32>], vector<16xf32>,
        %mul3A_625 = arith.mulf %gather3A_346, %gather3A_624 : vector<16xf32>
        %add3A_626 = arith.addf %add3A_623, %mul3A_625 : vector<16xf32>
        %add3A_627 = arith.constant 238 : i32
        %add3A_628 = vector.broadcast %add3A_627 : i32 to vector<16xi32>
        %add3A_629 = arith.addi %iota3A, %add3A_628 : vector<16xi32>
        tpu.vector_store_idx %arg12[%add3A_629], %add3A_626 : memref<544xf32, #tpu.memory_space<vmem>>[vector<16xi32>], vector<16xf32>,
        %mul3A_630 = arith.constant 20 : i32
        %mul3A_631 = arith.muli %scan3A_341, %mul3A_630 : i32
        %add3A_632 = arith.constant 14 : i32
        %add3A_633 = arith.addi %mul3A_631, %add3A_632 : i32
        %broadcast_in_dim3A_634 = vector.broadcast %add3A_633 : i32 to vector<16xi32>
        %gather3A_635 = tpu.vector_load_idx %arg9[%broadcast_in_dim3A_634, %add3A_25] : memref<320x128xf32, #tpu.memory_space<vmem>>[vector<16xi32>, vector<16xi32>], vector<16xf32>,
        %mul3A_636 = arith.mulf %gather3A, %gather3A_635 : vector<16xf32>
        %gather3A_637 = tpu.vector_load_idx %arg9[%broadcast_in_dim3A_634, %add3A_31] : memref<320x128xf32, #tpu.memory_space<vmem>>[vector<16xi32>, vector<16xi32>], vector<16xf32>,
        %mul3A_638 = arith.mulf %gather3A_344, %gather3A_637 : vector<16xf32>
        %add3A_639 = arith.addf %mul3A_636, %mul3A_638 : vector<16xf32>
        %gather3A_640 = tpu.vector_load_idx %arg9[%broadcast_in_dim3A_634, %add3A_37] : memref<320x128xf32, #tpu.memory_space<vmem>>[vector<16xi32>, vector<16xi32>], vector<16xf32>,
        %mul3A_641 = arith.mulf %gather3A_345, %gather3A_640 : vector<16xf32>
        %add3A_642 = arith.addf %add3A_639, %mul3A_641 : vector<16xf32>
        %gather3A_643 = tpu.vector_load_idx %arg9[%broadcast_in_dim3A_634, %add3A_43] : memref<320x128xf32, #tpu.memory_space<vmem>>[vector<16xi32>, vector<16xi32>], vector<16xf32>,
        %mul3A_644 = arith.mulf %gather3A_346, %gather3A_643 : vector<16xf32>
        %add3A_645 = arith.addf %add3A_642, %mul3A_644 : vector<16xf32>
        %add3A_646 = arith.constant 255 : i32
        %add3A_647 = vector.broadcast %add3A_646 : i32 to vector<16xi32>
        %add3A_648 = arith.addi %iota3A, %add3A_647 : vector<16xi32>
        tpu.vector_store_idx %arg12[%add3A_648], %add3A_645 : memref<544xf32, #tpu.memory_space<vmem>>[vector<16xi32>], vector<16xf32>,
        %mul3A_649 = arith.constant 20 : i32
        %mul3A_650 = arith.muli %scan3A_341, %mul3A_649 : i32
        %add3A_651 = arith.constant 15 : i32
        %add3A_652 = arith.addi %mul3A_650, %add3A_651 : i32
        %broadcast_in_dim3A_653 = vector.broadcast %add3A_652 : i32 to vector<16xi32>
        %gather3A_654 = tpu.vector_load_idx %arg9[%broadcast_in_dim3A_653, %add3A_25] : memref<320x128xf32, #tpu.memory_space<vmem>>[vector<16xi32>, vector<16xi32>], vector<16xf32>,
        %mul3A_655 = arith.mulf %gather3A, %gather3A_654 : vector<16xf32>
        %gather3A_656 = tpu.vector_load_idx %arg9[%broadcast_in_dim3A_653, %add3A_31] : memref<320x128xf32, #tpu.memory_space<vmem>>[vector<16xi32>, vector<16xi32>], vector<16xf32>,
        %mul3A_657 = arith.mulf %gather3A_344, %gather3A_656 : vector<16xf32>
        %add3A_658 = arith.addf %mul3A_655, %mul3A_657 : vector<16xf32>
        %gather3A_659 = tpu.vector_load_idx %arg9[%broadcast_in_dim3A_653, %add3A_37] : memref<320x128xf32, #tpu.memory_space<vmem>>[vector<16xi32>, vector<16xi32>], vector<16xf32>,
        %mul3A_660 = arith.mulf %gather3A_345, %gather3A_659 : vector<16xf32>
        %add3A_661 = arith.addf %add3A_658, %mul3A_660 : vector<16xf32>
        %gather3A_662 = tpu.vector_load_idx %arg9[%broadcast_in_dim3A_653, %add3A_43] : memref<320x128xf32, #tpu.memory_space<vmem>>[vector<16xi32>, vector<16xi32>], vector<16xf32>,
        %mul3A_663 = arith.mulf %gather3A_346, %gather3A_662 : vector<16xf32>
        %add3A_664 = arith.addf %add3A_661, %mul3A_663 : vector<16xf32>
        %add3A_665 = arith.constant 272 : i32
        %add3A_666 = vector.broadcast %add3A_665 : i32 to vector<16xi32>
        %add3A_667 = arith.addi %iota3A, %add3A_666 : vector<16xi32>
        tpu.vector_store_idx %arg12[%add3A_667], %add3A_664 : memref<544xf32, #tpu.memory_space<vmem>>[vector<16xi32>], vector<16xf32>,
        %mul3A_668 = arith.constant 20 : i32
        %mul3A_669 = arith.muli %scan3A_341, %mul3A_668 : i32
        %add3A_670 = arith.constant 16 : i32
        %add3A_671 = arith.addi %mul3A_669, %add3A_670 : i32
        %broadcast_in_dim3A_672 = vector.broadcast %add3A_671 : i32 to vector<16xi32>
        %gather3A_673 = tpu.vector_load_idx %arg9[%broadcast_in_dim3A_672, %add3A_25] : memref<320x128xf32, #tpu.memory_space<vmem>>[vector<16xi32>, vector<16xi32>], vector<16xf32>,
        %mul3A_674 = arith.mulf %gather3A, %gather3A_673 : vector<16xf32>
        %gather3A_675 = tpu.vector_load_idx %arg9[%broadcast_in_dim3A_672, %add3A_31] : memref<320x128xf32, #tpu.memory_space<vmem>>[vector<16xi32>, vector<16xi32>], vector<16xf32>,
        %mul3A_676 = arith.mulf %gather3A_344, %gather3A_675 : vector<16xf32>
        %add3A_677 = arith.addf %mul3A_674, %mul3A_676 : vector<16xf32>
        %gather3A_678 = tpu.vector_load_idx %arg9[%broadcast_in_dim3A_672, %add3A_37] : memref<320x128xf32, #tpu.memory_space<vmem>>[vector<16xi32>, vector<16xi32>], vector<16xf32>,
        %mul3A_679 = arith.mulf %gather3A_345, %gather3A_678 : vector<16xf32>
        %add3A_680 = arith.addf %add3A_677, %mul3A_679 : vector<16xf32>
        %gather3A_681 = tpu.vector_load_idx %arg9[%broadcast_in_dim3A_672, %add3A_43] : memref<320x128xf32, #tpu.memory_space<vmem>>[vector<16xi32>, vector<16xi32>], vector<16xf32>,
        %mul3A_682 = arith.mulf %gather3A_346, %gather3A_681 : vector<16xf32>
        %add3A_683 = arith.addf %add3A_680, %mul3A_682 : vector<16xf32>
        %add3A_684 = arith.constant 289 : i32
        %add3A_685 = vector.broadcast %add3A_684 : i32 to vector<16xi32>
        %add3A_686 = arith.addi %iota3A, %add3A_685 : vector<16xi32>
        tpu.vector_store_idx %arg12[%add3A_686], %add3A_683 : memref<544xf32, #tpu.memory_space<vmem>>[vector<16xi32>], vector<16xf32>,
        %mul3A_687 = arith.constant 20 : i32
        %mul3A_688 = arith.muli %scan3A_341, %mul3A_687 : i32
        %add3A_689 = arith.constant 17 : i32
        %add3A_690 = arith.addi %mul3A_688, %add3A_689 : i32
        %broadcast_in_dim3A_691 = vector.broadcast %add3A_690 : i32 to vector<16xi32>
        %gather3A_692 = tpu.vector_load_idx %arg9[%broadcast_in_dim3A_691, %add3A_25] : memref<320x128xf32, #tpu.memory_space<vmem>>[vector<16xi32>, vector<16xi32>], vector<16xf32>,
        %mul3A_693 = arith.mulf %gather3A, %gather3A_692 : vector<16xf32>
        %gather3A_694 = tpu.vector_load_idx %arg9[%broadcast_in_dim3A_691, %add3A_31] : memref<320x128xf32, #tpu.memory_space<vmem>>[vector<16xi32>, vector<16xi32>], vector<16xf32>,
        %mul3A_695 = arith.mulf %gather3A_344, %gather3A_694 : vector<16xf32>
        %add3A_696 = arith.addf %mul3A_693, %mul3A_695 : vector<16xf32>
        %gather3A_697 = tpu.vector_load_idx %arg9[%broadcast_in_dim3A_691, %add3A_37] : memref<320x128xf32, #tpu.memory_space<vmem>>[vector<16xi32>, vector<16xi32>], vector<16xf32>,
        %mul3A_698 = arith.mulf %gather3A_345, %gather3A_697 : vector<16xf32>
        %add3A_699 = arith.addf %add3A_696, %mul3A_698 : vector<16xf32>
        %gather3A_700 = tpu.vector_load_idx %arg9[%broadcast_in_dim3A_691, %add3A_43] : memref<320x128xf32, #tpu.memory_space<vmem>>[vector<16xi32>, vector<16xi32>], vector<16xf32>,
        %mul3A_701 = arith.mulf %gather3A_346, %gather3A_700 : vector<16xf32>
        %add3A_702 = arith.addf %add3A_699, %mul3A_701 : vector<16xf32>
        %add3A_703 = arith.constant 306 : i32
        %add3A_704 = vector.broadcast %add3A_703 : i32 to vector<16xi32>
        %add3A_705 = arith.addi %iota3A, %add3A_704 : vector<16xi32>
        tpu.vector_store_idx %arg12[%add3A_705], %add3A_702 : memref<544xf32, #tpu.memory_space<vmem>>[vector<16xi32>], vector<16xf32>,
        %mul3A_706 = arith.constant 20 : i32
        %mul3A_707 = arith.muli %scan3A_341, %mul3A_706 : i32
        %add3A_708 = arith.constant 18 : i32
        %add3A_709 = arith.addi %mul3A_707, %add3A_708 : i32
        %broadcast_in_dim3A_710 = vector.broadcast %add3A_709 : i32 to vector<16xi32>
        %gather3A_711 = tpu.vector_load_idx %arg9[%broadcast_in_dim3A_710, %add3A_25] : memref<320x128xf32, #tpu.memory_space<vmem>>[vector<16xi32>, vector<16xi32>], vector<16xf32>,
        %mul3A_712 = arith.mulf %gather3A, %gather3A_711 : vector<16xf32>
        %gather3A_713 = tpu.vector_load_idx %arg9[%broadcast_in_dim3A_710, %add3A_31] : memref<320x128xf32, #tpu.memory_space<vmem>>[vector<16xi32>, vector<16xi32>], vector<16xf32>,
        %mul3A_714 = arith.mulf %gather3A_344, %gather3A_713 : vector<16xf32>
        %add3A_715 = arith.addf %mul3A_712, %mul3A_714 : vector<16xf32>
        %gather3A_716 = tpu.vector_load_idx %arg9[%broadcast_in_dim3A_710, %add3A_37] : memref<320x128xf32, #tpu.memory_space<vmem>>[vector<16xi32>, vector<16xi32>], vector<16xf32>,
        %mul3A_717 = arith.mulf %gather3A_345, %gather3A_716 : vector<16xf32>
        %add3A_718 = arith.addf %add3A_715, %mul3A_717 : vector<16xf32>
        %gather3A_719 = tpu.vector_load_idx %arg9[%broadcast_in_dim3A_710, %add3A_43] : memref<320x128xf32, #tpu.memory_space<vmem>>[vector<16xi32>, vector<16xi32>], vector<16xf32>,
        %mul3A_720 = arith.mulf %gather3A_346, %gather3A_719 : vector<16xf32>
        %add3A_721 = arith.addf %add3A_718, %mul3A_720 : vector<16xf32>
        %add3A_722 = arith.constant 323 : i32
        %add3A_723 = vector.broadcast %add3A_722 : i32 to vector<16xi32>
        %add3A_724 = arith.addi %iota3A, %add3A_723 : vector<16xi32>
        tpu.vector_store_idx %arg12[%add3A_724], %add3A_721 : memref<544xf32, #tpu.memory_space<vmem>>[vector<16xi32>], vector<16xf32>,
        %mul3A_725 = arith.constant 20 : i32
        %mul3A_726 = arith.muli %scan3A_341, %mul3A_725 : i32
        %add3A_727 = arith.constant 19 : i32
        %add3A_728 = arith.addi %mul3A_726, %add3A_727 : i32
        %broadcast_in_dim3A_729 = vector.broadcast %add3A_728 : i32 to vector<16xi32>
        %gather3A_730 = tpu.vector_load_idx %arg9[%broadcast_in_dim3A_729, %add3A_25] : memref<320x128xf32, #tpu.memory_space<vmem>>[vector<16xi32>, vector<16xi32>], vector<16xf32>,
        %mul3A_731 = arith.mulf %gather3A, %gather3A_730 : vector<16xf32>
        %gather3A_732 = tpu.vector_load_idx %arg9[%broadcast_in_dim3A_729, %add3A_31] : memref<320x128xf32, #tpu.memory_space<vmem>>[vector<16xi32>, vector<16xi32>], vector<16xf32>,
        %mul3A_733 = arith.mulf %gather3A_344, %gather3A_732 : vector<16xf32>
        %add3A_734 = arith.addf %mul3A_731, %mul3A_733 : vector<16xf32>
        %gather3A_735 = tpu.vector_load_idx %arg9[%broadcast_in_dim3A_729, %add3A_37] : memref<320x128xf32, #tpu.memory_space<vmem>>[vector<16xi32>, vector<16xi32>], vector<16xf32>,
        %mul3A_736 = arith.mulf %gather3A_345, %gather3A_735 : vector<16xf32>
        %add3A_737 = arith.addf %add3A_734, %mul3A_736 : vector<16xf32>
        %gather3A_738 = tpu.vector_load_idx %arg9[%broadcast_in_dim3A_729, %add3A_43] : memref<320x128xf32, #tpu.memory_space<vmem>>[vector<16xi32>, vector<16xi32>], vector<16xf32>,
        %mul3A_739 = arith.mulf %gather3A_346, %gather3A_738 : vector<16xf32>
        %add3A_740 = arith.addf %add3A_737, %mul3A_739 : vector<16xf32>
        %add3A_741 = arith.constant 340 : i32
        %add3A_742 = vector.broadcast %add3A_741 : i32 to vector<16xi32>
        %add3A_743 = arith.addi %iota3A, %add3A_742 : vector<16xi32>
        tpu.vector_store_idx %arg12[%add3A_743], %add3A_740 : memref<544xf32, #tpu.memory_space<vmem>>[vector<16xi32>], vector<16xf32>,
        %mul3A_744 = arith.constant 17 : i32
        %mul3A_745 = vector.broadcast %mul3A_744 : i32 to vector<16xi32>
        %mul3A_746 = arith.muli %iota3A, %mul3A_745 : vector<16xi32>
        %gather3A_747 = tpu.vector_load_idx %arg12[%mul3A_746] : memref<544xf32, #tpu.memory_space<vmem>>[vector<16xi32>], vector<16xf32>,
        %mul3A_748 = arith.constant 17 : i32
        %mul3A_749 = vector.broadcast %mul3A_748 : i32 to vector<16xi32>
        %mul3A_750 = arith.muli %iota3A, %mul3A_749 : vector<16xi32>
        %add3A_751 = arith.constant 272 : i32
        %add3A_752 = vector.broadcast %add3A_751 : i32 to vector<16xi32>
        %add3A_753 = arith.addi %mul3A_750, %add3A_752 : vector<16xi32>
        %gather3A_754 = tpu.vector_load_idx %arg12[%add3A_753] : memref<544xf32, #tpu.memory_space<vmem>>[vector<16xi32>], vector<16xf32>,
        %mul3A_755 = arith.constant 17 : i32
        %mul3A_756 = vector.broadcast %mul3A_755 : i32 to vector<16xi32>
        %mul3A_757 = arith.muli %iota3A, %mul3A_756 : vector<16xi32>
        %add3A_758 = arith.constant 1 : i32
        %add3A_759 = vector.broadcast %add3A_758 : i32 to vector<16xi32>
        %add3A_760 = arith.addi %mul3A_757, %add3A_759 : vector<16xi32>
        %gather3A_761 = tpu.vector_load_idx %arg12[%add3A_760] : memref<544xf32, #tpu.memory_space<vmem>>[vector<16xi32>], vector<16xf32>,
        %add3A_762 = arith.addf %gather3A_747, %gather3A_761 : vector<16xf32>
        %mul3A_763 = arith.constant 17 : i32
        %mul3A_764 = vector.broadcast %mul3A_763 : i32 to vector<16xi32>
        %mul3A_765 = arith.muli %iota3A, %mul3A_764 : vector<16xi32>
        %add3A_766 = arith.constant 272 : i32
        %add3A_767 = vector.broadcast %add3A_766 : i32 to vector<16xi32>
        %add3A_768 = arith.addi %mul3A_765, %add3A_767 : vector<16xi32>
        %add3A_769 = arith.constant 1 : i32
        %add3A_770 = vector.broadcast %add3A_769 : i32 to vector<16xi32>
        %add3A_771 = arith.addi %add3A_768, %add3A_770 : vector<16xi32>
        %gather3A_772 = tpu.vector_load_idx %arg12[%add3A_771] : memref<544xf32, #tpu.memory_space<vmem>>[vector<16xi32>], vector<16xf32>,
        %add3A_773 = arith.addf %gather3A_754, %gather3A_772 : vector<16xf32>
        %mul3A_774 = arith.constant 17 : i32
        %mul3A_775 = vector.broadcast %mul3A_774 : i32 to vector<16xi32>
        %mul3A_776 = arith.muli %iota3A, %mul3A_775 : vector<16xi32>
        %add3A_777 = arith.constant 2 : i32
        %add3A_778 = vector.broadcast %add3A_777 : i32 to vector<16xi32>
        %add3A_779 = arith.addi %mul3A_776, %add3A_778 : vector<16xi32>
        %gather3A_780 = tpu.vector_load_idx %arg12[%add3A_779] : memref<544xf32, #tpu.memory_space<vmem>>[vector<16xi32>], vector<16xf32>,
        %add3A_781 = arith.addf %add3A_762, %gather3A_780 : vector<16xf32>
        %mul3A_782 = arith.constant 17 : i32
        %mul3A_783 = vector.broadcast %mul3A_782 : i32 to vector<16xi32>
        %mul3A_784 = arith.muli %iota3A, %mul3A_783 : vector<16xi32>
        %add3A_785 = arith.constant 272 : i32
        %add3A_786 = vector.broadcast %add3A_785 : i32 to vector<16xi32>
        %add3A_787 = arith.addi %mul3A_784, %add3A_786 : vector<16xi32>
        %add3A_788 = arith.constant 2 : i32
        %add3A_789 = vector.broadcast %add3A_788 : i32 to vector<16xi32>
        %add3A_790 = arith.addi %add3A_787, %add3A_789 : vector<16xi32>
        %gather3A_791 = tpu.vector_load_idx %arg12[%add3A_790] : memref<544xf32, #tpu.memory_space<vmem>>[vector<16xi32>], vector<16xf32>,
        %add3A_792 = arith.addf %add3A_773, %gather3A_791 : vector<16xf32>
        %mul3A_793 = arith.constant 17 : i32
        %mul3A_794 = vector.broadcast %mul3A_793 : i32 to vector<16xi32>
        %mul3A_795 = arith.muli %iota3A, %mul3A_794 : vector<16xi32>
        %add3A_796 = arith.constant 3 : i32
        %add3A_797 = vector.broadcast %add3A_796 : i32 to vector<16xi32>
        %add3A_798 = arith.addi %mul3A_795, %add3A_797 : vector<16xi32>
        %gather3A_799 = tpu.vector_load_idx %arg12[%add3A_798] : memref<544xf32, #tpu.memory_space<vmem>>[vector<16xi32>], vector<16xf32>,
        %add3A_800 = arith.addf %add3A_781, %gather3A_799 : vector<16xf32>
        %mul3A_801 = arith.constant 17 : i32
        %mul3A_802 = vector.broadcast %mul3A_801 : i32 to vector<16xi32>
        %mul3A_803 = arith.muli %iota3A, %mul3A_802 : vector<16xi32>
        %add3A_804 = arith.constant 272 : i32
        %add3A_805 = vector.broadcast %add3A_804 : i32 to vector<16xi32>
        %add3A_806 = arith.addi %mul3A_803, %add3A_805 : vector<16xi32>
        %add3A_807 = arith.constant 3 : i32
        %add3A_808 = vector.broadcast %add3A_807 : i32 to vector<16xi32>
        %add3A_809 = arith.addi %add3A_806, %add3A_808 : vector<16xi32>
        %gather3A_810 = tpu.vector_load_idx %arg12[%add3A_809] : memref<544xf32, #tpu.memory_space<vmem>>[vector<16xi32>], vector<16xf32>,
        %add3A_811 = arith.addf %add3A_792, %gather3A_810 : vector<16xf32>
        %mul3A_812 = arith.constant 17 : i32
        %mul3A_813 = vector.broadcast %mul3A_812 : i32 to vector<16xi32>
        %mul3A_814 = arith.muli %iota3A, %mul3A_813 : vector<16xi32>
        %add3A_815 = arith.constant 4 : i32
        %add3A_816 = vector.broadcast %add3A_815 : i32 to vector<16xi32>
        %add3A_817 = arith.addi %mul3A_814, %add3A_816 : vector<16xi32>
        %gather3A_818 = tpu.vector_load_idx %arg12[%add3A_817] : memref<544xf32, #tpu.memory_space<vmem>>[vector<16xi32>], vector<16xf32>,
        %add3A_819 = arith.addf %add3A_800, %gather3A_818 : vector<16xf32>
        %mul3A_820 = arith.constant 17 : i32
        %mul3A_821 = vector.broadcast %mul3A_820 : i32 to vector<16xi32>
        %mul3A_822 = arith.muli %iota3A, %mul3A_821 : vector<16xi32>
        %add3A_823 = arith.constant 272 : i32
        %add3A_824 = vector.broadcast %add3A_823 : i32 to vector<16xi32>
        %add3A_825 = arith.addi %mul3A_822, %add3A_824 : vector<16xi32>
        %add3A_826 = arith.constant 4 : i32
        %add3A_827 = vector.broadcast %add3A_826 : i32 to vector<16xi32>
        %add3A_828 = arith.addi %add3A_825, %add3A_827 : vector<16xi32>
        %gather3A_829 = tpu.vector_load_idx %arg12[%add3A_828] : memref<544xf32, #tpu.memory_space<vmem>>[vector<16xi32>], vector<16xf32>,
        %add3A_830 = arith.addf %add3A_811, %gather3A_829 : vector<16xf32>
        %mul3A_831 = arith.constant 17 : i32
        %mul3A_832 = vector.broadcast %mul3A_831 : i32 to vector<16xi32>
        %mul3A_833 = arith.muli %iota3A, %mul3A_832 : vector<16xi32>
        %add3A_834 = arith.constant 5 : i32
        %add3A_835 = vector.broadcast %add3A_834 : i32 to vector<16xi32>
        %add3A_836 = arith.addi %mul3A_833, %add3A_835 : vector<16xi32>
        %gather3A_837 = tpu.vector_load_idx %arg12[%add3A_836] : memref<544xf32, #tpu.memory_space<vmem>>[vector<16xi32>], vector<16xf32>,
        %add3A_838 = arith.addf %add3A_819, %gather3A_837 : vector<16xf32>
        %mul3A_839 = arith.constant 17 : i32
        %mul3A_840 = vector.broadcast %mul3A_839 : i32 to vector<16xi32>
        %mul3A_841 = arith.muli %iota3A, %mul3A_840 : vector<16xi32>
        %add3A_842 = arith.constant 272 : i32
        %add3A_843 = vector.broadcast %add3A_842 : i32 to vector<16xi32>
        %add3A_844 = arith.addi %mul3A_841, %add3A_843 : vector<16xi32>
        %add3A_845 = arith.constant 5 : i32
        %add3A_846 = vector.broadcast %add3A_845 : i32 to vector<16xi32>
        %add3A_847 = arith.addi %add3A_844, %add3A_846 : vector<16xi32>
        %gather3A_848 = tpu.vector_load_idx %arg12[%add3A_847] : memref<544xf32, #tpu.memory_space<vmem>>[vector<16xi32>], vector<16xf32>,
        %add3A_849 = arith.addf %add3A_830, %gather3A_848 : vector<16xf32>
        %mul3A_850 = arith.constant 17 : i32
        %mul3A_851 = vector.broadcast %mul3A_850 : i32 to vector<16xi32>
        %mul3A_852 = arith.muli %iota3A, %mul3A_851 : vector<16xi32>
        %add3A_853 = arith.constant 6 : i32
        %add3A_854 = vector.broadcast %add3A_853 : i32 to vector<16xi32>
        %add3A_855 = arith.addi %mul3A_852, %add3A_854 : vector<16xi32>
        %gather3A_856 = tpu.vector_load_idx %arg12[%add3A_855] : memref<544xf32, #tpu.memory_space<vmem>>[vector<16xi32>], vector<16xf32>,
        %add3A_857 = arith.addf %add3A_838, %gather3A_856 : vector<16xf32>
        %mul3A_858 = arith.constant 17 : i32
        %mul3A_859 = vector.broadcast %mul3A_858 : i32 to vector<16xi32>
        %mul3A_860 = arith.muli %iota3A, %mul3A_859 : vector<16xi32>
        %add3A_861 = arith.constant 272 : i32
        %add3A_862 = vector.broadcast %add3A_861 : i32 to vector<16xi32>
        %add3A_863 = arith.addi %mul3A_860, %add3A_862 : vector<16xi32>
        %add3A_864 = arith.constant 6 : i32
        %add3A_865 = vector.broadcast %add3A_864 : i32 to vector<16xi32>
        %add3A_866 = arith.addi %add3A_863, %add3A_865 : vector<16xi32>
        %gather3A_867 = tpu.vector_load_idx %arg12[%add3A_866] : memref<544xf32, #tpu.memory_space<vmem>>[vector<16xi32>], vector<16xf32>,
        %add3A_868 = arith.addf %add3A_849, %gather3A_867 : vector<16xf32>
        %mul3A_869 = arith.constant 17 : i32
        %mul3A_870 = vector.broadcast %mul3A_869 : i32 to vector<16xi32>
        %mul3A_871 = arith.muli %iota3A, %mul3A_870 : vector<16xi32>
        %add3A_872 = arith.constant 7 : i32
        %add3A_873 = vector.broadcast %add3A_872 : i32 to vector<16xi32>
        %add3A_874 = arith.addi %mul3A_871, %add3A_873 : vector<16xi32>
        %gather3A_875 = tpu.vector_load_idx %arg12[%add3A_874] : memref<544xf32, #tpu.memory_space<vmem>>[vector<16xi32>], vector<16xf32>,
        %add3A_876 = arith.addf %add3A_857, %gather3A_875 : vector<16xf32>
        %mul3A_877 = arith.constant 17 : i32
        %mul3A_878 = vector.broadcast %mul3A_877 : i32 to vector<16xi32>
        %mul3A_879 = arith.muli %iota3A, %mul3A_878 : vector<16xi32>
        %add3A_880 = arith.constant 272 : i32
        %add3A_881 = vector.broadcast %add3A_880 : i32 to vector<16xi32>
        %add3A_882 = arith.addi %mul3A_879, %add3A_881 : vector<16xi32>
        %add3A_883 = arith.constant 7 : i32
        %add3A_884 = vector.broadcast %add3A_883 : i32 to vector<16xi32>
        %add3A_885 = arith.addi %add3A_882, %add3A_884 : vector<16xi32>
        %gather3A_886 = tpu.vector_load_idx %arg12[%add3A_885] : memref<544xf32, #tpu.memory_space<vmem>>[vector<16xi32>], vector<16xf32>,
        %add3A_887 = arith.addf %add3A_868, %gather3A_886 : vector<16xf32>
        %mul3A_888 = arith.constant 17 : i32
        %mul3A_889 = vector.broadcast %mul3A_888 : i32 to vector<16xi32>
        %mul3A_890 = arith.muli %iota3A, %mul3A_889 : vector<16xi32>
        %add3A_891 = arith.constant 8 : i32
        %add3A_892 = vector.broadcast %add3A_891 : i32 to vector<16xi32>
        %add3A_893 = arith.addi %mul3A_890, %add3A_892 : vector<16xi32>
        %gather3A_894 = tpu.vector_load_idx %arg12[%add3A_893] : memref<544xf32, #tpu.memory_space<vmem>>[vector<16xi32>], vector<16xf32>,
        %add3A_895 = arith.addf %add3A_876, %gather3A_894 : vector<16xf32>
        %mul3A_896 = arith.constant 17 : i32
        %mul3A_897 = vector.broadcast %mul3A_896 : i32 to vector<16xi32>
        %mul3A_898 = arith.muli %iota3A, %mul3A_897 : vector<16xi32>
        %add3A_899 = arith.constant 272 : i32
        %add3A_900 = vector.broadcast %add3A_899 : i32 to vector<16xi32>
        %add3A_901 = arith.addi %mul3A_898, %add3A_900 : vector<16xi32>
        %add3A_902 = arith.constant 8 : i32
        %add3A_903 = vector.broadcast %add3A_902 : i32 to vector<16xi32>
        %add3A_904 = arith.addi %add3A_901, %add3A_903 : vector<16xi32>
        %gather3A_905 = tpu.vector_load_idx %arg12[%add3A_904] : memref<544xf32, #tpu.memory_space<vmem>>[vector<16xi32>], vector<16xf32>,
        %add3A_906 = arith.addf %add3A_887, %gather3A_905 : vector<16xf32>
        %mul3A_907 = arith.constant 17 : i32
        %mul3A_908 = vector.broadcast %mul3A_907 : i32 to vector<16xi32>
        %mul3A_909 = arith.muli %iota3A, %mul3A_908 : vector<16xi32>
        %add3A_910 = arith.constant 9 : i32
        %add3A_911 = vector.broadcast %add3A_910 : i32 to vector<16xi32>
        %add3A_912 = arith.addi %mul3A_909, %add3A_911 : vector<16xi32>
        %gather3A_913 = tpu.vector_load_idx %arg12[%add3A_912] : memref<544xf32, #tpu.memory_space<vmem>>[vector<16xi32>], vector<16xf32>,
        %add3A_914 = arith.addf %add3A_895, %gather3A_913 : vector<16xf32>
        %mul3A_915 = arith.constant 17 : i32
        %mul3A_916 = vector.broadcast %mul3A_915 : i32 to vector<16xi32>
        %mul3A_917 = arith.muli %iota3A, %mul3A_916 : vector<16xi32>
        %add3A_918 = arith.constant 272 : i32
        %add3A_919 = vector.broadcast %add3A_918 : i32 to vector<16xi32>
        %add3A_920 = arith.addi %mul3A_917, %add3A_919 : vector<16xi32>
        %add3A_921 = arith.constant 9 : i32
        %add3A_922 = vector.broadcast %add3A_921 : i32 to vector<16xi32>
        %add3A_923 = arith.addi %add3A_920, %add3A_922 : vector<16xi32>
        %gather3A_924 = tpu.vector_load_idx %arg12[%add3A_923] : memref<544xf32, #tpu.memory_space<vmem>>[vector<16xi32>], vector<16xf32>,
        %add3A_925 = arith.addf %add3A_906, %gather3A_924 : vector<16xf32>
        %mul3A_926 = arith.constant 17 : i32
        %mul3A_927 = vector.broadcast %mul3A_926 : i32 to vector<16xi32>
        %mul3A_928 = arith.muli %iota3A, %mul3A_927 : vector<16xi32>
        %add3A_929 = arith.constant 10 : i32
        %add3A_930 = vector.broadcast %add3A_929 : i32 to vector<16xi32>
        %add3A_931 = arith.addi %mul3A_928, %add3A_930 : vector<16xi32>
        %gather3A_932 = tpu.vector_load_idx %arg12[%add3A_931] : memref<544xf32, #tpu.memory_space<vmem>>[vector<16xi32>], vector<16xf32>,
        %add3A_933 = arith.addf %add3A_914, %gather3A_932 : vector<16xf32>
        %mul3A_934 = arith.constant 17 : i32
        %mul3A_935 = vector.broadcast %mul3A_934 : i32 to vector<16xi32>
        %mul3A_936 = arith.muli %iota3A, %mul3A_935 : vector<16xi32>
        %add3A_937 = arith.constant 272 : i32
        %add3A_938 = vector.broadcast %add3A_937 : i32 to vector<16xi32>
        %add3A_939 = arith.addi %mul3A_936, %add3A_938 : vector<16xi32>
        %add3A_940 = arith.constant 10 : i32
        %add3A_941 = vector.broadcast %add3A_940 : i32 to vector<16xi32>
        %add3A_942 = arith.addi %add3A_939, %add3A_941 : vector<16xi32>
        %gather3A_943 = tpu.vector_load_idx %arg12[%add3A_942] : memref<544xf32, #tpu.memory_space<vmem>>[vector<16xi32>], vector<16xf32>,
        %add3A_944 = arith.addf %add3A_925, %gather3A_943 : vector<16xf32>
        %mul3A_945 = arith.constant 17 : i32
        %mul3A_946 = vector.broadcast %mul3A_945 : i32 to vector<16xi32>
        %mul3A_947 = arith.muli %iota3A, %mul3A_946 : vector<16xi32>
        %add3A_948 = arith.constant 11 : i32
        %add3A_949 = vector.broadcast %add3A_948 : i32 to vector<16xi32>
        %add3A_950 = arith.addi %mul3A_947, %add3A_949 : vector<16xi32>
        %gather3A_951 = tpu.vector_load_idx %arg12[%add3A_950] : memref<544xf32, #tpu.memory_space<vmem>>[vector<16xi32>], vector<16xf32>,
        %add3A_952 = arith.addf %add3A_933, %gather3A_951 : vector<16xf32>
        %mul3A_953 = arith.constant 17 : i32
        %mul3A_954 = vector.broadcast %mul3A_953 : i32 to vector<16xi32>
        %mul3A_955 = arith.muli %iota3A, %mul3A_954 : vector<16xi32>
        %add3A_956 = arith.constant 272 : i32
        %add3A_957 = vector.broadcast %add3A_956 : i32 to vector<16xi32>
        %add3A_958 = arith.addi %mul3A_955, %add3A_957 : vector<16xi32>
        %add3A_959 = arith.constant 11 : i32
        %add3A_960 = vector.broadcast %add3A_959 : i32 to vector<16xi32>
        %add3A_961 = arith.addi %add3A_958, %add3A_960 : vector<16xi32>
        %gather3A_962 = tpu.vector_load_idx %arg12[%add3A_961] : memref<544xf32, #tpu.memory_space<vmem>>[vector<16xi32>], vector<16xf32>,
        %add3A_963 = arith.addf %add3A_944, %gather3A_962 : vector<16xf32>
        %mul3A_964 = arith.constant 17 : i32
        %mul3A_965 = vector.broadcast %mul3A_964 : i32 to vector<16xi32>
        %mul3A_966 = arith.muli %iota3A, %mul3A_965 : vector<16xi32>
        %add3A_967 = arith.constant 12 : i32
        %add3A_968 = vector.broadcast %add3A_967 : i32 to vector<16xi32>
        %add3A_969 = arith.addi %mul3A_966, %add3A_968 : vector<16xi32>
        %gather3A_970 = tpu.vector_load_idx %arg12[%add3A_969] : memref<544xf32, #tpu.memory_space<vmem>>[vector<16xi32>], vector<16xf32>,
        %add3A_971 = arith.addf %add3A_952, %gather3A_970 : vector<16xf32>
        %mul3A_972 = arith.constant 17 : i32
        %mul3A_973 = vector.broadcast %mul3A_972 : i32 to vector<16xi32>
        %mul3A_974 = arith.muli %iota3A, %mul3A_973 : vector<16xi32>
        %add3A_975 = arith.constant 272 : i32
        %add3A_976 = vector.broadcast %add3A_975 : i32 to vector<16xi32>
        %add3A_977 = arith.addi %mul3A_974, %add3A_976 : vector<16xi32>
        %add3A_978 = arith.constant 12 : i32
        %add3A_979 = vector.broadcast %add3A_978 : i32 to vector<16xi32>
        %add3A_980 = arith.addi %add3A_977, %add3A_979 : vector<16xi32>
        %gather3A_981 = tpu.vector_load_idx %arg12[%add3A_980] : memref<544xf32, #tpu.memory_space<vmem>>[vector<16xi32>], vector<16xf32>,
        %add3A_982 = arith.addf %add3A_963, %gather3A_981 : vector<16xf32>
        %mul3A_983 = arith.constant 17 : i32
        %mul3A_984 = vector.broadcast %mul3A_983 : i32 to vector<16xi32>
        %mul3A_985 = arith.muli %iota3A, %mul3A_984 : vector<16xi32>
        %add3A_986 = arith.constant 13 : i32
        %add3A_987 = vector.broadcast %add3A_986 : i32 to vector<16xi32>
        %add3A_988 = arith.addi %mul3A_985, %add3A_987 : vector<16xi32>
        %gather3A_989 = tpu.vector_load_idx %arg12[%add3A_988] : memref<544xf32, #tpu.memory_space<vmem>>[vector<16xi32>], vector<16xf32>,
        %add3A_990 = arith.addf %add3A_971, %gather3A_989 : vector<16xf32>
        %mul3A_991 = arith.constant 17 : i32
        %mul3A_992 = vector.broadcast %mul3A_991 : i32 to vector<16xi32>
        %mul3A_993 = arith.muli %iota3A, %mul3A_992 : vector<16xi32>
        %add3A_994 = arith.constant 272 : i32
        %add3A_995 = vector.broadcast %add3A_994 : i32 to vector<16xi32>
        %add3A_996 = arith.addi %mul3A_993, %add3A_995 : vector<16xi32>
        %add3A_997 = arith.constant 13 : i32
        %add3A_998 = vector.broadcast %add3A_997 : i32 to vector<16xi32>
        %add3A_999 = arith.addi %add3A_996, %add3A_998 : vector<16xi32>
        %gather3A_1000 = tpu.vector_load_idx %arg12[%add3A_999] : memref<544xf32, #tpu.memory_space<vmem>>[vector<16xi32>], vector<16xf32>,
        %add3A_1001 = arith.addf %add3A_982, %gather3A_1000 : vector<16xf32>
        %mul3A_1002 = arith.constant 17 : i32
        %mul3A_1003 = vector.broadcast %mul3A_1002 : i32 to vector<16xi32>
        %mul3A_1004 = arith.muli %iota3A, %mul3A_1003 : vector<16xi32>
        %add3A_1005 = arith.constant 14 : i32
        %add3A_1006 = vector.broadcast %add3A_1005 : i32 to vector<16xi32>
        %add3A_1007 = arith.addi %mul3A_1004, %add3A_1006 : vector<16xi32>
        %gather3A_1008 = tpu.vector_load_idx %arg12[%add3A_1007] : memref<544xf32, #tpu.memory_space<vmem>>[vector<16xi32>], vector<16xf32>,
        %add3A_1009 = arith.addf %add3A_990, %gather3A_1008 : vector<16xf32>
        %mul3A_1010 = arith.constant 17 : i32
        %mul3A_1011 = vector.broadcast %mul3A_1010 : i32 to vector<16xi32>
        %mul3A_1012 = arith.muli %iota3A, %mul3A_1011 : vector<16xi32>
        %add3A_1013 = arith.constant 272 : i32
        %add3A_1014 = vector.broadcast %add3A_1013 : i32 to vector<16xi32>
        %add3A_1015 = arith.addi %mul3A_1012, %add3A_1014 : vector<16xi32>
        %add3A_1016 = arith.constant 14 : i32
        %add3A_1017 = vector.broadcast %add3A_1016 : i32 to vector<16xi32>
        %add3A_1018 = arith.addi %add3A_1015, %add3A_1017 : vector<16xi32>
        %gather3A_1019 = tpu.vector_load_idx %arg12[%add3A_1018] : memref<544xf32, #tpu.memory_space<vmem>>[vector<16xi32>], vector<16xf32>,
        %add3A_1020 = arith.addf %add3A_1001, %gather3A_1019 : vector<16xf32>
        %mul3A_1021 = arith.constant 17 : i32
        %mul3A_1022 = vector.broadcast %mul3A_1021 : i32 to vector<16xi32>
        %mul3A_1023 = arith.muli %iota3A, %mul3A_1022 : vector<16xi32>
        %add3A_1024 = arith.constant 15 : i32
        %add3A_1025 = vector.broadcast %add3A_1024 : i32 to vector<16xi32>
        %add3A_1026 = arith.addi %mul3A_1023, %add3A_1025 : vector<16xi32>
        %gather3A_1027 = tpu.vector_load_idx %arg12[%add3A_1026] : memref<544xf32, #tpu.memory_space<vmem>>[vector<16xi32>], vector<16xf32>,
        %add3A_1028 = arith.addf %add3A_1009, %gather3A_1027 : vector<16xf32>
        %mul3A_1029 = arith.constant 17 : i32
        %mul3A_1030 = vector.broadcast %mul3A_1029 : i32 to vector<16xi32>
        %mul3A_1031 = arith.muli %iota3A, %mul3A_1030 : vector<16xi32>
        %add3A_1032 = arith.constant 272 : i32
        %add3A_1033 = vector.broadcast %add3A_1032 : i32 to vector<16xi32>
        %add3A_1034 = arith.addi %mul3A_1031, %add3A_1033 : vector<16xi32>
        %add3A_1035 = arith.constant 15 : i32
        %add3A_1036 = vector.broadcast %add3A_1035 : i32 to vector<16xi32>
        %add3A_1037 = arith.addi %add3A_1034, %add3A_1036 : vector<16xi32>
        %gather3A_1038 = tpu.vector_load_idx %arg12[%add3A_1037] : memref<544xf32, #tpu.memory_space<vmem>>[vector<16xi32>], vector<16xf32>,
        %add3A_1039 = arith.addf %add3A_1020, %gather3A_1038 : vector<16xf32>
        %mul3A_1040 = arith.mulf %add3A_1028, %select_n3A : vector<16xf32>
        %abs3A = math.absf %mul3A_1040 : vector<16xf32>
        %neg3A = arith.constant 0.000000e+00 : f32
        %neg3A_1041 = vector.broadcast %neg3A : f32 to vector<16xf32>
        %neg3A_1042 = arith.subf %neg3A_1041, %abs3A : vector<16xf32>
        %exp3A = math.exp %neg3A_1042 : vector<16xf32>
        %add3A_1043 = arith.constant 2.000000e+00 : f32
        %add3A_1044 = vector.broadcast %add3A_1043 : f32 to vector<16xf32>
        %add3A_1045 = arith.addf %exp3A, %add3A_1044 : vector<16xf32>
        %div3A = arith.divf %exp3A, %add3A_1045 : vector<16xf32>
        %mul3A_1046 = arith.mulf %div3A, %div3A : vector<16xf32>
        %mul3A_1047 = arith.constant 0.111111112 : f32
        %mul3A_1048 = vector.broadcast %mul3A_1047 : f32 to vector<16xf32>
        %mul3A_1049 = arith.mulf %mul3A_1046, %mul3A_1048 : vector<16xf32>
        %add3A_1050 = arith.constant 0.142857149 : f32
        %add3A_1051 = vector.broadcast %add3A_1050 : f32 to vector<16xf32>
        %add3A_1052 = arith.addf %add3A_1051, %mul3A_1049 : vector<16xf32>
        %mul3A_1053 = arith.mulf %mul3A_1046, %add3A_1052 : vector<16xf32>
        %add3A_1054 = arith.constant 2.000000e-01 : f32
        %add3A_1055 = vector.broadcast %add3A_1054 : f32 to vector<16xf32>
        %add3A_1056 = arith.addf %add3A_1055, %mul3A_1053 : vector<16xf32>
        %mul3A_1057 = arith.mulf %mul3A_1046, %add3A_1056 : vector<16xf32>
        %add3A_1058 = arith.constant 0.333333343 : f32
        %add3A_1059 = vector.broadcast %add3A_1058 : f32 to vector<16xf32>
        %add3A_1060 = arith.addf %add3A_1059, %mul3A_1057 : vector<16xf32>
        %mul3A_1061 = arith.mulf %mul3A_1046, %add3A_1060 : vector<16xf32>
        %add3A_1062 = arith.constant 1.000000e+00 : f32
        %add3A_1063 = vector.broadcast %add3A_1062 : f32 to vector<16xf32>
        %add3A_1064 = arith.addf %add3A_1063, %mul3A_1061 : vector<16xf32>
        %min3A = arith.constant 0.000000e+00 : f32
        %min3A_1065 = vector.broadcast %min3A : f32 to vector<16xf32>
        %min3A_1066 = arith.minimumf %mul3A_1040, %min3A_1065 : vector<16xf32>
        %mul3A_1067 = arith.constant 2.000000e+00 : f32
        %mul3A_1068 = vector.broadcast %mul3A_1067 : f32 to vector<16xf32>
        %mul3A_1069 = arith.mulf %mul3A_1068, %div3A : vector<16xf32>
        %mul3A_1070 = arith.mulf %mul3A_1069, %add3A_1064 : vector<16xf32>
        %sub3A = arith.subf %min3A_1066, %mul3A_1070 : vector<16xf32>
        %add3A_1071 = arith.addf %scan3A_342, %sub3A : vector<16xf32>
        %neg3A_1072 = arith.constant 0.000000e+00 : f32
        %neg3A_1073 = vector.broadcast %neg3A_1072 : f32 to vector<16xf32>
        %neg3A_1074 = arith.subf %neg3A_1073, %add3A_1039 : vector<16xf32>
        %abs3A_1075 = math.absf %neg3A_1074 : vector<16xf32>
        %neg3A_1076 = arith.constant 0.000000e+00 : f32
        %neg3A_1077 = vector.broadcast %neg3A_1076 : f32 to vector<16xf32>
        %neg3A_1078 = arith.subf %neg3A_1077, %abs3A_1075 : vector<16xf32>
        %exp3A_1079 = math.exp %neg3A_1078 : vector<16xf32>
        %add3A_1080 = arith.constant 2.000000e+00 : f32
        %add3A_1081 = vector.broadcast %add3A_1080 : f32 to vector<16xf32>
        %add3A_1082 = arith.addf %exp3A_1079, %add3A_1081 : vector<16xf32>
        %div3A_1083 = arith.divf %exp3A_1079, %add3A_1082 : vector<16xf32>
        %mul3A_1084 = arith.mulf %div3A_1083, %div3A_1083 : vector<16xf32>
        %mul3A_1085 = arith.constant 0.111111112 : f32
        %mul3A_1086 = vector.broadcast %mul3A_1085 : f32 to vector<16xf32>
        %mul3A_1087 = arith.mulf %mul3A_1084, %mul3A_1086 : vector<16xf32>
        %add3A_1088 = arith.constant 0.142857149 : f32
        %add3A_1089 = vector.broadcast %add3A_1088 : f32 to vector<16xf32>
        %add3A_1090 = arith.addf %add3A_1089, %mul3A_1087 : vector<16xf32>
        %mul3A_1091 = arith.mulf %mul3A_1084, %add3A_1090 : vector<16xf32>
        %add3A_1092 = arith.constant 2.000000e-01 : f32
        %add3A_1093 = vector.broadcast %add3A_1092 : f32 to vector<16xf32>
        %add3A_1094 = arith.addf %add3A_1093, %mul3A_1091 : vector<16xf32>
        %mul3A_1095 = arith.mulf %mul3A_1084, %add3A_1094 : vector<16xf32>
        %add3A_1096 = arith.constant 0.333333343 : f32
        %add3A_1097 = vector.broadcast %add3A_1096 : f32 to vector<16xf32>
        %add3A_1098 = arith.addf %add3A_1097, %mul3A_1095 : vector<16xf32>
        %mul3A_1099 = arith.mulf %mul3A_1084, %add3A_1098 : vector<16xf32>
        %add3A_1100 = arith.constant 1.000000e+00 : f32
        %add3A_1101 = vector.broadcast %add3A_1100 : f32 to vector<16xf32>
        %add3A_1102 = arith.addf %add3A_1101, %mul3A_1099 : vector<16xf32>
        %min3A_1103 = arith.constant 0.000000e+00 : f32
        %min3A_1104 = vector.broadcast %min3A_1103 : f32 to vector<16xf32>
        %min3A_1105 = arith.minimumf %neg3A_1074, %min3A_1104 : vector<16xf32>
        %mul3A_1106 = arith.constant 2.000000e+00 : f32
        %mul3A_1107 = vector.broadcast %mul3A_1106 : f32 to vector<16xf32>
        %mul3A_1108 = arith.mulf %mul3A_1107, %div3A_1083 : vector<16xf32>
        %mul3A_1109 = arith.mulf %mul3A_1108, %add3A_1102 : vector<16xf32>
        %sub3A_1110 = arith.subf %min3A_1105, %mul3A_1109 : vector<16xf32>
        %mul3A_1111 = arith.mulf %sub3A_1110, %select_n3A_122 : vector<16xf32>
        %add3A_1112 = arith.addf %add3A_1071, %mul3A_1111 : vector<16xf32>
        scf.yield %add3A_1112 : vector<16xf32>
      }
      %scan3A_264 = arith.constant 16 : i32
      %add3A_265 = arith.constant 2 : i32
      %add3A_266 = arith.addi %mul3A_194, %add3A_265 : i32
      %lt3A_267 = arith.constant 32 : i32
      %lt3A_268 = arith.cmpi slt, %add3A_266, %lt3A_267 : i32
      %add3A_269 = arith.constant 2 : i32
      %add3A_270 = arith.addi %mul3A_194, %add3A_269 : i32
      %select_n3A_271 = arith.constant 0 : i32
      %select_n3A_272 = arith.select %lt3A_268, %add3A_270, %select_n3A_271 : i32
      %mul3A_273 = arith.constant 32 : i32
      %mul3A_274 = arith.muli %select_n3A_272, %mul3A_273 : i32
      %dma_start3A_275 = tpu.memref_slice %arg6[%mul3A_274] : memref<1024xi32, #tpu.memory_space<vmem>> -> memref<32xi32, #tpu.memory_space<vmem>>
      %dma_start3A_276 = arith.constant 0 : i32
      %dma_start3A_277 = arith.constant 0 : i32
      %dma_start3A_278 = tpu.memref_slice %arg4[%dma_start3A_276, %dma_start3A_277] : memref<1000000x128xf32, #tpu.memory_space<hbm>> -> memref<1000000x128xf32, #tpu.memory_space<hbm>>
      tpu.enqueue_indirect_dma source(%dma_start3A_278 : memref<1000000x128xf32, #tpu.memory_space<hbm>>) target(%arg8 : memref<32x128xf32, #tpu.memory_space<vmem>>) offsets(%dma_start3A_275 : memref<32xi32, #tpu.memory_space<vmem>>) semaphore(%arg14 : memref<!tpu.dma_semaphore, #tpu.memory_space<semaphore_mem>>)
      %mul3A_279 = arith.constant 320 : i32
      %mul3A_280 = arith.muli %select_n3A_272, %mul3A_279 : i32
      %dma_start3A_281 = arith.constant 0 : i32
      %dma_start3A_282 = arith.constant 0 : i32
      %dma_start3A_283 = tpu.memref_slice %arg9[%dma_start3A_281, %dma_start3A_282] : memref<320x128xf32, #tpu.memory_space<vmem>> -> memref<128x128xf32, #tpu.memory_space<vmem>>
      %dma_start3A_284 = tpu.memref_slice %arg7[%mul3A_280] : memref<10240xi32, #tpu.memory_space<vmem>> -> memref<128xi32, #tpu.memory_space<vmem>>
      %dma_start3A_285 = arith.constant 0 : i32
      %dma_start3A_286 = arith.constant 0 : i32
      %dma_start3A_287 = tpu.memref_slice %arg4[%dma_start3A_285, %dma_start3A_286] : memref<1000000x128xf32, #tpu.memory_space<hbm>> -> memref<1000000x128xf32, #tpu.memory_space<hbm>>
      tpu.enqueue_indirect_dma source(%dma_start3A_287 : memref<1000000x128xf32, #tpu.memory_space<hbm>>) target(%dma_start3A_283 : memref<128x128xf32, #tpu.memory_space<vmem>>) offsets(%dma_start3A_284 : memref<128xi32, #tpu.memory_space<vmem>>) semaphore(%arg14 : memref<!tpu.dma_semaphore, #tpu.memory_space<semaphore_mem>>)
      %add3A_288 = arith.constant 128 : i32
      %add3A_289 = arith.addi %mul3A_280, %add3A_288 : i32
      %dma_start3A_290 = arith.constant 128 : i32
      %dma_start3A_291 = arith.constant 0 : i32
      %dma_start3A_292 = tpu.memref_slice %arg9[%dma_start3A_290, %dma_start3A_291] : memref<320x128xf32, #tpu.memory_space<vmem>> -> memref<128x128xf32, #tpu.memory_space<vmem>>
      %dma_start3A_293 = tpu.memref_slice %arg7[%add3A_289] : memref<10240xi32, #tpu.memory_space<vmem>> -> memref<128xi32, #tpu.memory_space<vmem>>
      %dma_start3A_294 = arith.constant 0 : i32
      %dma_start3A_295 = arith.constant 0 : i32
      %dma_start3A_296 = tpu.memref_slice %arg4[%dma_start3A_294, %dma_start3A_295] : memref<1000000x128xf32, #tpu.memory_space<hbm>> -> memref<1000000x128xf32, #tpu.memory_space<hbm>>
      tpu.enqueue_indirect_dma source(%dma_start3A_296 : memref<1000000x128xf32, #tpu.memory_space<hbm>>) target(%dma_start3A_292 : memref<128x128xf32, #tpu.memory_space<vmem>>) offsets(%dma_start3A_293 : memref<128xi32, #tpu.memory_space<vmem>>) semaphore(%arg14 : memref<!tpu.dma_semaphore, #tpu.memory_space<semaphore_mem>>)
      %add3A_297 = arith.constant 256 : i32
      %add3A_298 = arith.addi %mul3A_280, %add3A_297 : i32
      %dma_start3A_299 = arith.constant 256 : i32
      %dma_start3A_300 = arith.constant 0 : i32
      %dma_start3A_301 = tpu.memref_slice %arg9[%dma_start3A_299, %dma_start3A_300] : memref<320x128xf32, #tpu.memory_space<vmem>> -> memref<64x128xf32, #tpu.memory_space<vmem>>
      %dma_start3A_302 = tpu.memref_slice %arg7[%add3A_298] : memref<10240xi32, #tpu.memory_space<vmem>> -> memref<64xi32, #tpu.memory_space<vmem>>
      %dma_start3A_303 = arith.constant 0 : i32
      %dma_start3A_304 = arith.constant 0 : i32
      %dma_start3A_305 = tpu.memref_slice %arg4[%dma_start3A_303, %dma_start3A_304] : memref<1000000x128xf32, #tpu.memory_space<hbm>> -> memref<1000000x128xf32, #tpu.memory_space<hbm>>
      tpu.enqueue_indirect_dma source(%dma_start3A_305 : memref<1000000x128xf32, #tpu.memory_space<hbm>>) target(%dma_start3A_301 : memref<64x128xf32, #tpu.memory_space<vmem>>) offsets(%dma_start3A_302 : memref<64xi32, #tpu.memory_space<vmem>>) semaphore(%arg14 : memref<!tpu.dma_semaphore, #tpu.memory_space<semaphore_mem>>)
      %dma_wait3A_306 = arith.constant 0 : i32
      %dma_wait3A_307 = tpu.memref_slice %arg6[%dma_wait3A_306] : memref<1024xi32, #tpu.memory_space<vmem>> -> memref<32xi32, #tpu.memory_space<vmem>>
      %dma_wait3A_308 = arith.constant 0 : i32
      %dma_wait3A_309 = arith.constant 0 : i32
      %dma_wait3A_310 = tpu.memref_slice %arg4[%dma_wait3A_308, %dma_wait3A_309] : memref<1000000x128xf32, #tpu.memory_space<hbm>> -> memref<1000000x128xf32, #tpu.memory_space<hbm>>
      tpu.wait_indirect_dma semaphore(%arg15 : memref<!tpu.dma_semaphore, #tpu.memory_space<semaphore_mem>>) src(%dma_wait3A_310 : memref<1000000x128xf32, #tpu.memory_space<hbm>>) dst(%arg10 : memref<32x128xf32, #tpu.memory_space<vmem>>)
      %dma_wait3A_311 = arith.constant 0 : i32
      %dma_wait3A_312 = arith.constant 0 : i32
      %dma_wait3A_313 = tpu.memref_slice %arg11[%dma_wait3A_311, %dma_wait3A_312] : memref<320x128xf32, #tpu.memory_space<vmem>> -> memref<128x128xf32, #tpu.memory_space<vmem>>
      %dma_wait3A_314 = arith.constant 0 : i32
      %dma_wait3A_315 = tpu.memref_slice %arg7[%dma_wait3A_314] : memref<10240xi32, #tpu.memory_space<vmem>> -> memref<128xi32, #tpu.memory_space<vmem>>
      %dma_wait3A_316 = arith.constant 0 : i32
      %dma_wait3A_317 = arith.constant 0 : i32
      %dma_wait3A_318 = tpu.memref_slice %arg4[%dma_wait3A_316, %dma_wait3A_317] : memref<1000000x128xf32, #tpu.memory_space<hbm>> -> memref<1000000x128xf32, #tpu.memory_space<hbm>>
      tpu.wait_indirect_dma semaphore(%arg15 : memref<!tpu.dma_semaphore, #tpu.memory_space<semaphore_mem>>) src(%dma_wait3A_318 : memref<1000000x128xf32, #tpu.memory_space<hbm>>) dst(%dma_wait3A_313 : memref<128x128xf32, #tpu.memory_space<vmem>>)
      %dma_wait3A_319 = arith.constant 128 : i32
      %dma_wait3A_320 = arith.constant 0 : i32
      %dma_wait3A_321 = tpu.memref_slice %arg11[%dma_wait3A_319, %dma_wait3A_320] : memref<320x128xf32, #tpu.memory_space<vmem>> -> memref<128x128xf32, #tpu.memory_space<vmem>>
      %dma_wait3A_322 = arith.constant 128 : i32
      %dma_wait3A_323 = tpu.memref_slice %arg7[%dma_wait3A_322] : memref<10240xi32, #tpu.memory_space<vmem>> -> memref<128xi32, #tpu.memory_space<vmem>>
      %dma_wait3A_324 = arith.constant 0 : i32
      %dma_wait3A_325 = arith.constant 0 : i32
      %dma_wait3A_326 = tpu.memref_slice %arg4[%dma_wait3A_324, %dma_wait3A_325] : memref<1000000x128xf32, #tpu.memory_space<hbm>> -> memref<1000000x128xf32, #tpu.memory_space<hbm>>
      tpu.wait_indirect_dma semaphore(%arg15 : memref<!tpu.dma_semaphore, #tpu.memory_space<semaphore_mem>>) src(%dma_wait3A_326 : memref<1000000x128xf32, #tpu.memory_space<hbm>>) dst(%dma_wait3A_321 : memref<128x128xf32, #tpu.memory_space<vmem>>)
      %dma_wait3A_327 = arith.constant 256 : i32
      %dma_wait3A_328 = arith.constant 0 : i32
      %dma_wait3A_329 = tpu.memref_slice %arg11[%dma_wait3A_327, %dma_wait3A_328] : memref<320x128xf32, #tpu.memory_space<vmem>> -> memref<64x128xf32, #tpu.memory_space<vmem>>
      %dma_wait3A_330 = arith.constant 256 : i32
      %dma_wait3A_331 = tpu.memref_slice %arg7[%dma_wait3A_330] : memref<10240xi32, #tpu.memory_space<vmem>> -> memref<64xi32, #tpu.memory_space<vmem>>
      %dma_wait3A_332 = arith.constant 0 : i32
      %dma_wait3A_333 = arith.constant 0 : i32
      %dma_wait3A_334 = tpu.memref_slice %arg4[%dma_wait3A_332, %dma_wait3A_333] : memref<1000000x128xf32, #tpu.memory_space<hbm>> -> memref<1000000x128xf32, #tpu.memory_space<hbm>>
      tpu.wait_indirect_dma semaphore(%arg15 : memref<!tpu.dma_semaphore, #tpu.memory_space<semaphore_mem>>) src(%dma_wait3A_334 : memref<1000000x128xf32, #tpu.memory_space<hbm>>) dst(%dma_wait3A_329 : memref<64x128xf32, #tpu.memory_space<vmem>>)
      %scan3A_335 = arith.constant 0 : i32
      %scan3A_336 = arith.constant 16 : i32
      %scan3A_337 = arith.addi %scan3A_335, %scan3A_336 : i32
      %scan3A_338 = arith.constant 1 : i32
      %scan3A_339 = scf.for %scan3A_341 = %scan3A_335 to %scan3A_337 step %scan3A_338 iter_args(%scan3A_342 = %scan3A_263) -> (vector<16xf32>)  : i32 {
        %broadcast_in_dim3A_343 = vector.broadcast %scan3A_341 : i32 to vector<16xi32>
        %gather3A = tpu.vector_load_idx %arg10[%broadcast_in_dim3A_343, %add3A_10] : memref<32x128xf32, #tpu.memory_space<vmem>>[vector<16xi32>, vector<16xi32>], vector<16xf32>,
        %gather3A_344 = tpu.vector_load_idx %arg10[%broadcast_in_dim3A_343, %add3A_13] : memref<32x128xf32, #tpu.memory_space<vmem>>[vector<16xi32>, vector<16xi32>], vector<16xf32>,
        %gather3A_345 = tpu.vector_load_idx %arg10[%broadcast_in_dim3A_343, %add3A_16] : memref<32x128xf32, #tpu.memory_space<vmem>>[vector<16xi32>, vector<16xi32>], vector<16xf32>,
        %gather3A_346 = tpu.vector_load_idx %arg10[%broadcast_in_dim3A_343, %add3A_19] : memref<32x128xf32, #tpu.memory_space<vmem>>[vector<16xi32>, vector<16xi32>], vector<16xf32>,
        %add3A_347 = arith.constant 16 : i32
        %add3A_348 = vector.broadcast %add3A_347 : i32 to vector<16xi32>
        %add3A_349 = arith.addi %broadcast_in_dim3A_343, %add3A_348 : vector<16xi32>
        %gather3A_350 = tpu.vector_load_idx %arg10[%add3A_349, %add3A_25] : memref<32x128xf32, #tpu.memory_space<vmem>>[vector<16xi32>, vector<16xi32>], vector<16xf32>,
        %mul3A_351 = arith.mulf %gather3A, %gather3A_350 : vector<16xf32>
        %gather3A_352 = tpu.vector_load_idx %arg10[%add3A_349, %add3A_31] : memref<32x128xf32, #tpu.memory_space<vmem>>[vector<16xi32>, vector<16xi32>], vector<16xf32>,
        %mul3A_353 = arith.mulf %gather3A_344, %gather3A_352 : vector<16xf32>
        %add3A_354 = arith.addf %mul3A_351, %mul3A_353 : vector<16xf32>
        %gather3A_355 = tpu.vector_load_idx %arg10[%add3A_349, %add3A_37] : memref<32x128xf32, #tpu.memory_space<vmem>>[vector<16xi32>, vector<16xi32>], vector<16xf32>,
        %mul3A_356 = arith.mulf %gather3A_345, %gather3A_355 : vector<16xf32>
        %add3A_357 = arith.addf %add3A_354, %mul3A_356 : vector<16xf32>
        %gather3A_358 = tpu.vector_load_idx %arg10[%add3A_349, %add3A_43] : memref<32x128xf32, #tpu.memory_space<vmem>>[vector<16xi32>, vector<16xi32>], vector<16xf32>,
        %mul3A_359 = arith.mulf %gather3A_346, %gather3A_358 : vector<16xf32>
        %add3A_360 = arith.addf %add3A_357, %mul3A_359 : vector<16xf32>
        %add3A_361 = arith.constant 0 : i32
        %add3A_362 = vector.broadcast %add3A_361 : i32 to vector<16xi32>
        %add3A_363 = arith.addi %iota3A, %add3A_362 : vector<16xi32>
        tpu.vector_store_idx %arg12[%add3A_363], %add3A_360 : memref<544xf32, #tpu.memory_space<vmem>>[vector<16xi32>], vector<16xf32>,
        %mul3A_364 = arith.constant 20 : i32
        %mul3A_365 = arith.muli %scan3A_341, %mul3A_364 : i32
        %add3A_366 = arith.constant 0 : i32
        %add3A_367 = arith.addi %mul3A_365, %add3A_366 : i32
        %broadcast_in_dim3A_368 = vector.broadcast %add3A_367 : i32 to vector<16xi32>
        %gather3A_369 = tpu.vector_load_idx %arg11[%broadcast_in_dim3A_368, %add3A_25] : memref<320x128xf32, #tpu.memory_space<vmem>>[vector<16xi32>, vector<16xi32>], vector<16xf32>,
        %mul3A_370 = arith.mulf %gather3A, %gather3A_369 : vector<16xf32>
        %gather3A_371 = tpu.vector_load_idx %arg11[%broadcast_in_dim3A_368, %add3A_31] : memref<320x128xf32, #tpu.memory_space<vmem>>[vector<16xi32>, vector<16xi32>], vector<16xf32>,
        %mul3A_372 = arith.mulf %gather3A_344, %gather3A_371 : vector<16xf32>
        %add3A_373 = arith.addf %mul3A_370, %mul3A_372 : vector<16xf32>
        %gather3A_374 = tpu.vector_load_idx %arg11[%broadcast_in_dim3A_368, %add3A_37] : memref<320x128xf32, #tpu.memory_space<vmem>>[vector<16xi32>, vector<16xi32>], vector<16xf32>,
        %mul3A_375 = arith.mulf %gather3A_345, %gather3A_374 : vector<16xf32>
        %add3A_376 = arith.addf %add3A_373, %mul3A_375 : vector<16xf32>
        %gather3A_377 = tpu.vector_load_idx %arg11[%broadcast_in_dim3A_368, %add3A_43] : memref<320x128xf32, #tpu.memory_space<vmem>>[vector<16xi32>, vector<16xi32>], vector<16xf32>,
        %mul3A_378 = arith.mulf %gather3A_346, %gather3A_377 : vector<16xf32>
        %add3A_379 = arith.addf %add3A_376, %mul3A_378 : vector<16xf32>
        %add3A_380 = arith.constant 17 : i32
        %add3A_381 = vector.broadcast %add3A_380 : i32 to vector<16xi32>
        %add3A_382 = arith.addi %iota3A, %add3A_381 : vector<16xi32>
        tpu.vector_store_idx %arg12[%add3A_382], %add3A_379 : memref<544xf32, #tpu.memory_space<vmem>>[vector<16xi32>], vector<16xf32>,
        %mul3A_383 = arith.constant 20 : i32
        %mul3A_384 = arith.muli %scan3A_341, %mul3A_383 : i32
        %add3A_385 = arith.constant 1 : i32
        %add3A_386 = arith.addi %mul3A_384, %add3A_385 : i32
        %broadcast_in_dim3A_387 = vector.broadcast %add3A_386 : i32 to vector<16xi32>
        %gather3A_388 = tpu.vector_load_idx %arg11[%broadcast_in_dim3A_387, %add3A_25] : memref<320x128xf32, #tpu.memory_space<vmem>>[vector<16xi32>, vector<16xi32>], vector<16xf32>,
        %mul3A_389 = arith.mulf %gather3A, %gather3A_388 : vector<16xf32>
        %gather3A_390 = tpu.vector_load_idx %arg11[%broadcast_in_dim3A_387, %add3A_31] : memref<320x128xf32, #tpu.memory_space<vmem>>[vector<16xi32>, vector<16xi32>], vector<16xf32>,
        %mul3A_391 = arith.mulf %gather3A_344, %gather3A_390 : vector<16xf32>
        %add3A_392 = arith.addf %mul3A_389, %mul3A_391 : vector<16xf32>
        %gather3A_393 = tpu.vector_load_idx %arg11[%broadcast_in_dim3A_387, %add3A_37] : memref<320x128xf32, #tpu.memory_space<vmem>>[vector<16xi32>, vector<16xi32>], vector<16xf32>,
        %mul3A_394 = arith.mulf %gather3A_345, %gather3A_393 : vector<16xf32>
        %add3A_395 = arith.addf %add3A_392, %mul3A_394 : vector<16xf32>
        %gather3A_396 = tpu.vector_load_idx %arg11[%broadcast_in_dim3A_387, %add3A_43] : memref<320x128xf32, #tpu.memory_space<vmem>>[vector<16xi32>, vector<16xi32>], vector<16xf32>,
        %mul3A_397 = arith.mulf %gather3A_346, %gather3A_396 : vector<16xf32>
        %add3A_398 = arith.addf %add3A_395, %mul3A_397 : vector<16xf32>
        %add3A_399 = arith.constant 34 : i32
        %add3A_400 = vector.broadcast %add3A_399 : i32 to vector<16xi32>
        %add3A_401 = arith.addi %iota3A, %add3A_400 : vector<16xi32>
        tpu.vector_store_idx %arg12[%add3A_401], %add3A_398 : memref<544xf32, #tpu.memory_space<vmem>>[vector<16xi32>], vector<16xf32>,
        %mul3A_402 = arith.constant 20 : i32
        %mul3A_403 = arith.muli %scan3A_341, %mul3A_402 : i32
        %add3A_404 = arith.constant 2 : i32
        %add3A_405 = arith.addi %mul3A_403, %add3A_404 : i32
        %broadcast_in_dim3A_406 = vector.broadcast %add3A_405 : i32 to vector<16xi32>
        %gather3A_407 = tpu.vector_load_idx %arg11[%broadcast_in_dim3A_406, %add3A_25] : memref<320x128xf32, #tpu.memory_space<vmem>>[vector<16xi32>, vector<16xi32>], vector<16xf32>,
        %mul3A_408 = arith.mulf %gather3A, %gather3A_407 : vector<16xf32>
        %gather3A_409 = tpu.vector_load_idx %arg11[%broadcast_in_dim3A_406, %add3A_31] : memref<320x128xf32, #tpu.memory_space<vmem>>[vector<16xi32>, vector<16xi32>], vector<16xf32>,
        %mul3A_410 = arith.mulf %gather3A_344, %gather3A_409 : vector<16xf32>
        %add3A_411 = arith.addf %mul3A_408, %mul3A_410 : vector<16xf32>
        %gather3A_412 = tpu.vector_load_idx %arg11[%broadcast_in_dim3A_406, %add3A_37] : memref<320x128xf32, #tpu.memory_space<vmem>>[vector<16xi32>, vector<16xi32>], vector<16xf32>,
        %mul3A_413 = arith.mulf %gather3A_345, %gather3A_412 : vector<16xf32>
        %add3A_414 = arith.addf %add3A_411, %mul3A_413 : vector<16xf32>
        %gather3A_415 = tpu.vector_load_idx %arg11[%broadcast_in_dim3A_406, %add3A_43] : memref<320x128xf32, #tpu.memory_space<vmem>>[vector<16xi32>, vector<16xi32>], vector<16xf32>,
        %mul3A_416 = arith.mulf %gather3A_346, %gather3A_415 : vector<16xf32>
        %add3A_417 = arith.addf %add3A_414, %mul3A_416 : vector<16xf32>
        %add3A_418 = arith.constant 51 : i32
        %add3A_419 = vector.broadcast %add3A_418 : i32 to vector<16xi32>
        %add3A_420 = arith.addi %iota3A, %add3A_419 : vector<16xi32>
        tpu.vector_store_idx %arg12[%add3A_420], %add3A_417 : memref<544xf32, #tpu.memory_space<vmem>>[vector<16xi32>], vector<16xf32>,
        %mul3A_421 = arith.constant 20 : i32
        %mul3A_422 = arith.muli %scan3A_341, %mul3A_421 : i32
        %add3A_423 = arith.constant 3 : i32
        %add3A_424 = arith.addi %mul3A_422, %add3A_423 : i32
        %broadcast_in_dim3A_425 = vector.broadcast %add3A_424 : i32 to vector<16xi32>
        %gather3A_426 = tpu.vector_load_idx %arg11[%broadcast_in_dim3A_425, %add3A_25] : memref<320x128xf32, #tpu.memory_space<vmem>>[vector<16xi32>, vector<16xi32>], vector<16xf32>,
        %mul3A_427 = arith.mulf %gather3A, %gather3A_426 : vector<16xf32>
        %gather3A_428 = tpu.vector_load_idx %arg11[%broadcast_in_dim3A_425, %add3A_31] : memref<320x128xf32, #tpu.memory_space<vmem>>[vector<16xi32>, vector<16xi32>], vector<16xf32>,
        %mul3A_429 = arith.mulf %gather3A_344, %gather3A_428 : vector<16xf32>
        %add3A_430 = arith.addf %mul3A_427, %mul3A_429 : vector<16xf32>
        %gather3A_431 = tpu.vector_load_idx %arg11[%broadcast_in_dim3A_425, %add3A_37] : memref<320x128xf32, #tpu.memory_space<vmem>>[vector<16xi32>, vector<16xi32>], vector<16xf32>,
        %mul3A_432 = arith.mulf %gather3A_345, %gather3A_431 : vector<16xf32>
        %add3A_433 = arith.addf %add3A_430, %mul3A_432 : vector<16xf32>
        %gather3A_434 = tpu.vector_load_idx %arg11[%broadcast_in_dim3A_425, %add3A_43] : memref<320x128xf32, #tpu.memory_space<vmem>>[vector<16xi32>, vector<16xi32>], vector<16xf32>,
        %mul3A_435 = arith.mulf %gather3A_346, %gather3A_434 : vector<16xf32>
        %add3A_436 = arith.addf %add3A_433, %mul3A_435 : vector<16xf32>
        %add3A_437 = arith.constant 68 : i32
        %add3A_438 = vector.broadcast %add3A_437 : i32 to vector<16xi32>
        %add3A_439 = arith.addi %iota3A, %add3A_438 : vector<16xi32>
        tpu.vector_store_idx %arg12[%add3A_439], %add3A_436 : memref<544xf32, #tpu.memory_space<vmem>>[vector<16xi32>], vector<16xf32>,
        %mul3A_440 = arith.constant 20 : i32
        %mul3A_441 = arith.muli %scan3A_341, %mul3A_440 : i32
        %add3A_442 = arith.constant 4 : i32
        %add3A_443 = arith.addi %mul3A_441, %add3A_442 : i32
        %broadcast_in_dim3A_444 = vector.broadcast %add3A_443 : i32 to vector<16xi32>
        %gather3A_445 = tpu.vector_load_idx %arg11[%broadcast_in_dim3A_444, %add3A_25] : memref<320x128xf32, #tpu.memory_space<vmem>>[vector<16xi32>, vector<16xi32>], vector<16xf32>,
        %mul3A_446 = arith.mulf %gather3A, %gather3A_445 : vector<16xf32>
        %gather3A_447 = tpu.vector_load_idx %arg11[%broadcast_in_dim3A_444, %add3A_31] : memref<320x128xf32, #tpu.memory_space<vmem>>[vector<16xi32>, vector<16xi32>], vector<16xf32>,
        %mul3A_448 = arith.mulf %gather3A_344, %gather3A_447 : vector<16xf32>
        %add3A_449 = arith.addf %mul3A_446, %mul3A_448 : vector<16xf32>
        %gather3A_450 = tpu.vector_load_idx %arg11[%broadcast_in_dim3A_444, %add3A_37] : memref<320x128xf32, #tpu.memory_space<vmem>>[vector<16xi32>, vector<16xi32>], vector<16xf32>,
        %mul3A_451 = arith.mulf %gather3A_345, %gather3A_450 : vector<16xf32>
        %add3A_452 = arith.addf %add3A_449, %mul3A_451 : vector<16xf32>
        %gather3A_453 = tpu.vector_load_idx %arg11[%broadcast_in_dim3A_444, %add3A_43] : memref<320x128xf32, #tpu.memory_space<vmem>>[vector<16xi32>, vector<16xi32>], vector<16xf32>,
        %mul3A_454 = arith.mulf %gather3A_346, %gather3A_453 : vector<16xf32>
        %add3A_455 = arith.addf %add3A_452, %mul3A_454 : vector<16xf32>
        %add3A_456 = arith.constant 85 : i32
        %add3A_457 = vector.broadcast %add3A_456 : i32 to vector<16xi32>
        %add3A_458 = arith.addi %iota3A, %add3A_457 : vector<16xi32>
        tpu.vector_store_idx %arg12[%add3A_458], %add3A_455 : memref<544xf32, #tpu.memory_space<vmem>>[vector<16xi32>], vector<16xf32>,
        %mul3A_459 = arith.constant 20 : i32
        %mul3A_460 = arith.muli %scan3A_341, %mul3A_459 : i32
        %add3A_461 = arith.constant 5 : i32
        %add3A_462 = arith.addi %mul3A_460, %add3A_461 : i32
        %broadcast_in_dim3A_463 = vector.broadcast %add3A_462 : i32 to vector<16xi32>
        %gather3A_464 = tpu.vector_load_idx %arg11[%broadcast_in_dim3A_463, %add3A_25] : memref<320x128xf32, #tpu.memory_space<vmem>>[vector<16xi32>, vector<16xi32>], vector<16xf32>,
        %mul3A_465 = arith.mulf %gather3A, %gather3A_464 : vector<16xf32>
        %gather3A_466 = tpu.vector_load_idx %arg11[%broadcast_in_dim3A_463, %add3A_31] : memref<320x128xf32, #tpu.memory_space<vmem>>[vector<16xi32>, vector<16xi32>], vector<16xf32>,
        %mul3A_467 = arith.mulf %gather3A_344, %gather3A_466 : vector<16xf32>
        %add3A_468 = arith.addf %mul3A_465, %mul3A_467 : vector<16xf32>
        %gather3A_469 = tpu.vector_load_idx %arg11[%broadcast_in_dim3A_463, %add3A_37] : memref<320x128xf32, #tpu.memory_space<vmem>>[vector<16xi32>, vector<16xi32>], vector<16xf32>,
        %mul3A_470 = arith.mulf %gather3A_345, %gather3A_469 : vector<16xf32>
        %add3A_471 = arith.addf %add3A_468, %mul3A_470 : vector<16xf32>
        %gather3A_472 = tpu.vector_load_idx %arg11[%broadcast_in_dim3A_463, %add3A_43] : memref<320x128xf32, #tpu.memory_space<vmem>>[vector<16xi32>, vector<16xi32>], vector<16xf32>,
        %mul3A_473 = arith.mulf %gather3A_346, %gather3A_472 : vector<16xf32>
        %add3A_474 = arith.addf %add3A_471, %mul3A_473 : vector<16xf32>
        %add3A_475 = arith.constant 102 : i32
        %add3A_476 = vector.broadcast %add3A_475 : i32 to vector<16xi32>
        %add3A_477 = arith.addi %iota3A, %add3A_476 : vector<16xi32>
        tpu.vector_store_idx %arg12[%add3A_477], %add3A_474 : memref<544xf32, #tpu.memory_space<vmem>>[vector<16xi32>], vector<16xf32>,
        %mul3A_478 = arith.constant 20 : i32
        %mul3A_479 = arith.muli %scan3A_341, %mul3A_478 : i32
        %add3A_480 = arith.constant 6 : i32
        %add3A_481 = arith.addi %mul3A_479, %add3A_480 : i32
        %broadcast_in_dim3A_482 = vector.broadcast %add3A_481 : i32 to vector<16xi32>
        %gather3A_483 = tpu.vector_load_idx %arg11[%broadcast_in_dim3A_482, %add3A_25] : memref<320x128xf32, #tpu.memory_space<vmem>>[vector<16xi32>, vector<16xi32>], vector<16xf32>,
        %mul3A_484 = arith.mulf %gather3A, %gather3A_483 : vector<16xf32>
        %gather3A_485 = tpu.vector_load_idx %arg11[%broadcast_in_dim3A_482, %add3A_31] : memref<320x128xf32, #tpu.memory_space<vmem>>[vector<16xi32>, vector<16xi32>], vector<16xf32>,
        %mul3A_486 = arith.mulf %gather3A_344, %gather3A_485 : vector<16xf32>
        %add3A_487 = arith.addf %mul3A_484, %mul3A_486 : vector<16xf32>
        %gather3A_488 = tpu.vector_load_idx %arg11[%broadcast_in_dim3A_482, %add3A_37] : memref<320x128xf32, #tpu.memory_space<vmem>>[vector<16xi32>, vector<16xi32>], vector<16xf32>,
        %mul3A_489 = arith.mulf %gather3A_345, %gather3A_488 : vector<16xf32>
        %add3A_490 = arith.addf %add3A_487, %mul3A_489 : vector<16xf32>
        %gather3A_491 = tpu.vector_load_idx %arg11[%broadcast_in_dim3A_482, %add3A_43] : memref<320x128xf32, #tpu.memory_space<vmem>>[vector<16xi32>, vector<16xi32>], vector<16xf32>,
        %mul3A_492 = arith.mulf %gather3A_346, %gather3A_491 : vector<16xf32>
        %add3A_493 = arith.addf %add3A_490, %mul3A_492 : vector<16xf32>
        %add3A_494 = arith.constant 119 : i32
        %add3A_495 = vector.broadcast %add3A_494 : i32 to vector<16xi32>
        %add3A_496 = arith.addi %iota3A, %add3A_495 : vector<16xi32>
        tpu.vector_store_idx %arg12[%add3A_496], %add3A_493 : memref<544xf32, #tpu.memory_space<vmem>>[vector<16xi32>], vector<16xf32>,
        %mul3A_497 = arith.constant 20 : i32
        %mul3A_498 = arith.muli %scan3A_341, %mul3A_497 : i32
        %add3A_499 = arith.constant 7 : i32
        %add3A_500 = arith.addi %mul3A_498, %add3A_499 : i32
        %broadcast_in_dim3A_501 = vector.broadcast %add3A_500 : i32 to vector<16xi32>
        %gather3A_502 = tpu.vector_load_idx %arg11[%broadcast_in_dim3A_501, %add3A_25] : memref<320x128xf32, #tpu.memory_space<vmem>>[vector<16xi32>, vector<16xi32>], vector<16xf32>,
        %mul3A_503 = arith.mulf %gather3A, %gather3A_502 : vector<16xf32>
        %gather3A_504 = tpu.vector_load_idx %arg11[%broadcast_in_dim3A_501, %add3A_31] : memref<320x128xf32, #tpu.memory_space<vmem>>[vector<16xi32>, vector<16xi32>], vector<16xf32>,
        %mul3A_505 = arith.mulf %gather3A_344, %gather3A_504 : vector<16xf32>
        %add3A_506 = arith.addf %mul3A_503, %mul3A_505 : vector<16xf32>
        %gather3A_507 = tpu.vector_load_idx %arg11[%broadcast_in_dim3A_501, %add3A_37] : memref<320x128xf32, #tpu.memory_space<vmem>>[vector<16xi32>, vector<16xi32>], vector<16xf32>,
        %mul3A_508 = arith.mulf %gather3A_345, %gather3A_507 : vector<16xf32>
        %add3A_509 = arith.addf %add3A_506, %mul3A_508 : vector<16xf32>
        %gather3A_510 = tpu.vector_load_idx %arg11[%broadcast_in_dim3A_501, %add3A_43] : memref<320x128xf32, #tpu.memory_space<vmem>>[vector<16xi32>, vector<16xi32>], vector<16xf32>,
        %mul3A_511 = arith.mulf %gather3A_346, %gather3A_510 : vector<16xf32>
        %add3A_512 = arith.addf %add3A_509, %mul3A_511 : vector<16xf32>
        %add3A_513 = arith.constant 136 : i32
        %add3A_514 = vector.broadcast %add3A_513 : i32 to vector<16xi32>
        %add3A_515 = arith.addi %iota3A, %add3A_514 : vector<16xi32>
        tpu.vector_store_idx %arg12[%add3A_515], %add3A_512 : memref<544xf32, #tpu.memory_space<vmem>>[vector<16xi32>], vector<16xf32>,
        %mul3A_516 = arith.constant 20 : i32
        %mul3A_517 = arith.muli %scan3A_341, %mul3A_516 : i32
        %add3A_518 = arith.constant 8 : i32
        %add3A_519 = arith.addi %mul3A_517, %add3A_518 : i32
        %broadcast_in_dim3A_520 = vector.broadcast %add3A_519 : i32 to vector<16xi32>
        %gather3A_521 = tpu.vector_load_idx %arg11[%broadcast_in_dim3A_520, %add3A_25] : memref<320x128xf32, #tpu.memory_space<vmem>>[vector<16xi32>, vector<16xi32>], vector<16xf32>,
        %mul3A_522 = arith.mulf %gather3A, %gather3A_521 : vector<16xf32>
        %gather3A_523 = tpu.vector_load_idx %arg11[%broadcast_in_dim3A_520, %add3A_31] : memref<320x128xf32, #tpu.memory_space<vmem>>[vector<16xi32>, vector<16xi32>], vector<16xf32>,
        %mul3A_524 = arith.mulf %gather3A_344, %gather3A_523 : vector<16xf32>
        %add3A_525 = arith.addf %mul3A_522, %mul3A_524 : vector<16xf32>
        %gather3A_526 = tpu.vector_load_idx %arg11[%broadcast_in_dim3A_520, %add3A_37] : memref<320x128xf32, #tpu.memory_space<vmem>>[vector<16xi32>, vector<16xi32>], vector<16xf32>,
        %mul3A_527 = arith.mulf %gather3A_345, %gather3A_526 : vector<16xf32>
        %add3A_528 = arith.addf %add3A_525, %mul3A_527 : vector<16xf32>
        %gather3A_529 = tpu.vector_load_idx %arg11[%broadcast_in_dim3A_520, %add3A_43] : memref<320x128xf32, #tpu.memory_space<vmem>>[vector<16xi32>, vector<16xi32>], vector<16xf32>,
        %mul3A_530 = arith.mulf %gather3A_346, %gather3A_529 : vector<16xf32>
        %add3A_531 = arith.addf %add3A_528, %mul3A_530 : vector<16xf32>
        %add3A_532 = arith.constant 153 : i32
        %add3A_533 = vector.broadcast %add3A_532 : i32 to vector<16xi32>
        %add3A_534 = arith.addi %iota3A, %add3A_533 : vector<16xi32>
        tpu.vector_store_idx %arg12[%add3A_534], %add3A_531 : memref<544xf32, #tpu.memory_space<vmem>>[vector<16xi32>], vector<16xf32>,
        %mul3A_535 = arith.constant 20 : i32
        %mul3A_536 = arith.muli %scan3A_341, %mul3A_535 : i32
        %add3A_537 = arith.constant 9 : i32
        %add3A_538 = arith.addi %mul3A_536, %add3A_537 : i32
        %broadcast_in_dim3A_539 = vector.broadcast %add3A_538 : i32 to vector<16xi32>
        %gather3A_540 = tpu.vector_load_idx %arg11[%broadcast_in_dim3A_539, %add3A_25] : memref<320x128xf32, #tpu.memory_space<vmem>>[vector<16xi32>, vector<16xi32>], vector<16xf32>,
        %mul3A_541 = arith.mulf %gather3A, %gather3A_540 : vector<16xf32>
        %gather3A_542 = tpu.vector_load_idx %arg11[%broadcast_in_dim3A_539, %add3A_31] : memref<320x128xf32, #tpu.memory_space<vmem>>[vector<16xi32>, vector<16xi32>], vector<16xf32>,
        %mul3A_543 = arith.mulf %gather3A_344, %gather3A_542 : vector<16xf32>
        %add3A_544 = arith.addf %mul3A_541, %mul3A_543 : vector<16xf32>
        %gather3A_545 = tpu.vector_load_idx %arg11[%broadcast_in_dim3A_539, %add3A_37] : memref<320x128xf32, #tpu.memory_space<vmem>>[vector<16xi32>, vector<16xi32>], vector<16xf32>,
        %mul3A_546 = arith.mulf %gather3A_345, %gather3A_545 : vector<16xf32>
        %add3A_547 = arith.addf %add3A_544, %mul3A_546 : vector<16xf32>
        %gather3A_548 = tpu.vector_load_idx %arg11[%broadcast_in_dim3A_539, %add3A_43] : memref<320x128xf32, #tpu.memory_space<vmem>>[vector<16xi32>, vector<16xi32>], vector<16xf32>,
        %mul3A_549 = arith.mulf %gather3A_346, %gather3A_548 : vector<16xf32>
        %add3A_550 = arith.addf %add3A_547, %mul3A_549 : vector<16xf32>
        %add3A_551 = arith.constant 170 : i32
        %add3A_552 = vector.broadcast %add3A_551 : i32 to vector<16xi32>
        %add3A_553 = arith.addi %iota3A, %add3A_552 : vector<16xi32>
        tpu.vector_store_idx %arg12[%add3A_553], %add3A_550 : memref<544xf32, #tpu.memory_space<vmem>>[vector<16xi32>], vector<16xf32>,
        %mul3A_554 = arith.constant 20 : i32
        %mul3A_555 = arith.muli %scan3A_341, %mul3A_554 : i32
        %add3A_556 = arith.constant 10 : i32
        %add3A_557 = arith.addi %mul3A_555, %add3A_556 : i32
        %broadcast_in_dim3A_558 = vector.broadcast %add3A_557 : i32 to vector<16xi32>
        %gather3A_559 = tpu.vector_load_idx %arg11[%broadcast_in_dim3A_558, %add3A_25] : memref<320x128xf32, #tpu.memory_space<vmem>>[vector<16xi32>, vector<16xi32>], vector<16xf32>,
        %mul3A_560 = arith.mulf %gather3A, %gather3A_559 : vector<16xf32>
        %gather3A_561 = tpu.vector_load_idx %arg11[%broadcast_in_dim3A_558, %add3A_31] : memref<320x128xf32, #tpu.memory_space<vmem>>[vector<16xi32>, vector<16xi32>], vector<16xf32>,
        %mul3A_562 = arith.mulf %gather3A_344, %gather3A_561 : vector<16xf32>
        %add3A_563 = arith.addf %mul3A_560, %mul3A_562 : vector<16xf32>
        %gather3A_564 = tpu.vector_load_idx %arg11[%broadcast_in_dim3A_558, %add3A_37] : memref<320x128xf32, #tpu.memory_space<vmem>>[vector<16xi32>, vector<16xi32>], vector<16xf32>,
        %mul3A_565 = arith.mulf %gather3A_345, %gather3A_564 : vector<16xf32>
        %add3A_566 = arith.addf %add3A_563, %mul3A_565 : vector<16xf32>
        %gather3A_567 = tpu.vector_load_idx %arg11[%broadcast_in_dim3A_558, %add3A_43] : memref<320x128xf32, #tpu.memory_space<vmem>>[vector<16xi32>, vector<16xi32>], vector<16xf32>,
        %mul3A_568 = arith.mulf %gather3A_346, %gather3A_567 : vector<16xf32>
        %add3A_569 = arith.addf %add3A_566, %mul3A_568 : vector<16xf32>
        %add3A_570 = arith.constant 187 : i32
        %add3A_571 = vector.broadcast %add3A_570 : i32 to vector<16xi32>
        %add3A_572 = arith.addi %iota3A, %add3A_571 : vector<16xi32>
        tpu.vector_store_idx %arg12[%add3A_572], %add3A_569 : memref<544xf32, #tpu.memory_space<vmem>>[vector<16xi32>], vector<16xf32>,
        %mul3A_573 = arith.constant 20 : i32
        %mul3A_574 = arith.muli %scan3A_341, %mul3A_573 : i32
        %add3A_575 = arith.constant 11 : i32
        %add3A_576 = arith.addi %mul3A_574, %add3A_575 : i32
        %broadcast_in_dim3A_577 = vector.broadcast %add3A_576 : i32 to vector<16xi32>
        %gather3A_578 = tpu.vector_load_idx %arg11[%broadcast_in_dim3A_577, %add3A_25] : memref<320x128xf32, #tpu.memory_space<vmem>>[vector<16xi32>, vector<16xi32>], vector<16xf32>,
        %mul3A_579 = arith.mulf %gather3A, %gather3A_578 : vector<16xf32>
        %gather3A_580 = tpu.vector_load_idx %arg11[%broadcast_in_dim3A_577, %add3A_31] : memref<320x128xf32, #tpu.memory_space<vmem>>[vector<16xi32>, vector<16xi32>], vector<16xf32>,
        %mul3A_581 = arith.mulf %gather3A_344, %gather3A_580 : vector<16xf32>
        %add3A_582 = arith.addf %mul3A_579, %mul3A_581 : vector<16xf32>
        %gather3A_583 = tpu.vector_load_idx %arg11[%broadcast_in_dim3A_577, %add3A_37] : memref<320x128xf32, #tpu.memory_space<vmem>>[vector<16xi32>, vector<16xi32>], vector<16xf32>,
        %mul3A_584 = arith.mulf %gather3A_345, %gather3A_583 : vector<16xf32>
        %add3A_585 = arith.addf %add3A_582, %mul3A_584 : vector<16xf32>
        %gather3A_586 = tpu.vector_load_idx %arg11[%broadcast_in_dim3A_577, %add3A_43] : memref<320x128xf32, #tpu.memory_space<vmem>>[vector<16xi32>, vector<16xi32>], vector<16xf32>,
        %mul3A_587 = arith.mulf %gather3A_346, %gather3A_586 : vector<16xf32>
        %add3A_588 = arith.addf %add3A_585, %mul3A_587 : vector<16xf32>
        %add3A_589 = arith.constant 204 : i32
        %add3A_590 = vector.broadcast %add3A_589 : i32 to vector<16xi32>
        %add3A_591 = arith.addi %iota3A, %add3A_590 : vector<16xi32>
        tpu.vector_store_idx %arg12[%add3A_591], %add3A_588 : memref<544xf32, #tpu.memory_space<vmem>>[vector<16xi32>], vector<16xf32>,
        %mul3A_592 = arith.constant 20 : i32
        %mul3A_593 = arith.muli %scan3A_341, %mul3A_592 : i32
        %add3A_594 = arith.constant 12 : i32
        %add3A_595 = arith.addi %mul3A_593, %add3A_594 : i32
        %broadcast_in_dim3A_596 = vector.broadcast %add3A_595 : i32 to vector<16xi32>
        %gather3A_597 = tpu.vector_load_idx %arg11[%broadcast_in_dim3A_596, %add3A_25] : memref<320x128xf32, #tpu.memory_space<vmem>>[vector<16xi32>, vector<16xi32>], vector<16xf32>,
        %mul3A_598 = arith.mulf %gather3A, %gather3A_597 : vector<16xf32>
        %gather3A_599 = tpu.vector_load_idx %arg11[%broadcast_in_dim3A_596, %add3A_31] : memref<320x128xf32, #tpu.memory_space<vmem>>[vector<16xi32>, vector<16xi32>], vector<16xf32>,
        %mul3A_600 = arith.mulf %gather3A_344, %gather3A_599 : vector<16xf32>
        %add3A_601 = arith.addf %mul3A_598, %mul3A_600 : vector<16xf32>
        %gather3A_602 = tpu.vector_load_idx %arg11[%broadcast_in_dim3A_596, %add3A_37] : memref<320x128xf32, #tpu.memory_space<vmem>>[vector<16xi32>, vector<16xi32>], vector<16xf32>,
        %mul3A_603 = arith.mulf %gather3A_345, %gather3A_602 : vector<16xf32>
        %add3A_604 = arith.addf %add3A_601, %mul3A_603 : vector<16xf32>
        %gather3A_605 = tpu.vector_load_idx %arg11[%broadcast_in_dim3A_596, %add3A_43] : memref<320x128xf32, #tpu.memory_space<vmem>>[vector<16xi32>, vector<16xi32>], vector<16xf32>,
        %mul3A_606 = arith.mulf %gather3A_346, %gather3A_605 : vector<16xf32>
        %add3A_607 = arith.addf %add3A_604, %mul3A_606 : vector<16xf32>
        %add3A_608 = arith.constant 221 : i32
        %add3A_609 = vector.broadcast %add3A_608 : i32 to vector<16xi32>
        %add3A_610 = arith.addi %iota3A, %add3A_609 : vector<16xi32>
        tpu.vector_store_idx %arg12[%add3A_610], %add3A_607 : memref<544xf32, #tpu.memory_space<vmem>>[vector<16xi32>], vector<16xf32>,
        %mul3A_611 = arith.constant 20 : i32
        %mul3A_612 = arith.muli %scan3A_341, %mul3A_611 : i32
        %add3A_613 = arith.constant 13 : i32
        %add3A_614 = arith.addi %mul3A_612, %add3A_613 : i32
        %broadcast_in_dim3A_615 = vector.broadcast %add3A_614 : i32 to vector<16xi32>
        %gather3A_616 = tpu.vector_load_idx %arg11[%broadcast_in_dim3A_615, %add3A_25] : memref<320x128xf32, #tpu.memory_space<vmem>>[vector<16xi32>, vector<16xi32>], vector<16xf32>,
        %mul3A_617 = arith.mulf %gather3A, %gather3A_616 : vector<16xf32>
        %gather3A_618 = tpu.vector_load_idx %arg11[%broadcast_in_dim3A_615, %add3A_31] : memref<320x128xf32, #tpu.memory_space<vmem>>[vector<16xi32>, vector<16xi32>], vector<16xf32>,
        %mul3A_619 = arith.mulf %gather3A_344, %gather3A_618 : vector<16xf32>
        %add3A_620 = arith.addf %mul3A_617, %mul3A_619 : vector<16xf32>
        %gather3A_621 = tpu.vector_load_idx %arg11[%broadcast_in_dim3A_615, %add3A_37] : memref<320x128xf32, #tpu.memory_space<vmem>>[vector<16xi32>, vector<16xi32>], vector<16xf32>,
        %mul3A_622 = arith.mulf %gather3A_345, %gather3A_621 : vector<16xf32>
        %add3A_623 = arith.addf %add3A_620, %mul3A_622 : vector<16xf32>
        %gather3A_624 = tpu.vector_load_idx %arg11[%broadcast_in_dim3A_615, %add3A_43] : memref<320x128xf32, #tpu.memory_space<vmem>>[vector<16xi32>, vector<16xi32>], vector<16xf32>,
        %mul3A_625 = arith.mulf %gather3A_346, %gather3A_624 : vector<16xf32>
        %add3A_626 = arith.addf %add3A_623, %mul3A_625 : vector<16xf32>
        %add3A_627 = arith.constant 238 : i32
        %add3A_628 = vector.broadcast %add3A_627 : i32 to vector<16xi32>
        %add3A_629 = arith.addi %iota3A, %add3A_628 : vector<16xi32>
        tpu.vector_store_idx %arg12[%add3A_629], %add3A_626 : memref<544xf32, #tpu.memory_space<vmem>>[vector<16xi32>], vector<16xf32>,
        %mul3A_630 = arith.constant 20 : i32
        %mul3A_631 = arith.muli %scan3A_341, %mul3A_630 : i32
        %add3A_632 = arith.constant 14 : i32
        %add3A_633 = arith.addi %mul3A_631, %add3A_632 : i32
        %broadcast_in_dim3A_634 = vector.broadcast %add3A_633 : i32 to vector<16xi32>
        %gather3A_635 = tpu.vector_load_idx %arg11[%broadcast_in_dim3A_634, %add3A_25] : memref<320x128xf32, #tpu.memory_space<vmem>>[vector<16xi32>, vector<16xi32>], vector<16xf32>,
        %mul3A_636 = arith.mulf %gather3A, %gather3A_635 : vector<16xf32>
        %gather3A_637 = tpu.vector_load_idx %arg11[%broadcast_in_dim3A_634, %add3A_31] : memref<320x128xf32, #tpu.memory_space<vmem>>[vector<16xi32>, vector<16xi32>], vector<16xf32>,
        %mul3A_638 = arith.mulf %gather3A_344, %gather3A_637 : vector<16xf32>
        %add3A_639 = arith.addf %mul3A_636, %mul3A_638 : vector<16xf32>
        %gather3A_640 = tpu.vector_load_idx %arg11[%broadcast_in_dim3A_634, %add3A_37] : memref<320x128xf32, #tpu.memory_space<vmem>>[vector<16xi32>, vector<16xi32>], vector<16xf32>,
        %mul3A_641 = arith.mulf %gather3A_345, %gather3A_640 : vector<16xf32>
        %add3A_642 = arith.addf %add3A_639, %mul3A_641 : vector<16xf32>
        %gather3A_643 = tpu.vector_load_idx %arg11[%broadcast_in_dim3A_634, %add3A_43] : memref<320x128xf32, #tpu.memory_space<vmem>>[vector<16xi32>, vector<16xi32>], vector<16xf32>,
        %mul3A_644 = arith.mulf %gather3A_346, %gather3A_643 : vector<16xf32>
        %add3A_645 = arith.addf %add3A_642, %mul3A_644 : vector<16xf32>
        %add3A_646 = arith.constant 255 : i32
        %add3A_647 = vector.broadcast %add3A_646 : i32 to vector<16xi32>
        %add3A_648 = arith.addi %iota3A, %add3A_647 : vector<16xi32>
        tpu.vector_store_idx %arg12[%add3A_648], %add3A_645 : memref<544xf32, #tpu.memory_space<vmem>>[vector<16xi32>], vector<16xf32>,
        %mul3A_649 = arith.constant 20 : i32
        %mul3A_650 = arith.muli %scan3A_341, %mul3A_649 : i32
        %add3A_651 = arith.constant 15 : i32
        %add3A_652 = arith.addi %mul3A_650, %add3A_651 : i32
        %broadcast_in_dim3A_653 = vector.broadcast %add3A_652 : i32 to vector<16xi32>
        %gather3A_654 = tpu.vector_load_idx %arg11[%broadcast_in_dim3A_653, %add3A_25] : memref<320x128xf32, #tpu.memory_space<vmem>>[vector<16xi32>, vector<16xi32>], vector<16xf32>,
        %mul3A_655 = arith.mulf %gather3A, %gather3A_654 : vector<16xf32>
        %gather3A_656 = tpu.vector_load_idx %arg11[%broadcast_in_dim3A_653, %add3A_31] : memref<320x128xf32, #tpu.memory_space<vmem>>[vector<16xi32>, vector<16xi32>], vector<16xf32>,
        %mul3A_657 = arith.mulf %gather3A_344, %gather3A_656 : vector<16xf32>
        %add3A_658 = arith.addf %mul3A_655, %mul3A_657 : vector<16xf32>
        %gather3A_659 = tpu.vector_load_idx %arg11[%broadcast_in_dim3A_653, %add3A_37] : memref<320x128xf32, #tpu.memory_space<vmem>>[vector<16xi32>, vector<16xi32>], vector<16xf32>,
        %mul3A_660 = arith.mulf %gather3A_345, %gather3A_659 : vector<16xf32>
        %add3A_661 = arith.addf %add3A_658, %mul3A_660 : vector<16xf32>
        %gather3A_662 = tpu.vector_load_idx %arg11[%broadcast_in_dim3A_653, %add3A_43] : memref<320x128xf32, #tpu.memory_space<vmem>>[vector<16xi32>, vector<16xi32>], vector<16xf32>,
        %mul3A_663 = arith.mulf %gather3A_346, %gather3A_662 : vector<16xf32>
        %add3A_664 = arith.addf %add3A_661, %mul3A_663 : vector<16xf32>
        %add3A_665 = arith.constant 272 : i32
        %add3A_666 = vector.broadcast %add3A_665 : i32 to vector<16xi32>
        %add3A_667 = arith.addi %iota3A, %add3A_666 : vector<16xi32>
        tpu.vector_store_idx %arg12[%add3A_667], %add3A_664 : memref<544xf32, #tpu.memory_space<vmem>>[vector<16xi32>], vector<16xf32>,
        %mul3A_668 = arith.constant 20 : i32
        %mul3A_669 = arith.muli %scan3A_341, %mul3A_668 : i32
        %add3A_670 = arith.constant 16 : i32
        %add3A_671 = arith.addi %mul3A_669, %add3A_670 : i32
        %broadcast_in_dim3A_672 = vector.broadcast %add3A_671 : i32 to vector<16xi32>
        %gather3A_673 = tpu.vector_load_idx %arg11[%broadcast_in_dim3A_672, %add3A_25] : memref<320x128xf32, #tpu.memory_space<vmem>>[vector<16xi32>, vector<16xi32>], vector<16xf32>,
        %mul3A_674 = arith.mulf %gather3A, %gather3A_673 : vector<16xf32>
        %gather3A_675 = tpu.vector_load_idx %arg11[%broadcast_in_dim3A_672, %add3A_31] : memref<320x128xf32, #tpu.memory_space<vmem>>[vector<16xi32>, vector<16xi32>], vector<16xf32>,
        %mul3A_676 = arith.mulf %gather3A_344, %gather3A_675 : vector<16xf32>
        %add3A_677 = arith.addf %mul3A_674, %mul3A_676 : vector<16xf32>
        %gather3A_678 = tpu.vector_load_idx %arg11[%broadcast_in_dim3A_672, %add3A_37] : memref<320x128xf32, #tpu.memory_space<vmem>>[vector<16xi32>, vector<16xi32>], vector<16xf32>,
        %mul3A_679 = arith.mulf %gather3A_345, %gather3A_678 : vector<16xf32>
        %add3A_680 = arith.addf %add3A_677, %mul3A_679 : vector<16xf32>
        %gather3A_681 = tpu.vector_load_idx %arg11[%broadcast_in_dim3A_672, %add3A_43] : memref<320x128xf32, #tpu.memory_space<vmem>>[vector<16xi32>, vector<16xi32>], vector<16xf32>,
        %mul3A_682 = arith.mulf %gather3A_346, %gather3A_681 : vector<16xf32>
        %add3A_683 = arith.addf %add3A_680, %mul3A_682 : vector<16xf32>
        %add3A_684 = arith.constant 289 : i32
        %add3A_685 = vector.broadcast %add3A_684 : i32 to vector<16xi32>
        %add3A_686 = arith.addi %iota3A, %add3A_685 : vector<16xi32>
        tpu.vector_store_idx %arg12[%add3A_686], %add3A_683 : memref<544xf32, #tpu.memory_space<vmem>>[vector<16xi32>], vector<16xf32>,
        %mul3A_687 = arith.constant 20 : i32
        %mul3A_688 = arith.muli %scan3A_341, %mul3A_687 : i32
        %add3A_689 = arith.constant 17 : i32
        %add3A_690 = arith.addi %mul3A_688, %add3A_689 : i32
        %broadcast_in_dim3A_691 = vector.broadcast %add3A_690 : i32 to vector<16xi32>
        %gather3A_692 = tpu.vector_load_idx %arg11[%broadcast_in_dim3A_691, %add3A_25] : memref<320x128xf32, #tpu.memory_space<vmem>>[vector<16xi32>, vector<16xi32>], vector<16xf32>,
        %mul3A_693 = arith.mulf %gather3A, %gather3A_692 : vector<16xf32>
        %gather3A_694 = tpu.vector_load_idx %arg11[%broadcast_in_dim3A_691, %add3A_31] : memref<320x128xf32, #tpu.memory_space<vmem>>[vector<16xi32>, vector<16xi32>], vector<16xf32>,
        %mul3A_695 = arith.mulf %gather3A_344, %gather3A_694 : vector<16xf32>
        %add3A_696 = arith.addf %mul3A_693, %mul3A_695 : vector<16xf32>
        %gather3A_697 = tpu.vector_load_idx %arg11[%broadcast_in_dim3A_691, %add3A_37] : memref<320x128xf32, #tpu.memory_space<vmem>>[vector<16xi32>, vector<16xi32>], vector<16xf32>,
        %mul3A_698 = arith.mulf %gather3A_345, %gather3A_697 : vector<16xf32>
        %add3A_699 = arith.addf %add3A_696, %mul3A_698 : vector<16xf32>
        %gather3A_700 = tpu.vector_load_idx %arg11[%broadcast_in_dim3A_691, %add3A_43] : memref<320x128xf32, #tpu.memory_space<vmem>>[vector<16xi32>, vector<16xi32>], vector<16xf32>,
        %mul3A_701 = arith.mulf %gather3A_346, %gather3A_700 : vector<16xf32>
        %add3A_702 = arith.addf %add3A_699, %mul3A_701 : vector<16xf32>
        %add3A_703 = arith.constant 306 : i32
        %add3A_704 = vector.broadcast %add3A_703 : i32 to vector<16xi32>
        %add3A_705 = arith.addi %iota3A, %add3A_704 : vector<16xi32>
        tpu.vector_store_idx %arg12[%add3A_705], %add3A_702 : memref<544xf32, #tpu.memory_space<vmem>>[vector<16xi32>], vector<16xf32>,
        %mul3A_706 = arith.constant 20 : i32
        %mul3A_707 = arith.muli %scan3A_341, %mul3A_706 : i32
        %add3A_708 = arith.constant 18 : i32
        %add3A_709 = arith.addi %mul3A_707, %add3A_708 : i32
        %broadcast_in_dim3A_710 = vector.broadcast %add3A_709 : i32 to vector<16xi32>
        %gather3A_711 = tpu.vector_load_idx %arg11[%broadcast_in_dim3A_710, %add3A_25] : memref<320x128xf32, #tpu.memory_space<vmem>>[vector<16xi32>, vector<16xi32>], vector<16xf32>,
        %mul3A_712 = arith.mulf %gather3A, %gather3A_711 : vector<16xf32>
        %gather3A_713 = tpu.vector_load_idx %arg11[%broadcast_in_dim3A_710, %add3A_31] : memref<320x128xf32, #tpu.memory_space<vmem>>[vector<16xi32>, vector<16xi32>], vector<16xf32>,
        %mul3A_714 = arith.mulf %gather3A_344, %gather3A_713 : vector<16xf32>
        %add3A_715 = arith.addf %mul3A_712, %mul3A_714 : vector<16xf32>
        %gather3A_716 = tpu.vector_load_idx %arg11[%broadcast_in_dim3A_710, %add3A_37] : memref<320x128xf32, #tpu.memory_space<vmem>>[vector<16xi32>, vector<16xi32>], vector<16xf32>,
        %mul3A_717 = arith.mulf %gather3A_345, %gather3A_716 : vector<16xf32>
        %add3A_718 = arith.addf %add3A_715, %mul3A_717 : vector<16xf32>
        %gather3A_719 = tpu.vector_load_idx %arg11[%broadcast_in_dim3A_710, %add3A_43] : memref<320x128xf32, #tpu.memory_space<vmem>>[vector<16xi32>, vector<16xi32>], vector<16xf32>,
        %mul3A_720 = arith.mulf %gather3A_346, %gather3A_719 : vector<16xf32>
        %add3A_721 = arith.addf %add3A_718, %mul3A_720 : vector<16xf32>
        %add3A_722 = arith.constant 323 : i32
        %add3A_723 = vector.broadcast %add3A_722 : i32 to vector<16xi32>
        %add3A_724 = arith.addi %iota3A, %add3A_723 : vector<16xi32>
        tpu.vector_store_idx %arg12[%add3A_724], %add3A_721 : memref<544xf32, #tpu.memory_space<vmem>>[vector<16xi32>], vector<16xf32>,
        %mul3A_725 = arith.constant 20 : i32
        %mul3A_726 = arith.muli %scan3A_341, %mul3A_725 : i32
        %add3A_727 = arith.constant 19 : i32
        %add3A_728 = arith.addi %mul3A_726, %add3A_727 : i32
        %broadcast_in_dim3A_729 = vector.broadcast %add3A_728 : i32 to vector<16xi32>
        %gather3A_730 = tpu.vector_load_idx %arg11[%broadcast_in_dim3A_729, %add3A_25] : memref<320x128xf32, #tpu.memory_space<vmem>>[vector<16xi32>, vector<16xi32>], vector<16xf32>,
        %mul3A_731 = arith.mulf %gather3A, %gather3A_730 : vector<16xf32>
        %gather3A_732 = tpu.vector_load_idx %arg11[%broadcast_in_dim3A_729, %add3A_31] : memref<320x128xf32, #tpu.memory_space<vmem>>[vector<16xi32>, vector<16xi32>], vector<16xf32>,
        %mul3A_733 = arith.mulf %gather3A_344, %gather3A_732 : vector<16xf32>
        %add3A_734 = arith.addf %mul3A_731, %mul3A_733 : vector<16xf32>
        %gather3A_735 = tpu.vector_load_idx %arg11[%broadcast_in_dim3A_729, %add3A_37] : memref<320x128xf32, #tpu.memory_space<vmem>>[vector<16xi32>, vector<16xi32>], vector<16xf32>,
        %mul3A_736 = arith.mulf %gather3A_345, %gather3A_735 : vector<16xf32>
        %add3A_737 = arith.addf %add3A_734, %mul3A_736 : vector<16xf32>
        %gather3A_738 = tpu.vector_load_idx %arg11[%broadcast_in_dim3A_729, %add3A_43] : memref<320x128xf32, #tpu.memory_space<vmem>>[vector<16xi32>, vector<16xi32>], vector<16xf32>,
        %mul3A_739 = arith.mulf %gather3A_346, %gather3A_738 : vector<16xf32>
        %add3A_740 = arith.addf %add3A_737, %mul3A_739 : vector<16xf32>
        %add3A_741 = arith.constant 340 : i32
        %add3A_742 = vector.broadcast %add3A_741 : i32 to vector<16xi32>
        %add3A_743 = arith.addi %iota3A, %add3A_742 : vector<16xi32>
        tpu.vector_store_idx %arg12[%add3A_743], %add3A_740 : memref<544xf32, #tpu.memory_space<vmem>>[vector<16xi32>], vector<16xf32>,
        %mul3A_744 = arith.constant 17 : i32
        %mul3A_745 = vector.broadcast %mul3A_744 : i32 to vector<16xi32>
        %mul3A_746 = arith.muli %iota3A, %mul3A_745 : vector<16xi32>
        %gather3A_747 = tpu.vector_load_idx %arg12[%mul3A_746] : memref<544xf32, #tpu.memory_space<vmem>>[vector<16xi32>], vector<16xf32>,
        %mul3A_748 = arith.constant 17 : i32
        %mul3A_749 = vector.broadcast %mul3A_748 : i32 to vector<16xi32>
        %mul3A_750 = arith.muli %iota3A, %mul3A_749 : vector<16xi32>
        %add3A_751 = arith.constant 272 : i32
        %add3A_752 = vector.broadcast %add3A_751 : i32 to vector<16xi32>
        %add3A_753 = arith.addi %mul3A_750, %add3A_752 : vector<16xi32>
        %gather3A_754 = tpu.vector_load_idx %arg12[%add3A_753] : memref<544xf32, #tpu.memory_space<vmem>>[vector<16xi32>], vector<16xf32>,
        %mul3A_755 = arith.constant 17 : i32
        %mul3A_756 = vector.broadcast %mul3A_755 : i32 to vector<16xi32>
        %mul3A_757 = arith.muli %iota3A, %mul3A_756 : vector<16xi32>
        %add3A_758 = arith.constant 1 : i32
        %add3A_759 = vector.broadcast %add3A_758 : i32 to vector<16xi32>
        %add3A_760 = arith.addi %mul3A_757, %add3A_759 : vector<16xi32>
        %gather3A_761 = tpu.vector_load_idx %arg12[%add3A_760] : memref<544xf32, #tpu.memory_space<vmem>>[vector<16xi32>], vector<16xf32>,
        %add3A_762 = arith.addf %gather3A_747, %gather3A_761 : vector<16xf32>
        %mul3A_763 = arith.constant 17 : i32
        %mul3A_764 = vector.broadcast %mul3A_763 : i32 to vector<16xi32>
        %mul3A_765 = arith.muli %iota3A, %mul3A_764 : vector<16xi32>
        %add3A_766 = arith.constant 272 : i32
        %add3A_767 = vector.broadcast %add3A_766 : i32 to vector<16xi32>
        %add3A_768 = arith.addi %mul3A_765, %add3A_767 : vector<16xi32>
        %add3A_769 = arith.constant 1 : i32
        %add3A_770 = vector.broadcast %add3A_769 : i32 to vector<16xi32>
        %add3A_771 = arith.addi %add3A_768, %add3A_770 : vector<16xi32>
        %gather3A_772 = tpu.vector_load_idx %arg12[%add3A_771] : memref<544xf32, #tpu.memory_space<vmem>>[vector<16xi32>], vector<16xf32>,
        %add3A_773 = arith.addf %gather3A_754, %gather3A_772 : vector<16xf32>
        %mul3A_774 = arith.constant 17 : i32
        %mul3A_775 = vector.broadcast %mul3A_774 : i32 to vector<16xi32>
        %mul3A_776 = arith.muli %iota3A, %mul3A_775 : vector<16xi32>
        %add3A_777 = arith.constant 2 : i32
        %add3A_778 = vector.broadcast %add3A_777 : i32 to vector<16xi32>
        %add3A_779 = arith.addi %mul3A_776, %add3A_778 : vector<16xi32>
        %gather3A_780 = tpu.vector_load_idx %arg12[%add3A_779] : memref<544xf32, #tpu.memory_space<vmem>>[vector<16xi32>], vector<16xf32>,
        %add3A_781 = arith.addf %add3A_762, %gather3A_780 : vector<16xf32>
        %mul3A_782 = arith.constant 17 : i32
        %mul3A_783 = vector.broadcast %mul3A_782 : i32 to vector<16xi32>
        %mul3A_784 = arith.muli %iota3A, %mul3A_783 : vector<16xi32>
        %add3A_785 = arith.constant 272 : i32
        %add3A_786 = vector.broadcast %add3A_785 : i32 to vector<16xi32>
        %add3A_787 = arith.addi %mul3A_784, %add3A_786 : vector<16xi32>
        %add3A_788 = arith.constant 2 : i32
        %add3A_789 = vector.broadcast %add3A_788 : i32 to vector<16xi32>
        %add3A_790 = arith.addi %add3A_787, %add3A_789 : vector<16xi32>
        %gather3A_791 = tpu.vector_load_idx %arg12[%add3A_790] : memref<544xf32, #tpu.memory_space<vmem>>[vector<16xi32>], vector<16xf32>,
        %add3A_792 = arith.addf %add3A_773, %gather3A_791 : vector<16xf32>
        %mul3A_793 = arith.constant 17 : i32
        %mul3A_794 = vector.broadcast %mul3A_793 : i32 to vector<16xi32>
        %mul3A_795 = arith.muli %iota3A, %mul3A_794 : vector<16xi32>
        %add3A_796 = arith.constant 3 : i32
        %add3A_797 = vector.broadcast %add3A_796 : i32 to vector<16xi32>
        %add3A_798 = arith.addi %mul3A_795, %add3A_797 : vector<16xi32>
        %gather3A_799 = tpu.vector_load_idx %arg12[%add3A_798] : memref<544xf32, #tpu.memory_space<vmem>>[vector<16xi32>], vector<16xf32>,
        %add3A_800 = arith.addf %add3A_781, %gather3A_799 : vector<16xf32>
        %mul3A_801 = arith.constant 17 : i32
        %mul3A_802 = vector.broadcast %mul3A_801 : i32 to vector<16xi32>
        %mul3A_803 = arith.muli %iota3A, %mul3A_802 : vector<16xi32>
        %add3A_804 = arith.constant 272 : i32
        %add3A_805 = vector.broadcast %add3A_804 : i32 to vector<16xi32>
        %add3A_806 = arith.addi %mul3A_803, %add3A_805 : vector<16xi32>
        %add3A_807 = arith.constant 3 : i32
        %add3A_808 = vector.broadcast %add3A_807 : i32 to vector<16xi32>
        %add3A_809 = arith.addi %add3A_806, %add3A_808 : vector<16xi32>
        %gather3A_810 = tpu.vector_load_idx %arg12[%add3A_809] : memref<544xf32, #tpu.memory_space<vmem>>[vector<16xi32>], vector<16xf32>,
        %add3A_811 = arith.addf %add3A_792, %gather3A_810 : vector<16xf32>
        %mul3A_812 = arith.constant 17 : i32
        %mul3A_813 = vector.broadcast %mul3A_812 : i32 to vector<16xi32>
        %mul3A_814 = arith.muli %iota3A, %mul3A_813 : vector<16xi32>
        %add3A_815 = arith.constant 4 : i32
        %add3A_816 = vector.broadcast %add3A_815 : i32 to vector<16xi32>
        %add3A_817 = arith.addi %mul3A_814, %add3A_816 : vector<16xi32>
        %gather3A_818 = tpu.vector_load_idx %arg12[%add3A_817] : memref<544xf32, #tpu.memory_space<vmem>>[vector<16xi32>], vector<16xf32>,
        %add3A_819 = arith.addf %add3A_800, %gather3A_818 : vector<16xf32>
        %mul3A_820 = arith.constant 17 : i32
        %mul3A_821 = vector.broadcast %mul3A_820 : i32 to vector<16xi32>
        %mul3A_822 = arith.muli %iota3A, %mul3A_821 : vector<16xi32>
        %add3A_823 = arith.constant 272 : i32
        %add3A_824 = vector.broadcast %add3A_823 : i32 to vector<16xi32>
        %add3A_825 = arith.addi %mul3A_822, %add3A_824 : vector<16xi32>
        %add3A_826 = arith.constant 4 : i32
        %add3A_827 = vector.broadcast %add3A_826 : i32 to vector<16xi32>
        %add3A_828 = arith.addi %add3A_825, %add3A_827 : vector<16xi32>
        %gather3A_829 = tpu.vector_load_idx %arg12[%add3A_828] : memref<544xf32, #tpu.memory_space<vmem>>[vector<16xi32>], vector<16xf32>,
        %add3A_830 = arith.addf %add3A_811, %gather3A_829 : vector<16xf32>
        %mul3A_831 = arith.constant 17 : i32
        %mul3A_832 = vector.broadcast %mul3A_831 : i32 to vector<16xi32>
        %mul3A_833 = arith.muli %iota3A, %mul3A_832 : vector<16xi32>
        %add3A_834 = arith.constant 5 : i32
        %add3A_835 = vector.broadcast %add3A_834 : i32 to vector<16xi32>
        %add3A_836 = arith.addi %mul3A_833, %add3A_835 : vector<16xi32>
        %gather3A_837 = tpu.vector_load_idx %arg12[%add3A_836] : memref<544xf32, #tpu.memory_space<vmem>>[vector<16xi32>], vector<16xf32>,
        %add3A_838 = arith.addf %add3A_819, %gather3A_837 : vector<16xf32>
        %mul3A_839 = arith.constant 17 : i32
        %mul3A_840 = vector.broadcast %mul3A_839 : i32 to vector<16xi32>
        %mul3A_841 = arith.muli %iota3A, %mul3A_840 : vector<16xi32>
        %add3A_842 = arith.constant 272 : i32
        %add3A_843 = vector.broadcast %add3A_842 : i32 to vector<16xi32>
        %add3A_844 = arith.addi %mul3A_841, %add3A_843 : vector<16xi32>
        %add3A_845 = arith.constant 5 : i32
        %add3A_846 = vector.broadcast %add3A_845 : i32 to vector<16xi32>
        %add3A_847 = arith.addi %add3A_844, %add3A_846 : vector<16xi32>
        %gather3A_848 = tpu.vector_load_idx %arg12[%add3A_847] : memref<544xf32, #tpu.memory_space<vmem>>[vector<16xi32>], vector<16xf32>,
        %add3A_849 = arith.addf %add3A_830, %gather3A_848 : vector<16xf32>
        %mul3A_850 = arith.constant 17 : i32
        %mul3A_851 = vector.broadcast %mul3A_850 : i32 to vector<16xi32>
        %mul3A_852 = arith.muli %iota3A, %mul3A_851 : vector<16xi32>
        %add3A_853 = arith.constant 6 : i32
        %add3A_854 = vector.broadcast %add3A_853 : i32 to vector<16xi32>
        %add3A_855 = arith.addi %mul3A_852, %add3A_854 : vector<16xi32>
        %gather3A_856 = tpu.vector_load_idx %arg12[%add3A_855] : memref<544xf32, #tpu.memory_space<vmem>>[vector<16xi32>], vector<16xf32>,
        %add3A_857 = arith.addf %add3A_838, %gather3A_856 : vector<16xf32>
        %mul3A_858 = arith.constant 17 : i32
        %mul3A_859 = vector.broadcast %mul3A_858 : i32 to vector<16xi32>
        %mul3A_860 = arith.muli %iota3A, %mul3A_859 : vector<16xi32>
        %add3A_861 = arith.constant 272 : i32
        %add3A_862 = vector.broadcast %add3A_861 : i32 to vector<16xi32>
        %add3A_863 = arith.addi %mul3A_860, %add3A_862 : vector<16xi32>
        %add3A_864 = arith.constant 6 : i32
        %add3A_865 = vector.broadcast %add3A_864 : i32 to vector<16xi32>
        %add3A_866 = arith.addi %add3A_863, %add3A_865 : vector<16xi32>
        %gather3A_867 = tpu.vector_load_idx %arg12[%add3A_866] : memref<544xf32, #tpu.memory_space<vmem>>[vector<16xi32>], vector<16xf32>,
        %add3A_868 = arith.addf %add3A_849, %gather3A_867 : vector<16xf32>
        %mul3A_869 = arith.constant 17 : i32
        %mul3A_870 = vector.broadcast %mul3A_869 : i32 to vector<16xi32>
        %mul3A_871 = arith.muli %iota3A, %mul3A_870 : vector<16xi32>
        %add3A_872 = arith.constant 7 : i32
        %add3A_873 = vector.broadcast %add3A_872 : i32 to vector<16xi32>
        %add3A_874 = arith.addi %mul3A_871, %add3A_873 : vector<16xi32>
        %gather3A_875 = tpu.vector_load_idx %arg12[%add3A_874] : memref<544xf32, #tpu.memory_space<vmem>>[vector<16xi32>], vector<16xf32>,
        %add3A_876 = arith.addf %add3A_857, %gather3A_875 : vector<16xf32>
        %mul3A_877 = arith.constant 17 : i32
        %mul3A_878 = vector.broadcast %mul3A_877 : i32 to vector<16xi32>
        %mul3A_879 = arith.muli %iota3A, %mul3A_878 : vector<16xi32>
        %add3A_880 = arith.constant 272 : i32
        %add3A_881 = vector.broadcast %add3A_880 : i32 to vector<16xi32>
        %add3A_882 = arith.addi %mul3A_879, %add3A_881 : vector<16xi32>
        %add3A_883 = arith.constant 7 : i32
        %add3A_884 = vector.broadcast %add3A_883 : i32 to vector<16xi32>
        %add3A_885 = arith.addi %add3A_882, %add3A_884 : vector<16xi32>
        %gather3A_886 = tpu.vector_load_idx %arg12[%add3A_885] : memref<544xf32, #tpu.memory_space<vmem>>[vector<16xi32>], vector<16xf32>,
        %add3A_887 = arith.addf %add3A_868, %gather3A_886 : vector<16xf32>
        %mul3A_888 = arith.constant 17 : i32
        %mul3A_889 = vector.broadcast %mul3A_888 : i32 to vector<16xi32>
        %mul3A_890 = arith.muli %iota3A, %mul3A_889 : vector<16xi32>
        %add3A_891 = arith.constant 8 : i32
        %add3A_892 = vector.broadcast %add3A_891 : i32 to vector<16xi32>
        %add3A_893 = arith.addi %mul3A_890, %add3A_892 : vector<16xi32>
        %gather3A_894 = tpu.vector_load_idx %arg12[%add3A_893] : memref<544xf32, #tpu.memory_space<vmem>>[vector<16xi32>], vector<16xf32>,
        %add3A_895 = arith.addf %add3A_876, %gather3A_894 : vector<16xf32>
        %mul3A_896 = arith.constant 17 : i32
        %mul3A_897 = vector.broadcast %mul3A_896 : i32 to vector<16xi32>
        %mul3A_898 = arith.muli %iota3A, %mul3A_897 : vector<16xi32>
        %add3A_899 = arith.constant 272 : i32
        %add3A_900 = vector.broadcast %add3A_899 : i32 to vector<16xi32>
        %add3A_901 = arith.addi %mul3A_898, %add3A_900 : vector<16xi32>
        %add3A_902 = arith.constant 8 : i32
        %add3A_903 = vector.broadcast %add3A_902 : i32 to vector<16xi32>
        %add3A_904 = arith.addi %add3A_901, %add3A_903 : vector<16xi32>
        %gather3A_905 = tpu.vector_load_idx %arg12[%add3A_904] : memref<544xf32, #tpu.memory_space<vmem>>[vector<16xi32>], vector<16xf32>,
        %add3A_906 = arith.addf %add3A_887, %gather3A_905 : vector<16xf32>
        %mul3A_907 = arith.constant 17 : i32
        %mul3A_908 = vector.broadcast %mul3A_907 : i32 to vector<16xi32>
        %mul3A_909 = arith.muli %iota3A, %mul3A_908 : vector<16xi32>
        %add3A_910 = arith.constant 9 : i32
        %add3A_911 = vector.broadcast %add3A_910 : i32 to vector<16xi32>
        %add3A_912 = arith.addi %mul3A_909, %add3A_911 : vector<16xi32>
        %gather3A_913 = tpu.vector_load_idx %arg12[%add3A_912] : memref<544xf32, #tpu.memory_space<vmem>>[vector<16xi32>], vector<16xf32>,
        %add3A_914 = arith.addf %add3A_895, %gather3A_913 : vector<16xf32>
        %mul3A_915 = arith.constant 17 : i32
        %mul3A_916 = vector.broadcast %mul3A_915 : i32 to vector<16xi32>
        %mul3A_917 = arith.muli %iota3A, %mul3A_916 : vector<16xi32>
        %add3A_918 = arith.constant 272 : i32
        %add3A_919 = vector.broadcast %add3A_918 : i32 to vector<16xi32>
        %add3A_920 = arith.addi %mul3A_917, %add3A_919 : vector<16xi32>
        %add3A_921 = arith.constant 9 : i32
        %add3A_922 = vector.broadcast %add3A_921 : i32 to vector<16xi32>
        %add3A_923 = arith.addi %add3A_920, %add3A_922 : vector<16xi32>
        %gather3A_924 = tpu.vector_load_idx %arg12[%add3A_923] : memref<544xf32, #tpu.memory_space<vmem>>[vector<16xi32>], vector<16xf32>,
        %add3A_925 = arith.addf %add3A_906, %gather3A_924 : vector<16xf32>
        %mul3A_926 = arith.constant 17 : i32
        %mul3A_927 = vector.broadcast %mul3A_926 : i32 to vector<16xi32>
        %mul3A_928 = arith.muli %iota3A, %mul3A_927 : vector<16xi32>
        %add3A_929 = arith.constant 10 : i32
        %add3A_930 = vector.broadcast %add3A_929 : i32 to vector<16xi32>
        %add3A_931 = arith.addi %mul3A_928, %add3A_930 : vector<16xi32>
        %gather3A_932 = tpu.vector_load_idx %arg12[%add3A_931] : memref<544xf32, #tpu.memory_space<vmem>>[vector<16xi32>], vector<16xf32>,
        %add3A_933 = arith.addf %add3A_914, %gather3A_932 : vector<16xf32>
        %mul3A_934 = arith.constant 17 : i32
        %mul3A_935 = vector.broadcast %mul3A_934 : i32 to vector<16xi32>
        %mul3A_936 = arith.muli %iota3A, %mul3A_935 : vector<16xi32>
        %add3A_937 = arith.constant 272 : i32
        %add3A_938 = vector.broadcast %add3A_937 : i32 to vector<16xi32>
        %add3A_939 = arith.addi %mul3A_936, %add3A_938 : vector<16xi32>
        %add3A_940 = arith.constant 10 : i32
        %add3A_941 = vector.broadcast %add3A_940 : i32 to vector<16xi32>
        %add3A_942 = arith.addi %add3A_939, %add3A_941 : vector<16xi32>
        %gather3A_943 = tpu.vector_load_idx %arg12[%add3A_942] : memref<544xf32, #tpu.memory_space<vmem>>[vector<16xi32>], vector<16xf32>,
        %add3A_944 = arith.addf %add3A_925, %gather3A_943 : vector<16xf32>
        %mul3A_945 = arith.constant 17 : i32
        %mul3A_946 = vector.broadcast %mul3A_945 : i32 to vector<16xi32>
        %mul3A_947 = arith.muli %iota3A, %mul3A_946 : vector<16xi32>
        %add3A_948 = arith.constant 11 : i32
        %add3A_949 = vector.broadcast %add3A_948 : i32 to vector<16xi32>
        %add3A_950 = arith.addi %mul3A_947, %add3A_949 : vector<16xi32>
        %gather3A_951 = tpu.vector_load_idx %arg12[%add3A_950] : memref<544xf32, #tpu.memory_space<vmem>>[vector<16xi32>], vector<16xf32>,
        %add3A_952 = arith.addf %add3A_933, %gather3A_951 : vector<16xf32>
        %mul3A_953 = arith.constant 17 : i32
        %mul3A_954 = vector.broadcast %mul3A_953 : i32 to vector<16xi32>
        %mul3A_955 = arith.muli %iota3A, %mul3A_954 : vector<16xi32>
        %add3A_956 = arith.constant 272 : i32
        %add3A_957 = vector.broadcast %add3A_956 : i32 to vector<16xi32>
        %add3A_958 = arith.addi %mul3A_955, %add3A_957 : vector<16xi32>
        %add3A_959 = arith.constant 11 : i32
        %add3A_960 = vector.broadcast %add3A_959 : i32 to vector<16xi32>
        %add3A_961 = arith.addi %add3A_958, %add3A_960 : vector<16xi32>
        %gather3A_962 = tpu.vector_load_idx %arg12[%add3A_961] : memref<544xf32, #tpu.memory_space<vmem>>[vector<16xi32>], vector<16xf32>,
        %add3A_963 = arith.addf %add3A_944, %gather3A_962 : vector<16xf32>
        %mul3A_964 = arith.constant 17 : i32
        %mul3A_965 = vector.broadcast %mul3A_964 : i32 to vector<16xi32>
        %mul3A_966 = arith.muli %iota3A, %mul3A_965 : vector<16xi32>
        %add3A_967 = arith.constant 12 : i32
        %add3A_968 = vector.broadcast %add3A_967 : i32 to vector<16xi32>
        %add3A_969 = arith.addi %mul3A_966, %add3A_968 : vector<16xi32>
        %gather3A_970 = tpu.vector_load_idx %arg12[%add3A_969] : memref<544xf32, #tpu.memory_space<vmem>>[vector<16xi32>], vector<16xf32>,
        %add3A_971 = arith.addf %add3A_952, %gather3A_970 : vector<16xf32>
        %mul3A_972 = arith.constant 17 : i32
        %mul3A_973 = vector.broadcast %mul3A_972 : i32 to vector<16xi32>
        %mul3A_974 = arith.muli %iota3A, %mul3A_973 : vector<16xi32>
        %add3A_975 = arith.constant 272 : i32
        %add3A_976 = vector.broadcast %add3A_975 : i32 to vector<16xi32>
        %add3A_977 = arith.addi %mul3A_974, %add3A_976 : vector<16xi32>
        %add3A_978 = arith.constant 12 : i32
        %add3A_979 = vector.broadcast %add3A_978 : i32 to vector<16xi32>
        %add3A_980 = arith.addi %add3A_977, %add3A_979 : vector<16xi32>
        %gather3A_981 = tpu.vector_load_idx %arg12[%add3A_980] : memref<544xf32, #tpu.memory_space<vmem>>[vector<16xi32>], vector<16xf32>,
        %add3A_982 = arith.addf %add3A_963, %gather3A_981 : vector<16xf32>
        %mul3A_983 = arith.constant 17 : i32
        %mul3A_984 = vector.broadcast %mul3A_983 : i32 to vector<16xi32>
        %mul3A_985 = arith.muli %iota3A, %mul3A_984 : vector<16xi32>
        %add3A_986 = arith.constant 13 : i32
        %add3A_987 = vector.broadcast %add3A_986 : i32 to vector<16xi32>
        %add3A_988 = arith.addi %mul3A_985, %add3A_987 : vector<16xi32>
        %gather3A_989 = tpu.vector_load_idx %arg12[%add3A_988] : memref<544xf32, #tpu.memory_space<vmem>>[vector<16xi32>], vector<16xf32>,
        %add3A_990 = arith.addf %add3A_971, %gather3A_989 : vector<16xf32>
        %mul3A_991 = arith.constant 17 : i32
        %mul3A_992 = vector.broadcast %mul3A_991 : i32 to vector<16xi32>
        %mul3A_993 = arith.muli %iota3A, %mul3A_992 : vector<16xi32>
        %add3A_994 = arith.constant 272 : i32
        %add3A_995 = vector.broadcast %add3A_994 : i32 to vector<16xi32>
        %add3A_996 = arith.addi %mul3A_993, %add3A_995 : vector<16xi32>
        %add3A_997 = arith.constant 13 : i32
        %add3A_998 = vector.broadcast %add3A_997 : i32 to vector<16xi32>
        %add3A_999 = arith.addi %add3A_996, %add3A_998 : vector<16xi32>
        %gather3A_1000 = tpu.vector_load_idx %arg12[%add3A_999] : memref<544xf32, #tpu.memory_space<vmem>>[vector<16xi32>], vector<16xf32>,
        %add3A_1001 = arith.addf %add3A_982, %gather3A_1000 : vector<16xf32>
        %mul3A_1002 = arith.constant 17 : i32
        %mul3A_1003 = vector.broadcast %mul3A_1002 : i32 to vector<16xi32>
        %mul3A_1004 = arith.muli %iota3A, %mul3A_1003 : vector<16xi32>
        %add3A_1005 = arith.constant 14 : i32
        %add3A_1006 = vector.broadcast %add3A_1005 : i32 to vector<16xi32>
        %add3A_1007 = arith.addi %mul3A_1004, %add3A_1006 : vector<16xi32>
        %gather3A_1008 = tpu.vector_load_idx %arg12[%add3A_1007] : memref<544xf32, #tpu.memory_space<vmem>>[vector<16xi32>], vector<16xf32>,
        %add3A_1009 = arith.addf %add3A_990, %gather3A_1008 : vector<16xf32>
        %mul3A_1010 = arith.constant 17 : i32
        %mul3A_1011 = vector.broadcast %mul3A_1010 : i32 to vector<16xi32>
        %mul3A_1012 = arith.muli %iota3A, %mul3A_1011 : vector<16xi32>
        %add3A_1013 = arith.constant 272 : i32
        %add3A_1014 = vector.broadcast %add3A_1013 : i32 to vector<16xi32>
        %add3A_1015 = arith.addi %mul3A_1012, %add3A_1014 : vector<16xi32>
        %add3A_1016 = arith.constant 14 : i32
        %add3A_1017 = vector.broadcast %add3A_1016 : i32 to vector<16xi32>
        %add3A_1018 = arith.addi %add3A_1015, %add3A_1017 : vector<16xi32>
        %gather3A_1019 = tpu.vector_load_idx %arg12[%add3A_1018] : memref<544xf32, #tpu.memory_space<vmem>>[vector<16xi32>], vector<16xf32>,
        %add3A_1020 = arith.addf %add3A_1001, %gather3A_1019 : vector<16xf32>
        %mul3A_1021 = arith.constant 17 : i32
        %mul3A_1022 = vector.broadcast %mul3A_1021 : i32 to vector<16xi32>
        %mul3A_1023 = arith.muli %iota3A, %mul3A_1022 : vector<16xi32>
        %add3A_1024 = arith.constant 15 : i32
        %add3A_1025 = vector.broadcast %add3A_1024 : i32 to vector<16xi32>
        %add3A_1026 = arith.addi %mul3A_1023, %add3A_1025 : vector<16xi32>
        %gather3A_1027 = tpu.vector_load_idx %arg12[%add3A_1026] : memref<544xf32, #tpu.memory_space<vmem>>[vector<16xi32>], vector<16xf32>,
        %add3A_1028 = arith.addf %add3A_1009, %gather3A_1027 : vector<16xf32>
        %mul3A_1029 = arith.constant 17 : i32
        %mul3A_1030 = vector.broadcast %mul3A_1029 : i32 to vector<16xi32>
        %mul3A_1031 = arith.muli %iota3A, %mul3A_1030 : vector<16xi32>
        %add3A_1032 = arith.constant 272 : i32
        %add3A_1033 = vector.broadcast %add3A_1032 : i32 to vector<16xi32>
        %add3A_1034 = arith.addi %mul3A_1031, %add3A_1033 : vector<16xi32>
        %add3A_1035 = arith.constant 15 : i32
        %add3A_1036 = vector.broadcast %add3A_1035 : i32 to vector<16xi32>
        %add3A_1037 = arith.addi %add3A_1034, %add3A_1036 : vector<16xi32>
        %gather3A_1038 = tpu.vector_load_idx %arg12[%add3A_1037] : memref<544xf32, #tpu.memory_space<vmem>>[vector<16xi32>], vector<16xf32>,
        %add3A_1039 = arith.addf %add3A_1020, %gather3A_1038 : vector<16xf32>
        %mul3A_1040 = arith.mulf %add3A_1028, %select_n3A : vector<16xf32>
        %abs3A = math.absf %mul3A_1040 : vector<16xf32>
        %neg3A = arith.constant 0.000000e+00 : f32
        %neg3A_1041 = vector.broadcast %neg3A : f32 to vector<16xf32>
        %neg3A_1042 = arith.subf %neg3A_1041, %abs3A : vector<16xf32>
        %exp3A = math.exp %neg3A_1042 : vector<16xf32>
        %add3A_1043 = arith.constant 2.000000e+00 : f32
        %add3A_1044 = vector.broadcast %add3A_1043 : f32 to vector<16xf32>
        %add3A_1045 = arith.addf %exp3A, %add3A_1044 : vector<16xf32>
        %div3A = arith.divf %exp3A, %add3A_1045 : vector<16xf32>
        %mul3A_1046 = arith.mulf %div3A, %div3A : vector<16xf32>
        %mul3A_1047 = arith.constant 0.111111112 : f32
        %mul3A_1048 = vector.broadcast %mul3A_1047 : f32 to vector<16xf32>
        %mul3A_1049 = arith.mulf %mul3A_1046, %mul3A_1048 : vector<16xf32>
        %add3A_1050 = arith.constant 0.142857149 : f32
        %add3A_1051 = vector.broadcast %add3A_1050 : f32 to vector<16xf32>
        %add3A_1052 = arith.addf %add3A_1051, %mul3A_1049 : vector<16xf32>
        %mul3A_1053 = arith.mulf %mul3A_1046, %add3A_1052 : vector<16xf32>
        %add3A_1054 = arith.constant 2.000000e-01 : f32
        %add3A_1055 = vector.broadcast %add3A_1054 : f32 to vector<16xf32>
        %add3A_1056 = arith.addf %add3A_1055, %mul3A_1053 : vector<16xf32>
        %mul3A_1057 = arith.mulf %mul3A_1046, %add3A_1056 : vector<16xf32>
        %add3A_1058 = arith.constant 0.333333343 : f32
        %add3A_1059 = vector.broadcast %add3A_1058 : f32 to vector<16xf32>
        %add3A_1060 = arith.addf %add3A_1059, %mul3A_1057 : vector<16xf32>
        %mul3A_1061 = arith.mulf %mul3A_1046, %add3A_1060 : vector<16xf32>
        %add3A_1062 = arith.constant 1.000000e+00 : f32
        %add3A_1063 = vector.broadcast %add3A_1062 : f32 to vector<16xf32>
        %add3A_1064 = arith.addf %add3A_1063, %mul3A_1061 : vector<16xf32>
        %min3A = arith.constant 0.000000e+00 : f32
        %min3A_1065 = vector.broadcast %min3A : f32 to vector<16xf32>
        %min3A_1066 = arith.minimumf %mul3A_1040, %min3A_1065 : vector<16xf32>
        %mul3A_1067 = arith.constant 2.000000e+00 : f32
        %mul3A_1068 = vector.broadcast %mul3A_1067 : f32 to vector<16xf32>
        %mul3A_1069 = arith.mulf %mul3A_1068, %div3A : vector<16xf32>
        %mul3A_1070 = arith.mulf %mul3A_1069, %add3A_1064 : vector<16xf32>
        %sub3A = arith.subf %min3A_1066, %mul3A_1070 : vector<16xf32>
        %add3A_1071 = arith.addf %scan3A_342, %sub3A : vector<16xf32>
        %neg3A_1072 = arith.constant 0.000000e+00 : f32
        %neg3A_1073 = vector.broadcast %neg3A_1072 : f32 to vector<16xf32>
        %neg3A_1074 = arith.subf %neg3A_1073, %add3A_1039 : vector<16xf32>
        %abs3A_1075 = math.absf %neg3A_1074 : vector<16xf32>
        %neg3A_1076 = arith.constant 0.000000e+00 : f32
        %neg3A_1077 = vector.broadcast %neg3A_1076 : f32 to vector<16xf32>
        %neg3A_1078 = arith.subf %neg3A_1077, %abs3A_1075 : vector<16xf32>
        %exp3A_1079 = math.exp %neg3A_1078 : vector<16xf32>
        %add3A_1080 = arith.constant 2.000000e+00 : f32
        %add3A_1081 = vector.broadcast %add3A_1080 : f32 to vector<16xf32>
        %add3A_1082 = arith.addf %exp3A_1079, %add3A_1081 : vector<16xf32>
        %div3A_1083 = arith.divf %exp3A_1079, %add3A_1082 : vector<16xf32>
        %mul3A_1084 = arith.mulf %div3A_1083, %div3A_1083 : vector<16xf32>
        %mul3A_1085 = arith.constant 0.111111112 : f32
        %mul3A_1086 = vector.broadcast %mul3A_1085 : f32 to vector<16xf32>
        %mul3A_1087 = arith.mulf %mul3A_1084, %mul3A_1086 : vector<16xf32>
        %add3A_1088 = arith.constant 0.142857149 : f32
        %add3A_1089 = vector.broadcast %add3A_1088 : f32 to vector<16xf32>
        %add3A_1090 = arith.addf %add3A_1089, %mul3A_1087 : vector<16xf32>
        %mul3A_1091 = arith.mulf %mul3A_1084, %add3A_1090 : vector<16xf32>
        %add3A_1092 = arith.constant 2.000000e-01 : f32
        %add3A_1093 = vector.broadcast %add3A_1092 : f32 to vector<16xf32>
        %add3A_1094 = arith.addf %add3A_1093, %mul3A_1091 : vector<16xf32>
        %mul3A_1095 = arith.mulf %mul3A_1084, %add3A_1094 : vector<16xf32>
        %add3A_1096 = arith.constant 0.333333343 : f32
        %add3A_1097 = vector.broadcast %add3A_1096 : f32 to vector<16xf32>
        %add3A_1098 = arith.addf %add3A_1097, %mul3A_1095 : vector<16xf32>
        %mul3A_1099 = arith.mulf %mul3A_1084, %add3A_1098 : vector<16xf32>
        %add3A_1100 = arith.constant 1.000000e+00 : f32
        %add3A_1101 = vector.broadcast %add3A_1100 : f32 to vector<16xf32>
        %add3A_1102 = arith.addf %add3A_1101, %mul3A_1099 : vector<16xf32>
        %min3A_1103 = arith.constant 0.000000e+00 : f32
        %min3A_1104 = vector.broadcast %min3A_1103 : f32 to vector<16xf32>
        %min3A_1105 = arith.minimumf %neg3A_1074, %min3A_1104 : vector<16xf32>
        %mul3A_1106 = arith.constant 2.000000e+00 : f32
        %mul3A_1107 = vector.broadcast %mul3A_1106 : f32 to vector<16xf32>
        %mul3A_1108 = arith.mulf %mul3A_1107, %div3A_1083 : vector<16xf32>
        %mul3A_1109 = arith.mulf %mul3A_1108, %add3A_1102 : vector<16xf32>
        %sub3A_1110 = arith.subf %min3A_1105, %mul3A_1109 : vector<16xf32>
        %mul3A_1111 = arith.mulf %sub3A_1110, %select_n3A_122 : vector<16xf32>
        %add3A_1112 = arith.addf %add3A_1071, %mul3A_1111 : vector<16xf32>
        scf.yield %add3A_1112 : vector<16xf32>
      }
      %scan3A_340 = arith.constant 16 : i32
      scf.yield %scan3A_339 : vector<16xf32>
    }
    %scan3A_155 = arith.constant 16 : i32
    %dma_wait3A = arith.constant 0 : i32
    %dma_wait3A_156 = tpu.memref_slice %arg6[%dma_wait3A] : memref<1024xi32, #tpu.memory_space<vmem>> -> memref<32xi32, #tpu.memory_space<vmem>>
    %dma_wait3A_157 = arith.constant 0 : i32
    %dma_wait3A_158 = arith.constant 0 : i32
    %dma_wait3A_159 = tpu.memref_slice %arg4[%dma_wait3A_157, %dma_wait3A_158] : memref<1000000x128xf32, #tpu.memory_space<hbm>> -> memref<1000000x128xf32, #tpu.memory_space<hbm>>
    tpu.wait_indirect_dma semaphore(%arg14 : memref<!tpu.dma_semaphore, #tpu.memory_space<semaphore_mem>>) src(%dma_wait3A_159 : memref<1000000x128xf32, #tpu.memory_space<hbm>>) dst(%arg8 : memref<32x128xf32, #tpu.memory_space<vmem>>)
    %dma_wait3A_160 = arith.constant 0 : i32
    %dma_wait3A_161 = arith.constant 0 : i32
    %dma_wait3A_162 = tpu.memref_slice %arg9[%dma_wait3A_160, %dma_wait3A_161] : memref<320x128xf32, #tpu.memory_space<vmem>> -> memref<128x128xf32, #tpu.memory_space<vmem>>
    %dma_wait3A_163 = arith.constant 0 : i32
    %dma_wait3A_164 = tpu.memref_slice %arg7[%dma_wait3A_163] : memref<10240xi32, #tpu.memory_space<vmem>> -> memref<128xi32, #tpu.memory_space<vmem>>
    %dma_wait3A_165 = arith.constant 0 : i32
    %dma_wait3A_166 = arith.constant 0 : i32
    %dma_wait3A_167 = tpu.memref_slice %arg4[%dma_wait3A_165, %dma_wait3A_166] : memref<1000000x128xf32, #tpu.memory_space<hbm>> -> memref<1000000x128xf32, #tpu.memory_space<hbm>>
    tpu.wait_indirect_dma semaphore(%arg14 : memref<!tpu.dma_semaphore, #tpu.memory_space<semaphore_mem>>) src(%dma_wait3A_167 : memref<1000000x128xf32, #tpu.memory_space<hbm>>) dst(%dma_wait3A_162 : memref<128x128xf32, #tpu.memory_space<vmem>>)
    %dma_wait3A_168 = arith.constant 128 : i32
    %dma_wait3A_169 = arith.constant 0 : i32
    %dma_wait3A_170 = tpu.memref_slice %arg9[%dma_wait3A_168, %dma_wait3A_169] : memref<320x128xf32, #tpu.memory_space<vmem>> -> memref<128x128xf32, #tpu.memory_space<vmem>>
    %dma_wait3A_171 = arith.constant 128 : i32
    %dma_wait3A_172 = tpu.memref_slice %arg7[%dma_wait3A_171] : memref<10240xi32, #tpu.memory_space<vmem>> -> memref<128xi32, #tpu.memory_space<vmem>>
    %dma_wait3A_173 = arith.constant 0 : i32
    %dma_wait3A_174 = arith.constant 0 : i32
    %dma_wait3A_175 = tpu.memref_slice %arg4[%dma_wait3A_173, %dma_wait3A_174] : memref<1000000x128xf32, #tpu.memory_space<hbm>> -> memref<1000000x128xf32, #tpu.memory_space<hbm>>
    tpu.wait_indirect_dma semaphore(%arg14 : memref<!tpu.dma_semaphore, #tpu.memory_space<semaphore_mem>>) src(%dma_wait3A_175 : memref<1000000x128xf32, #tpu.memory_space<hbm>>) dst(%dma_wait3A_170 : memref<128x128xf32, #tpu.memory_space<vmem>>)
    %dma_wait3A_176 = arith.constant 256 : i32
    %dma_wait3A_177 = arith.constant 0 : i32
    %dma_wait3A_178 = tpu.memref_slice %arg9[%dma_wait3A_176, %dma_wait3A_177] : memref<320x128xf32, #tpu.memory_space<vmem>> -> memref<64x128xf32, #tpu.memory_space<vmem>>
    %dma_wait3A_179 = arith.constant 256 : i32
    %dma_wait3A_180 = tpu.memref_slice %arg7[%dma_wait3A_179] : memref<10240xi32, #tpu.memory_space<vmem>> -> memref<64xi32, #tpu.memory_space<vmem>>
    %dma_wait3A_181 = arith.constant 0 : i32
    %dma_wait3A_182 = arith.constant 0 : i32
    %dma_wait3A_183 = tpu.memref_slice %arg4[%dma_wait3A_181, %dma_wait3A_182] : memref<1000000x128xf32, #tpu.memory_space<hbm>> -> memref<1000000x128xf32, #tpu.memory_space<hbm>>
    tpu.wait_indirect_dma semaphore(%arg14 : memref<!tpu.dma_semaphore, #tpu.memory_space<semaphore_mem>>) src(%dma_wait3A_183 : memref<1000000x128xf32, #tpu.memory_space<hbm>>) dst(%dma_wait3A_178 : memref<64x128xf32, #tpu.memory_space<vmem>>)
    %mul3A_184 = arith.constant 6.10351563E-5 : f32
    %mul3A_185 = vector.broadcast %mul3A_184 : f32 to vector<16xf32>
    %mul3A_186 = arith.mulf %scan3A_154, %mul3A_185 : vector<16xf32>
    %swap3A_187 = arith.constant 0 : index
    %swap3A_188 = tpu.vector_load %arg13[%swap3A_187] {strides = array<i32>} : memref<16xf32, #tpu.memory_space<vmem>>, vector<16xf32>,
    tpu.vector_store %arg13[%swap3A_187], %mul3A_186 {strides = array<i32>} : memref<16xf32, #tpu.memory_space<vmem>>, vector<16xf32>,
    %mul3A_189 = arith.constant 16 : i32
    %mul3A_190 = arith.muli %add3A, %mul3A_189 : i32
    "tpu.region"() ({
      %run_scoped3A = tpu.sem_alloc : memref<!tpu.dma_semaphore, #tpu.memory_space<semaphore_mem>>
      %dma_start3A_191 = tpu.memref_slice %arg5[%mul3A_190] : memref<512xf32, #tpu.memory_space<hbm>> -> memref<16xf32, #tpu.memory_space<hbm>>
      %dma_start3A_192 = tpu.memref_slice %arg5[%mul3A_190] : memref<512xf32, #tpu.memory_space<hbm>> -> memref<16xf32, #tpu.memory_space<hbm>>
      tpu.enqueue_dma source(%arg13 : memref<16xf32, #tpu.memory_space<vmem>>) target(%dma_start3A_192 : memref<16xf32, #tpu.memory_space<hbm>>) target_semaphore(%run_scoped3A : memref<!tpu.dma_semaphore, #tpu.memory_space<semaphore_mem>>)
      %dma_wait3A_193 = tpu.memref_slice %arg5[%mul3A_190] : memref<512xf32, #tpu.memory_space<hbm>> -> memref<16xf32, #tpu.memory_space<hbm>>
      %dma_wait3A_194 = tpu.memref_slice %arg5[%mul3A_190] : memref<512xf32, #tpu.memory_space<hbm>> -> memref<16xf32, #tpu.memory_space<hbm>>
      tpu.wait_dma2 semaphore(%run_scoped3A : memref<!tpu.dma_semaphore, #tpu.memory_space<semaphore_mem>>) src(%arg13 : memref<16xf32, #tpu.memory_space<vmem>>) dst(%dma_wait3A_194 : memref<16xf32, #tpu.memory_space<hbm>>)
      tpu.yield
    }) : () -> ()
    return
  }
}

</mosaic_0001>

<sc_bundles>
// kernel: _sc_call.3.cloned.1.call-start
scs
__scs_entry_jumppad:
0x0: {  	(pc) =	sbr.rel $0x88, $3  }
0x1: {  	(tag) =	ssettag $0x0;
	lr =	simm.s32 $0x1  }
0x2: {  	[smem:$0x3F9E] =	sst lr;
	_ =	strace $0xD0000000  }
0x3: {  	_ = 	snop  }
0x4: {  	_ = 	snop  }
0x5: {  	_ = 	snop  }
0x6: {  	_ = 	snop  }
0x7: {  	_ = 	snop  }
__scs_overlays_trampoline_lowered:
0x8: {  	[smem:$0x3FAD] =	sst s0  }
0x9: {  	[smem:$0x3FAE] =	sst s1  }
0xa: {  	[smem:$0x3FAF] =	sst s2  }
0xb: {  	[smem:$0x3FB0] =	sst s3  }
0xc: {  	[smem:$0x3FB1] =	sst s4  }
0xd: {  	[smem:$0x3FB2] =	sst s5  }
0xe: {  	[smem:$0x3FB3] =	sst s6  }
0xf: {  	[smem:$0x3FB4] =	sst s7  }
0x10: {  	[smem:$0x3FB5] =	sst s8  }
0x11: {  	[smem:$0x3FB6] =	sst s9;
	s0 =	simm.s32 @!p0 $0x0  }
0x12: {  	s1 =	sld [smem:$0x3F9C];
	s0 =	simm.s32 @p0 $0x1  }
0x13: {  	[smem:$0x3FB7] =	sst s0;
	s0 =	simm.s32 @!p1 $0x0  }
0x14: {  	s2 =	sld [smem:$0x3F9B];
	s0 =	simm.s32 @p1 $0x1  }
0x15: {  	[smem:$0x3FB8] =	sst s0;
	s0 =	simm.s32 @!p2 $0x0  }
0x16: {  	s3 =	sld [smem:$0x3FDB];
	s0 =	simm.s32 @p2 $0x1  }
0x17: {  	s4 =	simm.s32 $0x1BF5;
	[smem:$0x3FBA] =	sst s0  }
0x18: {  	s0 =	sld [smem:$0x3F9D];
	_ =	swait.ge [sflag:s4], $0x0  }
0x19: {  	s7 =	sld [smem:$0x3F9E]  }
0x1a: {  	s8 =	sadd.s32 $0xFFFFE003, lr  }
0x1b: {  	s9 =	sadd.s32 $0xFFFFFEF7, lr;
	s5 =	simm.s32 $0xFFFFFFFF;
	p2 =	slt.u32 s8, $0xFFFFF086  }
0x1c: {  	p1 =	slt.u32 s9, $0xF7A;
	s5 =	simm.s32 @!p2 $0x0  }
0x1d: {  	s5 =	simm.s32 @p1 $0x1;
	p0 =	seq.s32 s7, s2  }
0x1e: {  	s7 =	smul.u32 @!p0 $0xF7A, s2;
	p2 =	seq.s32 @!p0 s5, $0x0  }
0x1f: {  	s9 =	smul.u32 $0xF7A, s1;
	s8 =	simm.s32 @!p0 $0x1BF5;
	p2 =	por !p2, p0  }
0x20: {  	[sflag:s8] =	ssyncset.s32 @!p0 $0xFFFFF086;
	s6 =	sadd.s32 @!p0 s3, s7;
	s7 =	simm.s32 @!p0 $0x108  }
0x21: {  	s3 =	sadd.s32 s3, s9;
	s6 =	sadd.s32 @!p0 $0x88, s6;
	s7 =	simm.s32 @p2 $0x1082  }
0x22: {  	[simem:s7], [sflag:s8] =	dma.local @!p0 [hbm:s6], $0xF7A  }
0x23: {  	s9 =	sor.u32 $0xD0000000, s2;
	s6 =	simm.s32 $0x108;
	_ =	swait.ge @!p0 [sflag:s8], $0x0  }
0x24: {  	s3 =	sadd.s32 $0x88, s3;
	s6 =	simm.s32 @!p1 $0x1082;
	[sflag:s4] =	ssyncset.s32 $0xFFFFF086  }
0x25: {  	[simem:s6], [sflag:s4] =	dma.local [hbm:s3], $0xF7A  }
0x26: {  	[smem:$0x3F9E] =	sst s1;
	(tag) =	ssettag s2;
	_ =	strace s9  }
0x27: {  	s1 =	sld [smem:$0x3FAE]  }
0x28: {  	s2 =	sld [smem:$0x3FAF]  }
0x29: {  	s4 =	sld [smem:$0x3FB1]  }
0x2a: {  	p0 =	seq.s32 s5, $0x0;
	s5 =	sld [smem:$0x3FB2]  }
0x2b: {  	s6 =	sld [smem:$0x3FB3]  }
0x2c: {  	s7 =	sld [smem:$0x3FB4]  }
0x2d: {  	s3 =	simm.s32 $0x108;
	s8 =	sld [smem:$0x3FB5]  }
0x2e: {  	s3 =	simm.s32 @!p0 $0x1082;
	s9 =	sld [smem:$0x3FB6]  }
0x2f: {  	lr =	sadd.s32 s0, s3;
	s0 =	sld [smem:$0x3FAD]  }
0x30: {  	s3 =	sld [smem:$0x3FB0]  }
0x31: {  	[smem:$0x3FB9] =	sst s10  }
0x32: {  	s10 =	sld [smem:$0x3FB7];
	_ =	sdelay $0x3  }
0x33: {  	p0 =	seq.s32 s10, $0x1;
	s10 =	sld [smem:$0x3FB9];
	_ =	sdelay $0x3  }
0x34: {  	[smem:$0x3FB9] =	sst s10  }
0x35: {  	s10 =	sld [smem:$0x3FB8];
	_ =	sdelay $0x3  }
0x36: {  	p1 =	seq.s32 s10, $0x1;
	s10 =	sld [smem:$0x3FB9];
	_ =	sdelay $0x3  }
0x37: {  	[smem:$0x3FB9] =	sst s10  }
0x38: {  	s10 =	sld [smem:$0x3FBA]  }
0x39: {  	_ = 	snop;
	(pc) =	sbr.ind lr, $3  }
0x3a: {  	_ = 	snop  }
0x3b: {  	_ = 	snop  }
0x3c: {  	p2 =	seq.s32 s10, $0x1;
	s10 =	sld [smem:$0x3FB9]  }
0x3d: {  	_ =	shalt  }
0x3e: {  	_ =	shalt  }
0x3f: {  	_ =	shalt  }
0x40: {  	_ =	shalt  }
0x41: {  	_ =	shalt  }
0x42: {  	_ =	shalt  }
0x43: {  	_ =	shalt  }
0x44: {  	_ =	shalt  }
0x45: {  	_ =	shalt  }
0x46: {  	_ =	shalt  }
0x47: {  	_ =	shalt  }
0x48: {  	_ =	shalt  }
0x49: {  	_ =	shalt  }
0x4a: {  	_ =	shalt  }
0x4b: {  	_ =	shalt  }
0x4c: {  	_ =	shalt  }
0x4d: {  	_ =	shalt  }
0x4e: {  	_ =	shalt  }
0x4f: {  	_ =	shalt  }
0x50: {  	_ =	shalt  }
0x51: {  	_ =	shalt  }
0x52: {  	_ =	shalt  }
0x53: {  	_ =	shalt  }
0x54: {  	_ =	shalt  }
0x55: {  	_ =	shalt  }
0x56: {  	_ =	shalt  }
0x57: {  	_ =	shalt  }
0x58: {  	_ =	shalt  }
0x59: {  	_ =	shalt  }
0x5a: {  	_ =	shalt  }
0x5b: {  	_ =	shalt  }
0x5c: {  	_ =	shalt  }
0x5d: {  	_ =	shalt  }
0x5e: {  	_ =	shalt  }
0x5f: {  	_ =	shalt  }
0x60: {  	_ =	shalt  }
0x61: {  	_ =	shalt  }
0x62: {  	_ =	shalt  }
0x63: {  	_ =	shalt  }
0x64: {  	_ =	shalt  }
0x65: {  	_ =	shalt  }
0x66: {  	_ =	shalt  }
0x67: {  	_ =	shalt  }
0x68: {  	_ =	shalt  }
0x69: {  	_ =	shalt  }
0x6a: {  	_ =	shalt  }
0x6b: {  	_ =	shalt  }
0x6c: {  	_ =	shalt  }
0x6d: {  	_ =	shalt  }
0x6e: {  	_ =	shalt  }
0x6f: {  	_ =	shalt  }
0x70: {  	_ =	shalt  }
0x71: {  	_ =	shalt  }
0x72: {  	_ =	shalt  }
0x73: {  	_ =	shalt  }
0x74: {  	_ =	shalt  }
0x75: {  	_ =	shalt  }
0x76: {  	_ =	shalt  }
0x77: {  	_ =	shalt  }
0x78: {  	_ =	shalt  }
0x79: {  	_ =	shalt  }
0x7a: {  	_ =	shalt  }
0x7b: {  	_ =	shalt  }
0x7c: {  	_ =	shalt  }
0x7d: {  	_ =	shalt  }
0x7e: {  	_ =	shalt  }
0x7f: {  	_ =	shalt  }
0x80: {  	_ =	shalt  }
0x81: {  	_ =	shalt  }
0x82: {  	_ =	shalt  }
0x83: {  	_ =	shalt  }
0x84: {  	_ =	shalt  }
0x85: {  	_ =	shalt  }
0x86: {  	_ =	shalt  }
0x87: {  	_ =	shalt  }
.Lfunc_end0:
.L_simem_size_0:
called_computation_lowered:
.L_overlay_start_0:
0x88: {  	s2 =	sld [smem:$0x3FD9]  }
0x89: {  	s3 =	sld [smem:$0x3FFE];
	_ =	sdelay $0x1  }
0x8a: {  	s1 =	srdreg.scid  }
0x8b: {  	s0 =	sand.u32 $0x1, s1  }
0x8c: {  	s18 =	sshll.u32 s0, $0xA;
	s2 =	sadd.s32 s3, s2  }
0x8d: {  	s2 =	sadd.s32 s2, s18  }
0x8e: {  	[smem:$0x3FC5] =	sst s2  }
0x8f: {  	_ = 	snop  }
0x90: {  	s2 =	sld [smem:$0x3FC9]  }
0x91: {  	s19 =	sld [smem:$0x3FC8]  }
0x92: {  	s4 =	sld [smem:$0x3FC7]  }
0x93: {  	s5 =	sld [smem:$0x3FD0];
	(tm) =	ssettm $0x1  }
0x94: {  	s6 =	sld [smem:$0x3FFB];
	_ =	sdelay $0x3  }
0x95: {  	_ =	strace s6  }
0x96: {  	s6 =	sld [smem:$0x3FFC];
	_ =	sdelay $0x3  }
0x97: {  	_ =	strace s6  }
0x98: {  	s6 =	sld [smem:$0x3FFD];
	_ =	sdelay $0x3  }
0x99: {  	_ =	strace s6  }
0x9a: {  	_ =	strace $0x8FFFFFFF  }
0x9b: {  	s20 =	sld [smem:$0x3FDB];
	_ =	sdelay $0x1  }
0x9c: {  	s7 =	simm.s32 $_scs_section_size  }
0x9d: {  	s8 =	simm.s32 $_size__tile_overlayer_lowered;
	s9 =	simm.s32 $_tile_overlayer_lowered  }
0x9e: {  	s23 =	simm.s32 $0x1BFF;
	s22 =	sshll.u32 s9, $0x1;
	s6 =	sadd.s32 s7, s20  }
0x9f: {  	s10 =	simm.s32 $0x0;
	s21 =	sshll.u32 s8, $0x1;
	s8 =	sadd.s32 s22, s6  }
0xa0: {  	[timem:s10], [sflag:s23] =	dma.local [hbm:s8], s21  }
0xa1: {  	_ =	swait.ge [sflag:s23], s21  }
0xa2: {  	s7 =	ssub.s32 $0x0, s21;
	[sflag:s23] =	ssyncset.done $0x0  }
0xa3: {  	[sflag:s23] =	ssyncadd.s32 s7;
	_ =	sdelay $0x1  }
0xa4: {  	s24 =	simm.s32 $0x1B8B  }
0xa5: {  	_ =	swait.ge [sflag:s24], $0x1  }
0xa6: {  	[sflag:s24] =	ssyncset.done $0x0  }
0xa7: {  	s25 =	simm.s32 $0x1B8E;
	[sflag:s24] =	ssyncadd.s32 $0xFFFFFFFF  }
0xa8: {  	s26 =	simm.s32 $execute0_lowered;
	[smem:$0x3FD2] =	sst s25  }
0xa9: {  	s7 =	sshll.u32 s26, $0x1;
	_ =	strace $0x80000046;
	[dreg:$0x1] =	wrdreg $0xFFFFFFFF  }
0xaa: {  	s28 =	simm.s32 $_size_execute0_lowered;
	s6 =	sadd.s32 s6, s7;
	[dreg:$0x0] =	wrdreg $0x0  }
0xab: {  	s7 =	sshll.u32 s28, $0x1;
	[dreg:$0x2] =	wrdreg s6  }
0xac: {  	[dreg:$0x3] =	wrdreg s7  }
0xad: {  	[dreg:$0x4] =	wrdreg $0xC0  }
0xae: {  	_ =	task [dreg:s10], $0x5FFFF  }
0xaf: {  	[dreg:$0x1] =	wrdreg $0xFFFFFFFF  }
0xb0: {  	[dreg:$0x0] =	wrdreg $0x60  }
0xb1: {  	[dreg:$0x2] =	wrdreg s2  }
0xb2: {  	[dreg:$0x3] =	wrdreg s19  }
0xb3: {  	[dreg:$0x4] =	wrdreg s4  }
0xb4: {  	[dreg:$0x5] =	wrdreg s5  }
0xb5: {  	[dreg:$0x6] =	wrdreg $0x9  }
0xb6: {  	_ =	task.clear_ibuf [dreg:s10], $0x7FFFF;
	_ =	strace $0x90000046  }
0xb7: {  	s29 =	simm.s32 $0x9;
	_ =	strace $0x80000048  }
0xb8: {  	_ =	swait.ge [sflag:s29], $0x1  }
0xb9: {  	[sflag:s29] =	ssyncadd.s32 $0xFFFFFFFF  }
0xba: {  	_ =	strace $0x90000048  }
0xbb: {  	_ =	sfence  }
0xbc: {  	s30 =	sld [smem:$0x0];
	_ =	sdelay $0x2  }
0xbd: {  	s31 =	sshll.u32 s1, $0xD;
	s1 =	sshrl.u32 s1, $0x2  }
0xbe: {  	s3 =	sand.u32 $0x4000, s31;
	s1 =	sadd.s32 s1, s30  }
0xbf: {  	s0 =	sor.u32 s3, s0;
	s1 =	sshll.u32 s1, $0x11  }
0xc0: {  	s0 =	sor.u32 s1, s0  }
0xc1: {  	s0 =	sadd.s32 $0x8F2B, s0  }
0xc2: {  	[sflag:s0] =	ssyncadd.remote.s32 $0x1  }
0xc3: {  	_ =	sfence.sel $0xFFFF  }
0xc4: {  	[dreg:$0x0] =	wrdreg $0xFFFFFFFF;
	(pc) =	sbr.abs _section_cstart, $3  }
0xc5: {  	[dreg:$0x1] =	wrdreg $0xFFFFFFFF  }
0xc6: {  	_ =	task.clear_ibuf [dreg:s10], $0x2FFFF;
	_ =	strace $0x9FFFFFFF  }
0xc7: {  	(tm) =	ssettm $0x7FFFFFFF  }
tec
execute0_lowered:
.L_overlay_start_1:
0x0: {  	(tag) =	ssettag $0x1  }
0x1: {  	v15 =	vlaneseq.u32;
	vm0 =	vcmask $0x300  }
0x2: {  	vm15 =	vcmask $0x1300;
	v16 =	vor.u32 $0x10, v15;
	v17 =	vor.u32 $0x20, v15  }
0x3: {  	v18 =	vor.u32 $0x30, v15;
	v19 =	vor.u32 $0x840, v15;
	v20 =	vor.u32 $0x850, v15  }
0x4: {  	v21 =	vor.u32 $0x860, v15;
	v23 =	vor.u32 $0x870, v15;
	v8 =	vor.u32 $0x40, v15  }
0x5: {  	v9 =	vor.u32 $0x50, v15;
	v10 =	vor.u32 $0x60, v15;
	v11 =	vor.u32 $0x70, v15  }
0x6: {  	v24 =	vadd.s32 $0x11, v15;
	v25 =	vadd.s32 $0x22, v15;
	v26 =	vadd.s32 $0x33, v15  }
0x7: {  	s1 =	rddreg [dreg:$0x0];
	v27 =	vadd.s32 $0x44, v15;
	v29 =	vadd.s32 $0x55, v15;
	v30 =	vadd.s32 $0x66, v15  }
0x8: {  	s2 =	rddreg [dreg:$0x1];
	v31 =	vadd.s32 $0x77, v15;
	v32 =	vadd.s32 $0x88, v15;
	v33 =	vadd.s32 $0x99, v15  }
0x9: {  	s0 =	rddreg [dreg:$0x2];
	s3 =	simm.s32 $0x0;
	v34 =	vadd.s32 $0xAA, v15;
	v35 =	vadd.s32 $0xBB, v15;
	v28 =	vmul.u32 $0x11, v15  }
0xa: {  	v36 =	vadd.s32 $0xCC, v15;
	v37 =	vadd.s32 $0xDD, v15;
	v38 =	vadd.s32 $0xEE, v15;
	[smem:$0x7FF] =	sst s3  }
0xb: {  	s6 =	rddreg [dreg:$0x3];
	v39 =	vadd.s32 $0xFF, v15;
	v40 =	vor.u32 $0x110, v15;
	_ =	strace $0x80000047;
	[tilespmem:$0x1FFD0] =	vst v24;
	v0 =	vadd.s32 $0x11A, v28  }
0xc: {  	s4 =	srdreg.scid;
	v41 =	vadd.s32 $0x121, v15;
	v42 =	vadd.s32 $0x132, v15;
	v1 =	vadd.s32 $0xE, v28;
	[tilespmem:$0x1FF30] =	vst v0  }
0xd: {  	s5 =	stileid.u32;
	s10 =	simm.s32 $0x20;
	s11 =	simm.s32 $0x2C00;
	v43 =	vadd.s32 $0x143, v15;
	v44 =	vadd.s32 $0x154, v15;
	v22 =	vadd.s32 $0x119, v28;
	[tilespmem:$0x1FFB0] =	vst v1  }
0xe: {  	s12 =	simm.s32 $0x80;
	s13 =	simm.s32 $0x3C00;
	s15 =	simm.s32 $0x7C00;
	v45 =	vadd.s32 $0x110, v28;
	v46 =	vadd.s32 $0x1, v28;
	v0 =	vadd.s32 $0xB, v28;
	[tilespmem:$0x1FFE0] =	vst v22  }
0xf: {  	s16 =	simm.s32 $0x40;
	s17 =	simm.s32 $0x500;
	s18 =	simm.s32 $0xBC00;
	v47 =	vadd.s32 $0x111, v28;
	v48 =	vadd.s32 $0x2, v28;
	[tilespmem:$0x1FF40] =	vst v0;
	v0 =	vadd.s32 $0x11B, v28  }
0x10: {  	s19 =	simm.s32 $0xDC00;
	s20 =	simm.s32 $0xEC00;
	s21 =	simm.s32 $0x12C00;
	v49 =	vadd.s32 $0x112, v28;
	v50 =	vadd.s32 $0x3, v28;
	[tilespmem:$0x1FF50] =	vst v0;
	v0 =	vadd.s32 $0xC, v28  }
0x11: {  	s22 =	simm.s32 $0x16C00;
	s23 =	simm.s32 $0x1;
	s24 =	simm.s32 $0x18C00;
	v51 =	vadd.s32 $0x113, v28;
	v52 =	vadd.s32 $0x4, v28;
	[tilespmem:$0x1FF60] =	vst v0;
	v0 =	vadd.s32 $0x11C, v28  }
0x12: {  	s25 =	simm.s32 $0x2;
	s4 =	sand.u32 $0x1, s4;
	s5 =	sshll.u32 s5, $0x1;
	v53 =	vadd.s32 $0x114, v28;
	v54 =	vadd.s32 $0x5, v28;
	[tilespmem:$0x1FF70] =	vst v0;
	v0 =	vadd.s32 $0xD, v28  }
0x13: {  	s26 =	simm.s32 $0x18E80;
	s7 =	ssub.s32 $0x2, s4;
	s4 =	sor.u32 s4, s5;
	v55 =	vadd.s32 $0x115, v28;
	v56 =	vadd.s32 $0x6, v28;
	[tilespmem:$0x1FF80] =	vst v0;
	v0 =	vadd.s32 $0x11D, v28  }
0x14: {  	s28 =	simm.s32 $0x0;
	s30 =	sshrl.u32 s7, $0x1;
	s8 =	smul.u32 $0x500, s4;
	v57 =	vadd.s32 $0x116, v28;
	v2 =	vadd.s32 $0xA, v28;
	[tilespmem:$0x1FF90] =	vst v0;
	v0 =	vimm.f32 $-1.000000000e+00  }
0x15: {  	s31 =	sshll.u32 s4, $0x7;
	s9 =	sshll.u32 s4, $0x1;
	v58 =	vadd.s32 $0x7, v28;
	v59 =	vadd.s32 $0x117, v28;
	s7 =	ssub.s32 s7, s30;
	[tilespmem:$0x1FFF0] =	vst v2;
	v0 =	vsel vm0, $0x3F800000, v0  }
0x16: {  	v60 =	vadd.s32 $0x8, v28;
	s4 =	sadd.s32 s1, s31;
	s6 =	sadd.s32 s6, s9;
	s9 =	simm.s32 $0x400;
	v1 =	vadd.s32 $0x11E, v28;
	[tilespmem:$0x1FFA0] =	vst v0;
	v0 =	vimm.f32 $0.0e+00  }
0x17: {  	v62 =	vadd.s32 $0x118, v28;
	v63 =	vadd.s32 $0x9, v28;
	s5 =	sadd.s32 s2, s8;
	s7 =	smax.u32 s7, $0x1;
	s8 =	simm.s32 $0x3;
	[tilespmem:$0x1FFC0] =	vst v1;
	v4 =	vsel vm15, $0x3F800000, v0  }
.LBB2_1:
0x18: {  	[tilespmem:s3], [sflag:$0x3] =	stream.linear.gather [hbm4b:s4+s3], $0x400, $0x38;
	[tilespmem:$0x18F00] =	vst v63  }
0x19: {  	_ =	swait.ge [sflag:s8], $0x400  }
0x1a: {  	[sflag:s8] =	ssyncset.done $0x0  }
0x1b: {  	[sflag:s8] =	ssyncadd.s32 $0xFFFFFC00  }
0x1c: {  	[tilespmem:s9], [sflag:$0x3] =	stream.linear.gather [hbm4b:s5+s3], $0x2800, $0x38;
	[tilespmem:$0x18F00] =	vst v63  }
0x1d: {  	_ =	swait.ge [sflag:s8], $0x2800  }
0x1e: {  	[sflag:s8] =	ssyncset.done $0x0  }
0x1f: {  	v0 =	vimm.f32 $0.0e+00;
	[sflag:s8] =	ssyncadd.s32 $0xFFFFD800  }
0x20: {  	[tilespmem:$0x18C00] =	vst v0  }
0x21: {  	[tilespmem:$0x18C10] =	vst v0  }
0x22: {  	[tilespmem:$0x18C20] =	vst v0  }
0x23: {  	[tilespmem:$0x18C30] =	vst v0  }
0x24: {  	[tilespmem:$0x18C40] =	vst v0  }
0x25: {  	[tilespmem:$0x18C50] =	vst v0  }
0x26: {  	[tilespmem:$0x18C60] =	vst v0  }
0x27: {  	[tilespmem:$0x18C70] =	vst v0  }
0x28: {  	[tilespmem:$0x18C80] =	vst v0  }
0x29: {  	[tilespmem:$0x18C90] =	vst v0  }
0x2a: {  	[tilespmem:$0x18CA0] =	vst v0  }
0x2b: {  	[tilespmem:$0x18CB0] =	vst v0  }
0x2c: {  	[tilespmem:$0x18CC0] =	vst v0  }
0x2d: {  	[tilespmem:$0x18CD0] =	vst v0  }
0x2e: {  	[tilespmem:$0x18CE0] =	vst v0  }
0x2f: {  	[tilespmem:$0x18CF0] =	vst v0  }
0x30: {  	[tilespmem:$0x18D00] =	vst v0  }
0x31: {  	[tilespmem:$0x18D10] =	vst v0  }
0x32: {  	[tilespmem:$0x18D20] =	vst v0  }
0x33: {  	[tilespmem:$0x18D30] =	vst v0  }
0x34: {  	[tilespmem:$0x18D40] =	vst v0  }
0x35: {  	[tilespmem:$0x18D50] =	vst v0  }
0x36: {  	[tilespmem:$0x18D60] =	vst v0  }
0x37: {  	[tilespmem:$0x18D70] =	vst v0  }
0x38: {  	[tilespmem:$0x18D80] =	vst v0  }
0x39: {  	[tilespmem:$0x18D90] =	vst v0  }
0x3a: {  	[tilespmem:$0x18DA0] =	vst v0  }
0x3b: {  	[tilespmem:$0x18DB0] =	vst v0  }
0x3c: {  	[tilespmem:$0x18DC0] =	vst v0  }
0x3d: {  	[tilespmem:$0x18DD0] =	vst v0  }
0x3e: {  	[tilespmem:$0x18DE0] =	vst v0  }
0x3f: {  	[tilespmem:$0x18DF0] =	vst v0  }
0x40: {  	[tilespmem:$0x18E00] =	vst v0  }
0x41: {  	[tilespmem:$0x18E10] =	vst v0  }
0x42: {  	[tilespmem:s11], [sflag:$0x1] =	stream.indirect.gather [hbm4b:s0+s10], $0x80, s3, s10, $0xb8;
	[tilespmem:$0x18F00] =	vst v63  }
0x43: {  	_ = 	snop  }
0x44: {  	[tilespmem:s13], [sflag:$0x1] =	stream.indirect.gather [hbm4b:s0+s12], $0x80, s9, s12, $0xb8;
	[tilespmem:$0x18F00] =	vst v63  }
0x45: {  	s1 =	simm.s32 $0x480  }
0x46: {  	[tilespmem:s15], [sflag:$0x1] =	stream.indirect.gather [hbm4b:s0+s12], $0x80, s1, s12, $0xb8;
	[tilespmem:$0x18F00] =	vst v63  }
0x47: {  	s29 =	simm.s32 $0x0  }
0x48: {  	v0 =	vimm.f32 $0.0e+00;
	[tilespmem:s18], [sflag:$0x1] =	stream.indirect.gather [hbm4b:s0+s16], $0x80, s17, s16, $0xb8;
	[tilespmem:$0x18F00] =	vst v63  }
.LBB2_2:
0x49: {  	s1 =	sshllo.u32 s29, $0x1  }
0x4a: {  	s2 =	sshll.u32 s1, $0x5  }
0x4b: {  	s1 =	smul.u32 $0x500, s1;
	s2 =	sand.u32 $0x3FFFFFE0, s2  }
0x4c: {  	[tilespmem:s19], [sflag:$0x2] =	stream.indirect.gather [hbm4b:s0+s10], $0x80, s2, s10, $0xb8;
	[tilespmem:$0x18F00] =	vst v63  }
0x4d: {  	s1 =	sshra.s32 s1, $0x2  }
0x4e: {  	s14 =	sadd.s32 $0x400, s1  }
0x4f: {  	[tilespmem:s20], [sflag:$0x2] =	stream.indirect.gather [hbm4b:s0+s12], $0x80, s14, s12, $0xb8;
	[tilespmem:$0x18F00] =	vst v63  }
0x50: {  	s14 =	sadd.s32 $0x480, s1  }
0x51: {  	[tilespmem:s21], [sflag:$0x2] =	stream.indirect.gather [hbm4b:s0+s12], $0x80, s14, s12, $0xb8;
	[tilespmem:$0x18F00] =	vst v63  }
0x52: {  	s1 =	sadd.s32 $0x500, s1  }
0x53: {  	[tilespmem:s22], [sflag:$0x2] =	stream.indirect.gather [hbm4b:s0+s16], $0x80, s1, s16, $0xb8;
	[tilespmem:$0x18F00] =	vst v63  }
0x54: {  	_ =	swait.ge [sflag:s23], $0x1000  }
0x55: {  	[sflag:s23] =	ssyncset.done $0x0  }
0x56: {  	[sflag:s23] =	ssyncadd.s32 $0xFFFFF000  }
0x57: {  	_ =	swait.ge [sflag:s23], $0x4000  }
0x58: {  	[sflag:s23] =	ssyncset.done $0x0  }
0x59: {  	[sflag:s23] =	ssyncadd.s32 $0xFFFFC000  }
0x5a: {  	_ =	swait.ge [sflag:s23], $0x4000  }
0x5b: {  	[sflag:s23] =	ssyncset.done $0x0  }
0x5c: {  	[sflag:s23] =	ssyncadd.s32 $0xFFFFC000  }
0x5d: {  	_ =	swait.ge [sflag:s23], $0x2000  }
0x5e: {  	s30 =	sshll.u32 s29, $0x1;
	[sflag:s23] =	ssyncset.done $0x0  }
0x5f: {  	s31 =	simm.s32 $0x0;
	v24 =	vmov v22;
	v22 =	vmov v2;
	s1 =	simm.s32 $0x13;
	[sflag:s23] =	ssyncadd.s32 $0xFFFFE000  }
.LBB2_3:
0x60: {  	v1 =	vmov s31  }
0x61: {  	v1 =	vshll.u32 v1, $0x7  }
0x62: {  	v3 =	vbroadcast v1, $0x0;
	_ =	sdelay $0x1  }
0x63: {  	v1 =	vor.u32 v15, v3  }
0x64: {  	v2 =	vor.u32 v16, v3  }
0x65: {  	v61 =	vmov v4;
	v4 =	vor.u32 v19, v3  }
0x66: {  	v5 =	vor.u32 v20, v3  }
0x67: {  	v6 =	vor.u32 v17, v3  }
0x68: {  	v7 =	vor.u32 v21, v3;
	v1 =	vld.idx.msk [tilespmem:v1+s11+$0x0], $0xffff  }
0x69: {  	v12 =	vor.u32 v18, v3;
	v2 =	vld.idx.msk [tilespmem:v2+s11+$0x0], $0xffff  }
0x6a: {  	v14 =	vor.u32 v23, v3;
	v13 =	vld.idx.msk [tilespmem:v4+s11+$0x0], $0xffff  }
0x6b: {  	v5 =	vld.idx.msk [tilespmem:v5+s11+$0x0], $0xffff  }
0x6c: {  	v3 =	vld.idx.msk [tilespmem:v6+s11+$0x0], $0xffff  }
0x6d: {  	v6 =	vld.idx.msk [tilespmem:v7+s11+$0x0], $0xffff  }
0x6e: {  	v4 =	vld.idx.msk [tilespmem:v12+s11+$0x0], $0xffff  }
0x6f: {  	v7 =	vld.idx.msk [tilespmem:v14+s11+$0x0], $0xffff  }
0x70: {  	v12 =	vmul.f32 v13, v1;
	v5 =	vmul.f32 v5, v2;
	_ =	sdelay $0x1  }
0x71: {  	s2 =	sshll.u32 s1, $0x7;
	v6 =	vmul.f32 v6, v3;
	v5 =	vadd.f32 v5, v12  }
0x72: {  	s14 =	sadd.s32 $0xFFFFF680, s2  }
0x73: {  	v5 =	vadd.f32 v6, v5;
	v6 =	vmul.f32 v7, v4;
	v7 =	vor.u32 s14, v8  }
0x74: {  	v12 =	vor.u32 s14, v9  }
0x75: {  	v5 =	vadd.f32 v6, v5  }
0x76: {  	v6 =	vor.u32 s14, v10  }
0x77: {  	[tilespmem:v15+s24+$0x0] =	vst.idx.msk $0xffff, v5  }
0x78: {  	v5 =	vld.idx.msk [tilespmem:v7+s13+$0x0], $0xffff;
	v7 =	vor.u32 s14, v11  }
0x79: {  	v12 =	vld.idx.msk [tilespmem:v12+s13+$0x0], $0xffff;
	_ =	sdelay $0x1  }
0x7a: {  	v6 =	vld.idx.msk [tilespmem:v6+s13+$0x0], $0xffff;
	_ =	sdelay $0x1  }
0x7b: {  	v7 =	vld.idx.msk [tilespmem:v7+s13+$0x0], $0xffff  }
0x7c: {  	v13 =	vld [tilespmem:$0x1FFD0];
	v5 =	vmul.f32 v5, v1;
	v12 =	vmul.f32 v12, v2;
	_ =	sdelay $0x1  }
0x7d: {  	v5 =	vadd.f32 v12, v5;
	v6 =	vmul.f32 v6, v3  }
0x7e: {  	s14 =	sadd.s32 $0xFFFFF700, s2  }
0x7f: {  	v5 =	vadd.f32 v6, v5;
	v6 =	vmul.f32 v7, v4;
	v7 =	vor.u32 s14, v8  }
0x80: {  	v12 =	vor.u32 s14, v9  }
0x81: {  	v5 =	vadd.f32 v6, v5  }
0x82: {  	v6 =	vor.u32 s14, v10  }
0x83: {  	[tilespmem:v13+s24+$0x0] =	vst.idx.msk $0xffff, v5  }
0x84: {  	v5 =	vld.idx.msk [tilespmem:v7+s13+$0x0], $0xffff;
	v7 =	vor.u32 s14, v11  }
0x85: {  	v12 =	vld.idx.msk [tilespmem:v12+s13+$0x0], $0xffff;
	_ =	sdelay $0x1  }
0x86: {  	v6 =	vld.idx.msk [tilespmem:v6+s13+$0x0], $0xffff;
	_ =	sdelay $0x1  }
0x87: {  	v7 =	vld.idx.msk [tilespmem:v7+s13+$0x0], $0xffff  }
0x88: {  	v5 =	vmul.f32 v5, v1;
	v12 =	vmul.f32 v12, v2;
	_ =	sdelay $0x1  }
0x89: {  	v5 =	vadd.f32 v12, v5;
	v6 =	vmul.f32 v6, v3  }
0x8a: {  	s14 =	sadd.s32 $0xFFFFF780, s2  }
0x8b: {  	v5 =	vadd.f32 v6, v5;
	v6 =	vmul.f32 v7, v4;
	v7 =	vor.u32 s14, v8  }
0x8c: {  	v12 =	vor.u32 s14, v9  }
0x8d: {  	v5 =	vadd.f32 v6, v5  }
0x8e: {  	v6 =	vor.u32 s14, v10  }
0x8f: {  	[tilespmem:v25+s24+$0x0] =	vst.idx.msk $0xffff, v5  }
0x90: {  	v5 =	vld.idx.msk [tilespmem:v7+s13+$0x0], $0xffff;
	v7 =	vor.u32 s14, v11  }
0x91: {  	v12 =	vld.idx.msk [tilespmem:v12+s13+$0x0], $0xffff;
	_ =	sdelay $0x1  }
0x92: {  	v6 =	vld.idx.msk [tilespmem:v6+s13+$0x0], $0xffff;
	_ =	sdelay $0x1  }
0x93: {  	v7 =	vld.idx.msk [tilespmem:v7+s13+$0x0], $0xffff  }
0x94: {  	v5 =	vmul.f32 v5, v1;
	v12 =	vmul.f32 v12, v2;
	_ =	sdelay $0x1  }
0x95: {  	v5 =	vadd.f32 v12, v5;
	v6 =	vmul.f32 v6, v3  }
0x96: {  	s14 =	sadd.s32 $0xFFFFF800, s2  }
0x97: {  	v5 =	vadd.f32 v6, v5;
	v6 =	vmul.f32 v7, v4;
	v7 =	vor.u32 s14, v8  }
0x98: {  	v12 =	vor.u32 s14, v9  }
0x99: {  	v5 =	vadd.f32 v6, v5  }
0x9a: {  	v6 =	vor.u32 s14, v10  }
0x9b: {  	[tilespmem:v26+s24+$0x0] =	vst.idx.msk $0xffff, v5  }
0x9c: {  	v5 =	vld.idx.msk [tilespmem:v7+s13+$0x0], $0xffff;
	v7 =	vor.u32 s14, v11  }
0x9d: {  	v12 =	vld.idx.msk [tilespmem:v12+s13+$0x0], $0xffff;
	_ =	sdelay $0x1  }
0x9e: {  	v6 =	vld.idx.msk [tilespmem:v6+s13+$0x0], $0xffff;
	_ =	sdelay $0x1  }
0x9f: {  	v7 =	vld.idx.msk [tilespmem:v7+s13+$0x0], $0xffff  }
0xa0: {  	v5 =	vmul.f32 v5, v1;
	v12 =	vmul.f32 v12, v2;
	_ =	sdelay $0x1  }
0xa1: {  	v5 =	vadd.f32 v12, v5;
	v6 =	vmul.f32 v6, v3  }
0xa2: {  	s14 =	sadd.s32 $0xFFFFF880, s2  }
0xa3: {  	v5 =	vadd.f32 v6, v5;
	v6 =	vmul.f32 v7, v4;
	v7 =	vor.u32 s14, v8  }
0xa4: {  	v12 =	vor.u32 s14, v9  }
0xa5: {  	v5 =	vadd.f32 v6, v5  }
0xa6: {  	v6 =	vor.u32 s14, v10  }
0xa7: {  	[tilespmem:v27+s24+$0x0] =	vst.idx.msk $0xffff, v5  }
0xa8: {  	v5 =	vld.idx.msk [tilespmem:v7+s13+$0x0], $0xffff;
	v7 =	vor.u32 s14, v11  }
0xa9: {  	v12 =	vld.idx.msk [tilespmem:v12+s13+$0x0], $0xffff;
	_ =	sdelay $0x1  }
0xaa: {  	v6 =	vld.idx.msk [tilespmem:v6+s13+$0x0], $0xffff;
	_ =	sdelay $0x1  }
0xab: {  	v7 =	vld.idx.msk [tilespmem:v7+s13+$0x0], $0xffff  }
0xac: {  	v5 =	vmul.f32 v5, v1;
	v12 =	vmul.f32 v12, v2;
	_ =	sdelay $0x1  }
0xad: {  	v5 =	vadd.f32 v12, v5;
	v6 =	vmul.f32 v6, v3  }
0xae: {  	s14 =	sadd.s32 $0xFFFFF900, s2  }
0xaf: {  	v5 =	vadd.f32 v6, v5;
	v6 =	vmul.f32 v7, v4;
	v7 =	vor.u32 s14, v8  }
0xb0: {  	v12 =	vor.u32 s14, v9  }
0xb1: {  	v5 =	vadd.f32 v6, v5  }
0xb2: {  	v6 =	vor.u32 s14, v10  }
0xb3: {  	[tilespmem:v29+s24+$0x0] =	vst.idx.msk $0xffff, v5  }
0xb4: {  	v5 =	vld.idx.msk [tilespmem:v7+s13+$0x0], $0xffff;
	v7 =	vor.u32 s14, v11  }
0xb5: {  	v12 =	vld.idx.msk [tilespmem:v12+s13+$0x0], $0xffff;
	_ =	sdelay $0x1  }
0xb6: {  	v6 =	vld.idx.msk [tilespmem:v6+s13+$0x0], $0xffff;
	_ =	sdelay $0x1  }
0xb7: {  	v7 =	vld.idx.msk [tilespmem:v7+s13+$0x0], $0xffff  }
0xb8: {  	v5 =	vmul.f32 v5, v1;
	v12 =	vmul.f32 v12, v2;
	_ =	sdelay $0x1  }
0xb9: {  	v5 =	vadd.f32 v12, v5;
	v6 =	vmul.f32 v6, v3  }
0xba: {  	s14 =	sadd.s32 $0xFFFFF980, s2  }
0xbb: {  	v5 =	vadd.f32 v6, v5;
	v6 =	vmul.f32 v7, v4;
	v7 =	vor.u32 s14, v8  }
0xbc: {  	v12 =	vor.u32 s14, v9  }
0xbd: {  	v5 =	vadd.f32 v6, v5  }
0xbe: {  	v6 =	vor.u32 s14, v10  }
0xbf: {  	[tilespmem:v30+s24+$0x0] =	vst.idx.msk $0xffff, v5  }
0xc0: {  	v5 =	vld.idx.msk [tilespmem:v7+s13+$0x0], $0xffff;
	v7 =	vor.u32 s14, v11  }
0xc1: {  	v12 =	vld.idx.msk [tilespmem:v12+s13+$0x0], $0xffff;
	_ =	sdelay $0x1  }
0xc2: {  	v6 =	vld.idx.msk [tilespmem:v6+s13+$0x0], $0xffff;
	_ =	sdelay $0x1  }
0xc3: {  	v7 =	vld.idx.msk [tilespmem:v7+s13+$0x0], $0xffff  }
0xc4: {  	v5 =	vmul.f32 v5, v1;
	v12 =	vmul.f32 v12, v2;
	_ =	sdelay $0x1  }
0xc5: {  	v5 =	vadd.f32 v12, v5;
	v6 =	vmul.f32 v6, v3  }
0xc6: {  	s14 =	sadd.s32 $0xFFFFFA00, s2  }
0xc7: {  	v5 =	vadd.f32 v6, v5;
	v6 =	vmul.f32 v7, v4;
	v7 =	vor.u32 s14, v8  }
0xc8: {  	v12 =	vor.u32 s14, v9  }
0xc9: {  	v5 =	vadd.f32 v6, v5  }
0xca: {  	v6 =	vor.u32 s14, v10  }
0xcb: {  	[tilespmem:v31+s24+$0x0] =	vst.idx.msk $0xffff, v5  }
0xcc: {  	v5 =	vld.idx.msk [tilespmem:v7+s13+$0x0], $0xffff;
	v7 =	vor.u32 s14, v11  }
0xcd: {  	v12 =	vld.idx.msk [tilespmem:v12+s13+$0x0], $0xffff;
	_ =	sdelay $0x1  }
0xce: {  	v6 =	vld.idx.msk [tilespmem:v6+s13+$0x0], $0xffff;
	_ =	sdelay $0x1  }
0xcf: {  	v7 =	vld.idx.msk [tilespmem:v7+s13+$0x0], $0xffff  }
0xd0: {  	v5 =	vmul.f32 v5, v1;
	v12 =	vmul.f32 v12, v2;
	_ =	sdelay $0x1  }
0xd1: {  	v5 =	vadd.f32 v12, v5;
	v6 =	vmul.f32 v6, v3  }
0xd2: {  	s14 =	sadd.s32 $0xFFFFFA80, s2  }
0xd3: {  	v5 =	vadd.f32 v6, v5;
	v6 =	vmul.f32 v7, v4;
	v7 =	vor.u32 s14, v8  }
0xd4: {  	v12 =	vor.u32 s14, v9  }
0xd5: {  	v5 =	vadd.f32 v6, v5  }
0xd6: {  	v6 =	vor.u32 s14, v10  }
0xd7: {  	[tilespmem:v32+s24+$0x0] =	vst.idx.msk $0xffff, v5  }
0xd8: {  	v5 =	vld.idx.msk [tilespmem:v7+s13+$0x0], $0xffff;
	v7 =	vor.u32 s14, v11  }
0xd9: {  	v12 =	vld.idx.msk [tilespmem:v12+s13+$0x0], $0xffff;
	_ =	sdelay $0x1  }
0xda: {  	v6 =	vld.idx.msk [tilespmem:v6+s13+$0x0], $0xffff;
	_ =	sdelay $0x1  }
0xdb: {  	v7 =	vld.idx.msk [tilespmem:v7+s13+$0x0], $0xffff  }
0xdc: {  	v5 =	vmul.f32 v5, v1;
	v12 =	vmul.f32 v12, v2;
	_ =	sdelay $0x1  }
0xdd: {  	v5 =	vadd.f32 v12, v5;
	v6 =	vmul.f32 v6, v3  }
0xde: {  	s14 =	sadd.s32 $0xFFFFFB00, s2  }
0xdf: {  	v5 =	vadd.f32 v6, v5;
	v6 =	vmul.f32 v7, v4;
	v7 =	vor.u32 s14, v8  }
0xe0: {  	v12 =	vor.u32 s14, v9  }
0xe1: {  	v5 =	vadd.f32 v6, v5  }
0xe2: {  	v6 =	vor.u32 s14, v10  }
0xe3: {  	[tilespmem:v33+s24+$0x0] =	vst.idx.msk $0xffff, v5  }
0xe4: {  	v5 =	vld.idx.msk [tilespmem:v7+s13+$0x0], $0xffff;
	v7 =	vor.u32 s14, v11  }
0xe5: {  	v12 =	vld.idx.msk [tilespmem:v12+s13+$0x0], $0xffff;
	_ =	sdelay $0x1  }
0xe6: {  	v6 =	vld.idx.msk [tilespmem:v6+s13+$0x0], $0xffff;
	_ =	sdelay $0x1  }
0xe7: {  	v7 =	vld.idx.msk [tilespmem:v7+s13+$0x0], $0xffff  }
0xe8: {  	v5 =	vmul.f32 v5, v1;
	v12 =	vmul.f32 v12, v2;
	_ =	sdelay $0x1  }
0xe9: {  	v5 =	vadd.f32 v12, v5;
	v6 =	vmul.f32 v6, v3  }
0xea: {  	s14 =	sadd.s32 $0xFFFFFB80, s2  }
0xeb: {  	v5 =	vadd.f32 v6, v5;
	v6 =	vmul.f32 v7, v4;
	v7 =	vor.u32 s14, v8  }
0xec: {  	v12 =	vor.u32 s14, v9  }
0xed: {  	v5 =	vadd.f32 v6, v5  }
0xee: {  	v6 =	vor.u32 s14, v10  }
0xef: {  	[tilespmem:v34+s24+$0x0] =	vst.idx.msk $0xffff, v5  }
0xf0: {  	v5 =	vld.idx.msk [tilespmem:v7+s13+$0x0], $0xffff;
	v7 =	vor.u32 s14, v11  }
0xf1: {  	v12 =	vld.idx.msk [tilespmem:v12+s13+$0x0], $0xffff;
	_ =	sdelay $0x1  }
0xf2: {  	v6 =	vld.idx.msk [tilespmem:v6+s13+$0x0], $0xffff;
	_ =	sdelay $0x1  }
0xf3: {  	v7 =	vld.idx.msk [tilespmem:v7+s13+$0x0], $0xffff  }
0xf4: {  	v5 =	vmul.f32 v5, v1;
	v12 =	vmul.f32 v12, v2;
	_ =	sdelay $0x1  }
0xf5: {  	v5 =	vadd.f32 v12, v5;
	v6 =	vmul.f32 v6, v3  }
0xf6: {  	s14 =	sadd.s32 $0xFFFFFC00, s2  }
0xf7: {  	v5 =	vadd.f32 v6, v5;
	v6 =	vmul.f32 v7, v4;
	v7 =	vor.u32 s14, v8  }
0xf8: {  	v12 =	vor.u32 s14, v9  }
0xf9: {  	v5 =	vadd.f32 v6, v5  }
0xfa: {  	v6 =	vor.u32 s14, v10  }
0xfb: {  	[tilespmem:v35+s24+$0x0] =	vst.idx.msk $0xffff, v5  }
0xfc: {  	v5 =	vld.idx.msk [tilespmem:v7+s13+$0x0], $0xffff;
	v7 =	vor.u32 s14, v11  }
0xfd: {  	v12 =	vld.idx.msk [tilespmem:v12+s13+$0x0], $0xffff;
	_ =	sdelay $0x1  }
0xfe: {  	v6 =	vld.idx.msk [tilespmem:v6+s13+$0x0], $0xffff;
	_ =	sdelay $0x1  }
0xff: {  	v7 =	vld.idx.msk [tilespmem:v7+s13+$0x0], $0xffff  }
0x100: {  	v5 =	vmul.f32 v5, v1;
	v12 =	vmul.f32 v12, v2;
	_ =	sdelay $0x1  }
0x101: {  	v5 =	vadd.f32 v12, v5;
	v6 =	vmul.f32 v6, v3  }
0x102: {  	s14 =	sadd.s32 $0xFFFFFC80, s2  }
0x103: {  	v5 =	vadd.f32 v6, v5;
	v6 =	vmul.f32 v7, v4;
	v7 =	vor.u32 s14, v8  }
0x104: {  	v12 =	vor.u32 s14, v9  }
0x105: {  	v5 =	vadd.f32 v6, v5  }
0x106: {  	v6 =	vor.u32 s14, v10  }
0x107: {  	[tilespmem:v36+s24+$0x0] =	vst.idx.msk $0xffff, v5  }
0x108: {  	v5 =	vld.idx.msk [tilespmem:v7+s13+$0x0], $0xffff;
	v7 =	vor.u32 s14, v11  }
0x109: {  	v12 =	vld.idx.msk [tilespmem:v12+s13+$0x0], $0xffff;
	_ =	sdelay $0x1  }
0x10a: {  	v6 =	vld.idx.msk [tilespmem:v6+s13+$0x0], $0xffff;
	_ =	sdelay $0x1  }
0x10b: {  	v7 =	vld.idx.msk [tilespmem:v7+s13+$0x0], $0xffff  }
0x10c: {  	v5 =	vmul.f32 v5, v1;
	v12 =	vmul.f32 v12, v2;
	_ =	sdelay $0x1  }
0x10d: {  	v5 =	vadd.f32 v12, v5;
	v6 =	vmul.f32 v6, v3  }
0x10e: {  	s14 =	sadd.s32 $0xFFFFFD00, s2  }
0x10f: {  	v5 =	vadd.f32 v6, v5;
	v6 =	vmul.f32 v7, v4;
	v7 =	vor.u32 s14, v8  }
0x110: {  	v12 =	vor.u32 s14, v9  }
0x111: {  	v5 =	vadd.f32 v6, v5  }
0x112: {  	v6 =	vor.u32 s14, v10  }
0x113: {  	[tilespmem:v37+s24+$0x0] =	vst.idx.msk $0xffff, v5  }
0x114: {  	v5 =	vld.idx.msk [tilespmem:v7+s13+$0x0], $0xffff;
	v7 =	vor.u32 s14, v11  }
0x115: {  	v12 =	vld.idx.msk [tilespmem:v12+s13+$0x0], $0xffff;
	_ =	sdelay $0x1  }
0x116: {  	v6 =	vld.idx.msk [tilespmem:v6+s13+$0x0], $0xffff;
	_ =	sdelay $0x1  }
0x117: {  	v7 =	vld.idx.msk [tilespmem:v7+s13+$0x0], $0xffff  }
0x118: {  	v5 =	vmul.f32 v5, v1;
	v12 =	vmul.f32 v12, v2;
	_ =	sdelay $0x1  }
0x119: {  	v5 =	vadd.f32 v12, v5;
	v6 =	vmul.f32 v6, v3  }
0x11a: {  	s14 =	sadd.s32 $0xFFFFFD80, s2  }
0x11b: {  	v5 =	vadd.f32 v6, v5;
	v6 =	vmul.f32 v7, v4;
	v7 =	vor.u32 s14, v8  }
0x11c: {  	v12 =	vor.u32 s14, v9  }
0x11d: {  	v5 =	vadd.f32 v6, v5  }
0x11e: {  	v6 =	vor.u32 s14, v10  }
0x11f: {  	[tilespmem:v38+s24+$0x0] =	vst.idx.msk $0xffff, v5  }
0x120: {  	v5 =	vld.idx.msk [tilespmem:v7+s13+$0x0], $0xffff;
	v7 =	vor.u32 s14, v11  }
0x121: {  	v12 =	vld.idx.msk [tilespmem:v12+s13+$0x0], $0xffff;
	_ =	sdelay $0x1  }
0x122: {  	v6 =	vld.idx.msk [tilespmem:v6+s13+$0x0], $0xffff;
	_ =	sdelay $0x1  }
0x123: {  	v7 =	vld.idx.msk [tilespmem:v7+s13+$0x0], $0xffff  }
0x124: {  	v5 =	vmul.f32 v5, v1;
	v12 =	vmul.f32 v12, v2;
	_ =	sdelay $0x1  }
0x125: {  	v5 =	vadd.f32 v12, v5;
	v6 =	vmul.f32 v6, v3  }
0x126: {  	s14 =	sadd.s32 $0xFFFFFE00, s2  }
0x127: {  	v5 =	vadd.f32 v6, v5;
	v6 =	vmul.f32 v7, v4;
	v7 =	vor.u32 s14, v8  }
0x128: {  	v12 =	vor.u32 s14, v9  }
0x129: {  	v5 =	vadd.f32 v6, v5  }
0x12a: {  	v6 =	vor.u32 s14, v10  }
0x12b: {  	[tilespmem:v39+s24+$0x0] =	vst.idx.msk $0xffff, v5  }
0x12c: {  	v5 =	vld.idx.msk [tilespmem:v7+s13+$0x0], $0xffff;
	v7 =	vor.u32 s14, v11  }
0x12d: {  	v12 =	vld.idx.msk [tilespmem:v12+s13+$0x0], $0xffff;
	_ =	sdelay $0x1  }
0x12e: {  	v6 =	vld.idx.msk [tilespmem:v6+s13+$0x0], $0xffff;
	_ =	sdelay $0x1  }
0x12f: {  	v7 =	vld.idx.msk [tilespmem:v7+s13+$0x0], $0xffff  }
0x130: {  	v5 =	vmul.f32 v5, v1;
	v12 =	vmul.f32 v12, v2;
	_ =	sdelay $0x1  }
0x131: {  	v5 =	vadd.f32 v12, v5;
	v6 =	vmul.f32 v6, v3  }
0x132: {  	s14 =	sadd.s32 $0xFFFFFE80, s2  }
0x133: {  	v5 =	vadd.f32 v6, v5;
	v6 =	vmul.f32 v7, v4;
	v7 =	vor.u32 s14, v8  }
0x134: {  	v12 =	vor.u32 s14, v9  }
0x135: {  	v5 =	vadd.f32 v6, v5  }
0x136: {  	v6 =	vor.u32 s14, v10  }
0x137: {  	[tilespmem:v40+s24+$0x0] =	vst.idx.msk $0xffff, v5  }
0x138: {  	v5 =	vld.idx.msk [tilespmem:v7+s13+$0x0], $0xffff;
	v7 =	vor.u32 s14, v11  }
0x139: {  	v12 =	vld.idx.msk [tilespmem:v12+s13+$0x0], $0xffff;
	_ =	sdelay $0x1  }
0x13a: {  	v6 =	vld.idx.msk [tilespmem:v6+s13+$0x0], $0xffff;
	_ =	sdelay $0x1  }
0x13b: {  	v7 =	vld.idx.msk [tilespmem:v7+s13+$0x0], $0xffff  }
0x13c: {  	v5 =	vmul.f32 v5, v1;
	v12 =	vmul.f32 v12, v2;
	_ =	sdelay $0x1  }
0x13d: {  	v5 =	vadd.f32 v12, v5;
	v6 =	vmul.f32 v6, v3  }
0x13e: {  	s14 =	sadd.s32 $0xFFFFFF00, s2  }
0x13f: {  	v5 =	vadd.f32 v6, v5;
	v6 =	vmul.f32 v7, v4;
	v7 =	vor.u32 s14, v8  }
0x140: {  	v12 =	vor.u32 s14, v9  }
0x141: {  	v5 =	vadd.f32 v6, v5  }
0x142: {  	v6 =	vor.u32 s14, v10  }
0x143: {  	[tilespmem:v41+s24+$0x0] =	vst.idx.msk $0xffff, v5  }
0x144: {  	v5 =	vld.idx.msk [tilespmem:v7+s13+$0x0], $0xffff;
	v7 =	vor.u32 s14, v11  }
0x145: {  	v12 =	vld.idx.msk [tilespmem:v12+s13+$0x0], $0xffff;
	_ =	sdelay $0x1  }
0x146: {  	v6 =	vld.idx.msk [tilespmem:v6+s13+$0x0], $0xffff;
	_ =	sdelay $0x1  }
0x147: {  	v7 =	vld.idx.msk [tilespmem:v7+s13+$0x0], $0xffff  }
0x148: {  	v5 =	vmul.f32 v5, v1;
	v12 =	vmul.f32 v12, v2;
	_ =	sdelay $0x1  }
0x149: {  	v5 =	vadd.f32 v12, v5;
	v6 =	vmul.f32 v6, v3  }
0x14a: {  	s14 =	sadd.s32 $0xFFFFFF80, s2  }
0x14b: {  	v5 =	vadd.f32 v6, v5;
	v6 =	vmul.f32 v7, v4;
	v7 =	vor.u32 s14, v8  }
0x14c: {  	v12 =	vor.u32 s14, v9  }
0x14d: {  	v5 =	vadd.f32 v6, v5  }
0x14e: {  	v6 =	vor.u32 s14, v10  }
0x14f: {  	[tilespmem:v42+s24+$0x0] =	vst.idx.msk $0xffff, v5  }
0x150: {  	v5 =	vld.idx.msk [tilespmem:v7+s13+$0x0], $0xffff;
	v7 =	vor.u32 s14, v11  }
0x151: {  	v12 =	vld.idx.msk [tilespmem:v12+s13+$0x0], $0xffff;
	_ =	sdelay $0x1  }
0x152: {  	v6 =	vld.idx.msk [tilespmem:v6+s13+$0x0], $0xffff;
	_ =	sdelay $0x1  }
0x153: {  	v7 =	vld.idx.msk [tilespmem:v7+s13+$0x0], $0xffff  }
0x154: {  	v5 =	vmul.f32 v5, v1;
	v12 =	vmul.f32 v12, v2;
	_ =	sdelay $0x1  }
0x155: {  	v5 =	vadd.f32 v12, v5;
	v6 =	vmul.f32 v6, v3;
	_ =	sdelay $0x1  }
0x156: {  	v5 =	vadd.f32 v6, v5;
	v6 =	vmul.f32 v7, v4;
	v7 =	vor.u32 s2, v8  }
0x157: {  	v12 =	vor.u32 s2, v9  }
0x158: {  	v5 =	vadd.f32 v6, v5  }
0x159: {  	v6 =	vor.u32 s2, v10  }
0x15a: {  	[tilespmem:v43+s24+$0x0] =	vst.idx.msk $0xffff, v5  }
0x15b: {  	v5 =	vld.idx.msk [tilespmem:v7+s13+$0x0], $0xffff;
	v7 =	vor.u32 s2, v11  }
0x15c: {  	v12 =	vld.idx.msk [tilespmem:v12+s13+$0x0], $0xffff;
	_ =	sdelay $0x1  }
0x15d: {  	v6 =	vld.idx.msk [tilespmem:v6+s13+$0x0], $0xffff;
	_ =	sdelay $0x1  }
0x15e: {  	v7 =	vld.idx.msk [tilespmem:v7+s13+$0x0], $0xffff  }
0x15f: {  	v1 =	vmul.f32 v5, v1;
	v2 =	vmul.f32 v12, v2;
	_ =	sdelay $0x1  }
0x160: {  	v1 =	vadd.f32 v2, v1;
	v2 =	vmul.f32 v6, v3;
	_ =	sdelay $0x1  }
0x161: {  	v1 =	vadd.f32 v2, v1;
	v2 =	vmul.f32 v7, v4;
	_ =	sdelay $0x1  }
0x162: {  	v1 =	vadd.f32 v2, v1;
	_ =	sdelay $0x1  }
0x163: {  	[tilespmem:v44+s24+$0x0] =	vst.idx.msk $0xffff, v1  }
0x164: {  	v1 =	vld.idx.msk [tilespmem:v28+s24+$0x0], $0xffff  }
0x165: {  	v2 =	vld.idx.msk [tilespmem:v46+s24+$0x0], $0xffff;
	_ =	sdelay $0x1  }
0x166: {  	v3 =	vld.idx.msk [tilespmem:v48+s24+$0x0], $0xffff;
	_ =	sdelay $0x1  }
0x167: {  	v4 =	vld.idx.msk [tilespmem:v50+s24+$0x0], $0xffff  }
0x168: {  	v1 =	vadd.f32 v2, v1  }
0x169: {  	v2 =	vld.idx.msk [tilespmem:v52+s24+$0x0], $0xffff  }
0x16a: {  	v1 =	vadd.f32 v3, v1  }
0x16b: {  	v3 =	vld.idx.msk [tilespmem:v54+s24+$0x0], $0xffff  }
0x16c: {  	v1 =	vadd.f32 v4, v1  }
0x16d: {  	v4 =	vld.idx.msk [tilespmem:v56+s24+$0x0], $0xffff  }
0x16e: {  	v1 =	vadd.f32 v2, v1  }
0x16f: {  	v2 =	vld.idx.msk [tilespmem:v58+s24+$0x0], $0xffff  }
0x170: {  	v1 =	vadd.f32 v3, v1  }
0x171: {  	v3 =	vld.idx.msk [tilespmem:v60+s24+$0x0], $0xffff  }
0x172: {  	v1 =	vadd.f32 v4, v1;
	_ =	sdelay $0x1  }
0x173: {  	v1 =	vadd.f32 v2, v1;
	_ =	sdelay $0x1  }
0x174: {  	v1 =	vadd.f32 v3, v1;
	v3 =	vld [tilespmem:$0x1FF40];
	_ =	sdelay $0x3  }
0x175: {  	v4 =	vld.idx.msk [tilespmem:v63+s24+$0x0], $0xffff;
	_ =	sdelay $0x1  }
0x176: {  	v2 =	vld.idx.msk [tilespmem:v22+s24+$0x0], $0xffff;
	_ =	sdelay $0x1  }
0x177: {  	v3 =	vld.idx.msk [tilespmem:v3+s24+$0x0], $0xffff  }
0x178: {  	v1 =	vadd.f32 v4, v1;
	v4 =	vld [tilespmem:$0x1FF60];
	_ =	sdelay $0x1  }
0x179: {  	v13 =	vld [tilespmem:$0x1FF80];
	v2 =	vadd.f32 v2, v1;
	_ =	sdelay $0x1  }
0x17a: {  	v2 =	vadd.f32 v3, v2;
	v3 =	vld [tilespmem:$0x1FFB0]  }
0x17b: {  	v5 =	vld.idx.msk [tilespmem:v45+s24+$0x0], $0xffff  }
0x17c: {  	v6 =	vld.idx.msk [tilespmem:v47+s24+$0x0], $0xffff  }
0x17d: {  	v7 =	vld.idx.msk [tilespmem:v49+s24+$0x0], $0xffff  }
0x17e: {  	v4 =	vld.idx.msk [tilespmem:v4+s24+$0x0], $0xffff  }
0x17f: {  	v12 =	vld.idx.msk [tilespmem:v51+s24+$0x0], $0xffff;
	v1 =	vadd.s32 $0xF, v28  }
0x180: {  	v13 =	vld.idx.msk [tilespmem:v13+s24+$0x0], $0xffff  }
0x181: {  	v5 =	vadd.f32 v6, v5;
	v6 =	vld.idx.msk [tilespmem:v53+s24+$0x0], $0xffff  }
0x182: {  	v3 =	vld.idx.msk [tilespmem:v3+s24+$0x0], $0xffff  }
0x183: {  	v5 =	vadd.f32 v7, v5;
	v7 =	vld.idx.msk [tilespmem:v55+s24+$0x0], $0xffff;
	v2 =	vadd.f32 v4, v2  }
0x184: {  	v4 =	vld.idx.msk [tilespmem:v1+s24+$0x0], $0xffff  }
0x185: {  	v5 =	vadd.f32 v12, v5;
	v2 =	vadd.f32 v13, v2  }
0x186: {  	v12 =	vld.idx.msk [tilespmem:v57+s24+$0x0], $0xffff  }
0x187: {  	v5 =	vadd.f32 v6, v5;
	v2 =	vadd.f32 v3, v2;
	v3 =	vld [tilespmem:$0x1FF30]  }
0x188: {  	v6 =	vld.idx.msk [tilespmem:v59+s24+$0x0], $0xffff  }
0x189: {  	v5 =	vadd.f32 v7, v5;
	v2 =	vadd.f32 v4, v2;
	v4 =	vld [tilespmem:$0x1FF50];
	_ =	sdelay $0x1  }
0x18a: {  	v7 =	vld.idx.msk [tilespmem:v62+s24+$0x0], $0xffff;
	v5 =	vadd.f32 v12, v5  }
0x18b: {  	v12 =	vld.idx.msk [tilespmem:v24+s24+$0x0], $0xffff  }
0x18c: {  	v5 =	vadd.f32 v6, v5;
	v6 =	vld [tilespmem:$0x1FFA0];
	_ =	sdelay $0x1  }
0x18d: {  	v3 =	vld.idx.msk [tilespmem:v3+s24+$0x0], $0xffff  }
0x18e: {  	v5 =	vadd.f32 v7, v5  }
0x18f: {  	v4 =	vld.idx.msk [tilespmem:v4+s24+$0x0], $0xffff  }
0x190: {  	v5 =	vadd.f32 v12, v5;
	v6 =	vmul.f32 v6, v2;
	v2 =	vld [tilespmem:$0x1FF70];
	_ =	sdelay $0x1  }
0x191: {  	v12 =	vld [tilespmem:$0x1FF90];
	v3 =	vadd.f32 v3, v5;
	_ =	sdelay $0x1  }
0x192: {  	v3 =	vadd.f32 v4, v3;
	v4 =	vld [tilespmem:$0x1FFC0];
	_ =	sdelay $0x3  }
0x193: {  	v7 =	vld.idx.msk [tilespmem:v2+s24+$0x0], $0xffff  }
0x194: {  	v2 =	vadd.s32 $0x11F, v28;
	v5 =	vand.u32 $0x7FFFFFFF, v6  }
0x195: {  	v12 =	vld.idx.msk [tilespmem:v12+s24+$0x0], $0xffff;
	v5 =	vsub.f32 $0.0e+00, v5;
	_ =	sdelay $0x1  }
0x196: {  	v5 =	vmul.f32 $1.442695020e+00, v5;
	v4 =	vld.idx.msk [tilespmem:v4+s24+$0x0], $0xffff  }
0x197: {  	v3 =	vadd.f32 v7, v3  }
0x198: {  	v7 =	vld.idx.msk [tilespmem:v2+s24+$0x0], $0xffff;
	(erf) = vpow2.f32 v5  }
0x199: {  	v3 =	vadd.f32 v12, v3;
	_ =	sdelay $0x1  }
0x19a: {  	v3 =	vadd.f32 v4, v3;
	_ =	sdelay $0x1  }
0x19b: {  	v3 =	vadd.f32 v7, v3;
	_ =	sdelay $0x1  }
0x19c: {  	v3 =	vxor.u32 $0x80000000, v3  }
0x19d: {  	v4 =	vand.u32 $0x7FFFFFFF, v3  }
0x19e: {  	v5 =	vpop (erf);
	v4 =	vsub.f32 $0.0e+00, v4  }
0x19f: {  	v7 =	vadd.f32 $2.000000000e+00, v5  }
0x1a0: {  	v4 =	vmul.f32 $1.442695020e+00, v4  }
0x1a1: {  	(erf) = vrcp.f32 v7  }
0x1a2: {  	(erf) = vpow2.f32 v4;
	_ =	sdelay $0x7  }
0x1a3: {  	v4 =	vpop (erf)  }
0x1a4: {  	v7 =	vpop (erf)  }
0x1a5: {  	v12 =	vadd.f32 $2.000000000e+00, v7;
	_ =	sdelay $0x1  }
0x1a6: {  	(erf) = vrcp.f32 v12;
	_ =	sdelay $0x8  }
0x1a7: {  	v4 =	vmul.f32 v4, v5;
	v5 =	vpop (erf)  }
0x1a8: {  	v5 =	vmul.f32 v5, v7;
	_ =	sdelay $0x1  }
0x1a9: {  	v7 =	vmul.f32 v4, v4;
	v12 =	vmul.f32 v5, v5;
	_ =	sdelay $0x1  }
0x1aa: {  	v13 =	vmul.f32 $1.111111120e-01, v7;
	v14 =	vmul.f32 $1.111111120e-01, v12;
	_ =	sdelay $0x1  }
0x1ab: {  	v13 =	vadd.f32 $1.428571490e-01, v13;
	v14 =	vadd.f32 $1.428571490e-01, v14;
	_ =	sdelay $0x1  }
0x1ac: {  	v13 =	vmul.f32 v13, v7;
	v14 =	vmul.f32 v14, v12;
	_ =	sdelay $0x1  }
0x1ad: {  	v13 =	vadd.f32 $2.000000030e-01, v13;
	v14 =	vadd.f32 $2.000000030e-01, v14;
	_ =	sdelay $0x1  }
0x1ae: {  	v13 =	vmul.f32 v13, v7;
	v14 =	vmul.f32 v14, v12;
	_ =	sdelay $0x1  }
0x1af: {  	v13 =	vadd.f32 $3.333333430e-01, v13;
	v14 =	vadd.f32 $3.333333430e-01, v14;
	_ =	sdelay $0x1  }
0x1b0: {  	v7 =	vmul.f32 v13, v7;
	v12 =	vmul.f32 v14, v12  }
0x1b1: {  	v4 =	vadd.f32 v4, v4;
	v5 =	vadd.f32 v5, v5  }
0x1b2: {  	v7 =	vadd.f32 $1.000000000e+00, v7;
	v12 =	vadd.f32 $1.000000000e+00, v12;
	_ =	sdelay $0x1  }
0x1b3: {  	v4 =	vmul.f32 v7, v4;
	v5 =	vmul.f32 v12, v5  }
0x1b4: {  	p0 =	sne.s32 s1, $0x13F;
	v6 =	vmin.f32 v6, $0.0e+00;
	v3 =	vmin.f32 v3, $0.0e+00  }
.Ltmp0:
0x1b5: {  	v4 =	vsub.f32 v6, v4;
	v3 =	vsub.f32 v3, v5;
	(pc) =	sbr.rel @p0 .LBB2_3-.Ltmp0, $3  }
0x1b6: {  	_ = 	snop  }
0x1b7: {  	v0 =	vadd.f32 v4, v0;
	v3 =	vmul.f32 v61, v3;
	_ =	sdelay $0x1  }
0x1b8: {  	s31 =	sadd.s32 $0x1, s31;
	s1 =	sadd.s32 $0x14, s1;
	v4 =	vmov v61;
	v0 =	vadd.f32 v3, v0  }
0x1b9: {  	s1 =	sadd.s32 $0x2, s30;
	p0 =	seq.s32 s29, $0xF  }
0x1ba: {  	s1 =	simm.s32 @p0 $0x0  }
0x1bb: {  	s2 =	sshll.u32 s1, $0x5  }
0x1bc: {  	s1 =	smul.u32 $0x500, s1;
	s2 =	sand.u32 $0x3FFFFFE0, s2  }
0x1bd: {  	[tilespmem:s11], [sflag:$0x1] =	stream.indirect.gather [hbm4b:s0+s10], $0x80, s2, s10, $0xb8;
	[tilespmem:$0x18F00] =	vst v63  }
0x1be: {  	s1 =	sshra.s32 s1, $0x2  }
0x1bf: {  	s14 =	sadd.s32 $0x400, s1  }
0x1c0: {  	[tilespmem:s13], [sflag:$0x1] =	stream.indirect.gather [hbm4b:s0+s12], $0x80, s14, s12, $0xb8;
	[tilespmem:$0x18F00] =	vst v63  }
0x1c1: {  	s31 =	sadd.s32 $0x480, s1  }
0x1c2: {  	[tilespmem:s15], [sflag:$0x1] =	stream.indirect.gather [hbm4b:s0+s12], $0x80, s31, s12, $0xb8;
	[tilespmem:$0x18F00] =	vst v63  }
0x1c3: {  	s1 =	sadd.s32 $0x500, s1  }
0x1c4: {  	[tilespmem:s18], [sflag:$0x1] =	stream.indirect.gather [hbm4b:s0+s16], $0x80, s1, s16, $0xb8;
	[tilespmem:$0x18F00] =	vst v63  }
0x1c5: {  	_ =	swait.ge [sflag:s25], $0x1000  }
0x1c6: {  	[sflag:s25] =	ssyncset.done $0x0  }
0x1c7: {  	[sflag:s25] =	ssyncadd.s32 $0xFFFFF000  }
0x1c8: {  	_ =	swait.ge [sflag:s25], $0x4000  }
0x1c9: {  	[sflag:s25] =	ssyncset.done $0x0  }
0x1ca: {  	[sflag:s25] =	ssyncadd.s32 $0xFFFFC000  }
0x1cb: {  	_ =	swait.ge [sflag:s25], $0x4000  }
0x1cc: {  	[sflag:s25] =	ssyncset.done $0x0  }
0x1cd: {  	[sflag:s25] =	ssyncadd.s32 $0xFFFFC000  }
0x1ce: {  	_ =	swait.ge [sflag:s25], $0x2000  }
0x1cf: {  	[sflag:s25] =	ssyncset.done $0x0  }
0x1d0: {  	s30 =	simm.s32 $0x13;
	s1 =	simm.s32 $0x0;
	v24 =	vld [tilespmem:$0x1FFD0];
	[sflag:s25] =	ssyncadd.s32 $0xFFFFE000  }
.LBB2_5:
0x1d1: {  	v3 =	vmov s1  }
0x1d2: {  	v3 =	vshll.u32 v3, $0x7  }
0x1d3: {  	v5 =	vbroadcast v3, $0x0;
	_ =	sdelay $0x1  }
0x1d4: {  	v3 =	vor.u32 v15, v5  }
0x1d5: {  	v4 =	vor.u32 v16, v5  }
0x1d6: {  	v6 =	vor.u32 v19, v5  }
0x1d7: {  	v7 =	vor.u32 v20, v5  }
0x1d8: {  	v12 =	vor.u32 v17, v5  }
0x1d9: {  	v13 =	vor.u32 v21, v5;
	v3 =	vld.idx.msk [tilespmem:v3+s19+$0x0], $0xffff  }
0x1da: {  	v22 =	vmov v21;
	v14 =	vor.u32 v18, v5;
	v21 =	vmov v20;
	v4 =	vld.idx.msk [tilespmem:v4+s19+$0x0], $0xffff  }
0x1db: {  	v20 =	vmovc v19;
	v19 =	vmovc v18;
	v18 =	vmov v17;
	v17 =	vmov v16;
	v16 =	vor.u32 v23, v5;
	v15 =	vld.idx.msk [tilespmem:v6+s19+$0x0], $0xffff  }
0x1dc: {  	v7 =	vld.idx.msk [tilespmem:v7+s19+$0x0], $0xffff  }
0x1dd: {  	v5 =	vld.idx.msk [tilespmem:v12+s19+$0x0], $0xffff  }
0x1de: {  	v12 =	vld.idx.msk [tilespmem:v13+s19+$0x0], $0xffff  }
0x1df: {  	v6 =	vld.idx.msk [tilespmem:v14+s19+$0x0], $0xffff  }
0x1e0: {  	v13 =	vld.idx.msk [tilespmem:v16+s19+$0x0], $0xffff  }
0x1e1: {  	v14 =	vmul.f32 v15, v3;
	v7 =	vmul.f32 v7, v4;
	_ =	sdelay $0x1  }
0x1e2: {  	s2 =	sshll.u32 s30, $0x7;
	v12 =	vmul.f32 v12, v5;
	v7 =	vadd.f32 v7, v14  }
0x1e3: {  	s14 =	sadd.s32 $0xFFFFF680, s2;
	v15 =	vlaneseq.u32  }
0x1e4: {  	v7 =	vadd.f32 v12, v7;
	v12 =	vmul.f32 v13, v6;
	v13 =	vor.u32 s14, v8  }
0x1e5: {  	v14 =	vor.u32 s14, v9  }
0x1e6: {  	v7 =	vadd.f32 v12, v7  }
0x1e7: {  	v12 =	vor.u32 s14, v10  }
0x1e8: {  	[tilespmem:v15+s24+$0x0] =	vst.idx.msk $0xffff, v7  }
0x1e9: {  	v7 =	vld.idx.msk [tilespmem:v13+s20+$0x0], $0xffff;
	v13 =	vor.u32 s14, v11  }
0x1ea: {  	v14 =	vld.idx.msk [tilespmem:v14+s20+$0x0], $0xffff;
	_ =	sdelay $0x1  }
0x1eb: {  	v12 =	vld.idx.msk [tilespmem:v12+s20+$0x0], $0xffff;
	_ =	sdelay $0x1  }
0x1ec: {  	v13 =	vld.idx.msk [tilespmem:v13+s20+$0x0], $0xffff  }
0x1ed: {  	v7 =	vmul.f32 v7, v3;
	v14 =	vmul.f32 v14, v4;
	_ =	sdelay $0x1  }
0x1ee: {  	v7 =	vadd.f32 v14, v7;
	v12 =	vmul.f32 v12, v5  }
0x1ef: {  	s31 =	sadd.s32 $0xFFFFF700, s2  }
0x1f0: {  	v7 =	vadd.f32 v12, v7;
	v12 =	vmul.f32 v13, v6;
	v13 =	vor.u32 s31, v8  }
0x1f1: {  	v14 =	vor.u32 s31, v9  }
0x1f2: {  	v7 =	vadd.f32 v12, v7  }
0x1f3: {  	v12 =	vor.u32 s31, v10  }
0x1f4: {  	[tilespmem:v24+s24+$0x0] =	vst.idx.msk $0xffff, v7  }
0x1f5: {  	v7 =	vld.idx.msk [tilespmem:v13+s20+$0x0], $0xffff;
	v13 =	vor.u32 s31, v11  }
0x1f6: {  	v14 =	vld.idx.msk [tilespmem:v14+s20+$0x0], $0xffff;
	_ =	sdelay $0x1  }
0x1f7: {  	v12 =	vld.idx.msk [tilespmem:v12+s20+$0x0], $0xffff;
	_ =	sdelay $0x1  }
0x1f8: {  	v13 =	vld.idx.msk [tilespmem:v13+s20+$0x0], $0xffff  }
0x1f9: {  	v7 =	vmul.f32 v7, v3;
	v14 =	vmul.f32 v14, v4;
	_ =	sdelay $0x1  }
0x1fa: {  	v7 =	vadd.f32 v14, v7;
	v12 =	vmul.f32 v12, v5  }
0x1fb: {  	s31 =	sadd.s32 $0xFFFFF780, s2  }
0x1fc: {  	v7 =	vadd.f32 v12, v7;
	v12 =	vmul.f32 v13, v6;
	v13 =	vor.u32 s31, v8  }
0x1fd: {  	v14 =	vor.u32 s31, v9  }
0x1fe: {  	v7 =	vadd.f32 v12, v7  }
0x1ff: {  	v12 =	vor.u32 s31, v10  }
0x200: {  	[tilespmem:v25+s24+$0x0] =	vst.idx.msk $0xffff, v7  }
0x201: {  	v7 =	vld.idx.msk [tilespmem:v13+s20+$0x0], $0xffff;
	v13 =	vor.u32 s31, v11  }
0x202: {  	v14 =	vld.idx.msk [tilespmem:v14+s20+$0x0], $0xffff;
	_ =	sdelay $0x1  }
0x203: {  	v12 =	vld.idx.msk [tilespmem:v12+s20+$0x0], $0xffff;
	_ =	sdelay $0x1  }
0x204: {  	v13 =	vld.idx.msk [tilespmem:v13+s20+$0x0], $0xffff  }
0x205: {  	v7 =	vmul.f32 v7, v3;
	v14 =	vmul.f32 v14, v4;
	_ =	sdelay $0x1  }
0x206: {  	v7 =	vadd.f32 v14, v7;
	v12 =	vmul.f32 v12, v5  }
0x207: {  	s31 =	sadd.s32 $0xFFFFF800, s2  }
0x208: {  	v7 =	vadd.f32 v12, v7;
	v12 =	vmul.f32 v13, v6;
	v13 =	vor.u32 s31, v8  }
0x209: {  	v14 =	vor.u32 s31, v9  }
0x20a: {  	v7 =	vadd.f32 v12, v7  }
0x20b: {  	v12 =	vor.u32 s31, v10  }
0x20c: {  	[tilespmem:v26+s24+$0x0] =	vst.idx.msk $0xffff, v7  }
0x20d: {  	v7 =	vld.idx.msk [tilespmem:v13+s20+$0x0], $0xffff;
	v13 =	vor.u32 s31, v11  }
0x20e: {  	v14 =	vld.idx.msk [tilespmem:v14+s20+$0x0], $0xffff;
	_ =	sdelay $0x1  }
0x20f: {  	v12 =	vld.idx.msk [tilespmem:v12+s20+$0x0], $0xffff;
	_ =	sdelay $0x1  }
0x210: {  	v13 =	vld.idx.msk [tilespmem:v13+s20+$0x0], $0xffff  }
0x211: {  	v7 =	vmul.f32 v7, v3;
	v14 =	vmul.f32 v14, v4;
	_ =	sdelay $0x1  }
0x212: {  	v7 =	vadd.f32 v14, v7;
	v12 =	vmul.f32 v12, v5  }
0x213: {  	s31 =	sadd.s32 $0xFFFFF880, s2  }
0x214: {  	v7 =	vadd.f32 v12, v7;
	v12 =	vmul.f32 v13, v6;
	v13 =	vor.u32 s31, v8  }
0x215: {  	v14 =	vor.u32 s31, v9  }
0x216: {  	v7 =	vadd.f32 v12, v7  }
0x217: {  	v12 =	vor.u32 s31, v10  }
0x218: {  	[tilespmem:v27+s24+$0x0] =	vst.idx.msk $0xffff, v7  }
0x219: {  	v7 =	vld.idx.msk [tilespmem:v13+s20+$0x0], $0xffff;
	v13 =	vor.u32 s31, v11  }
0x21a: {  	v14 =	vld.idx.msk [tilespmem:v14+s20+$0x0], $0xffff;
	_ =	sdelay $0x1  }
0x21b: {  	v12 =	vld.idx.msk [tilespmem:v12+s20+$0x0], $0xffff;
	_ =	sdelay $0x1  }
0x21c: {  	v13 =	vld.idx.msk [tilespmem:v13+s20+$0x0], $0xffff  }
0x21d: {  	v7 =	vmul.f32 v7, v3;
	v14 =	vmul.f32 v14, v4;
	_ =	sdelay $0x1  }
0x21e: {  	v7 =	vadd.f32 v14, v7;
	v12 =	vmul.f32 v12, v5  }
0x21f: {  	s31 =	sadd.s32 $0xFFFFF900, s2  }
0x220: {  	v7 =	vadd.f32 v12, v7;
	v12 =	vmul.f32 v13, v6;
	v13 =	vor.u32 s31, v8  }
0x221: {  	v14 =	vor.u32 s31, v9  }
0x222: {  	v7 =	vadd.f32 v12, v7  }
0x223: {  	v12 =	vor.u32 s31, v10  }
0x224: {  	[tilespmem:v29+s24+$0x0] =	vst.idx.msk $0xffff, v7  }
0x225: {  	v7 =	vld.idx.msk [tilespmem:v13+s20+$0x0], $0xffff;
	v13 =	vor.u32 s31, v11  }
0x226: {  	v14 =	vld.idx.msk [tilespmem:v14+s20+$0x0], $0xffff;
	_ =	sdelay $0x1  }
0x227: {  	v12 =	vld.idx.msk [tilespmem:v12+s20+$0x0], $0xffff;
	_ =	sdelay $0x1  }
0x228: {  	v13 =	vld.idx.msk [tilespmem:v13+s20+$0x0], $0xffff  }
0x229: {  	v7 =	vmul.f32 v7, v3;
	v14 =	vmul.f32 v14, v4;
	_ =	sdelay $0x1  }
0x22a: {  	v7 =	vadd.f32 v14, v7;
	v12 =	vmul.f32 v12, v5  }
0x22b: {  	s31 =	sadd.s32 $0xFFFFF980, s2  }
0x22c: {  	v7 =	vadd.f32 v12, v7;
	v12 =	vmul.f32 v13, v6;
	v13 =	vor.u32 s31, v8  }
0x22d: {  	v14 =	vor.u32 s31, v9  }
0x22e: {  	v7 =	vadd.f32 v12, v7  }
0x22f: {  	v12 =	vor.u32 s31, v10  }
0x230: {  	[tilespmem:v30+s24+$0x0] =	vst.idx.msk $0xffff, v7  }
0x231: {  	v7 =	vld.idx.msk [tilespmem:v13+s20+$0x0], $0xffff;
	v13 =	vor.u32 s31, v11  }
0x232: {  	v14 =	vld.idx.msk [tilespmem:v14+s20+$0x0], $0xffff;
	_ =	sdelay $0x1  }
0x233: {  	v12 =	vld.idx.msk [tilespmem:v12+s20+$0x0], $0xffff;
	_ =	sdelay $0x1  }
0x234: {  	v13 =	vld.idx.msk [tilespmem:v13+s20+$0x0], $0xffff  }
0x235: {  	v7 =	vmul.f32 v7, v3;
	v14 =	vmul.f32 v14, v4;
	_ =	sdelay $0x1  }
0x236: {  	v7 =	vadd.f32 v14, v7;
	v12 =	vmul.f32 v12, v5  }
0x237: {  	s31 =	sadd.s32 $0xFFFFFA00, s2  }
0x238: {  	v7 =	vadd.f32 v12, v7;
	v12 =	vmul.f32 v13, v6;
	v13 =	vor.u32 s31, v8  }
0x239: {  	v14 =	vor.u32 s31, v9  }
0x23a: {  	v7 =	vadd.f32 v12, v7  }
0x23b: {  	v12 =	vor.u32 s31, v10  }
0x23c: {  	[tilespmem:v31+s24+$0x0] =	vst.idx.msk $0xffff, v7  }
0x23d: {  	v7 =	vld.idx.msk [tilespmem:v13+s20+$0x0], $0xffff;
	v13 =	vor.u32 s31, v11  }
0x23e: {  	v14 =	vld.idx.msk [tilespmem:v14+s20+$0x0], $0xffff;
	_ =	sdelay $0x1  }
0x23f: {  	v12 =	vld.idx.msk [tilespmem:v12+s20+$0x0], $0xffff;
	_ =	sdelay $0x1  }
0x240: {  	v13 =	vld.idx.msk [tilespmem:v13+s20+$0x0], $0xffff  }
0x241: {  	v7 =	vmul.f32 v7, v3;
	v14 =	vmul.f32 v14, v4;
	_ =	sdelay $0x1  }
0x242: {  	v7 =	vadd.f32 v14, v7;
	v12 =	vmul.f32 v12, v5  }
0x243: {  	s31 =	sadd.s32 $0xFFFFFA80, s2  }
0x244: {  	v7 =	vadd.f32 v12, v7;
	v12 =	vmul.f32 v13, v6;
	v13 =	vor.u32 s31, v8  }
0x245: {  	v14 =	vor.u32 s31, v9  }
0x246: {  	v7 =	vadd.f32 v12, v7  }
0x247: {  	v12 =	vor.u32 s31, v10  }
0x248: {  	[tilespmem:v32+s24+$0x0] =	vst.idx.msk $0xffff, v7  }
0x249: {  	v7 =	vld.idx.msk [tilespmem:v13+s20+$0x0], $0xffff;
	v13 =	vor.u32 s31, v11  }
0x24a: {  	v14 =	vld.idx.msk [tilespmem:v14+s20+$0x0], $0xffff;
	_ =	sdelay $0x1  }
0x24b: {  	v12 =	vld.idx.msk [tilespmem:v12+s20+$0x0], $0xffff;
	_ =	sdelay $0x1  }
0x24c: {  	v13 =	vld.idx.msk [tilespmem:v13+s20+$0x0], $0xffff  }
0x24d: {  	v7 =	vmul.f32 v7, v3;
	v14 =	vmul.f32 v14, v4;
	_ =	sdelay $0x1  }
0x24e: {  	v7 =	vadd.f32 v14, v7;
	v12 =	vmul.f32 v12, v5  }
0x24f: {  	s31 =	sadd.s32 $0xFFFFFB00, s2  }
0x250: {  	v7 =	vadd.f32 v12, v7;
	v12 =	vmul.f32 v13, v6;
	v13 =	vor.u32 s31, v8  }
0x251: {  	v14 =	vor.u32 s31, v9  }
0x252: {  	v7 =	vadd.f32 v12, v7  }
0x253: {  	v12 =	vor.u32 s31, v10  }
0x254: {  	[tilespmem:v33+s24+$0x0] =	vst.idx.msk $0xffff, v7  }
0x255: {  	v7 =	vld.idx.msk [tilespmem:v13+s20+$0x0], $0xffff;
	v13 =	vor.u32 s31, v11  }
0x256: {  	v14 =	vld.idx.msk [tilespmem:v14+s20+$0x0], $0xffff;
	_ =	sdelay $0x1  }
0x257: {  	v12 =	vld.idx.msk [tilespmem:v12+s20+$0x0], $0xffff;
	_ =	sdelay $0x1  }
0x258: {  	v13 =	vld.idx.msk [tilespmem:v13+s20+$0x0], $0xffff  }
0x259: {  	v7 =	vmul.f32 v7, v3;
	v14 =	vmul.f32 v14, v4;
	_ =	sdelay $0x1  }
0x25a: {  	v7 =	vadd.f32 v14, v7;
	v12 =	vmul.f32 v12, v5  }
0x25b: {  	s31 =	sadd.s32 $0xFFFFFB80, s2  }
0x25c: {  	v7 =	vadd.f32 v12, v7;
	v12 =	vmul.f32 v13, v6;
	v13 =	vor.u32 s31, v8  }
0x25d: {  	v14 =	vor.u32 s31, v9  }
0x25e: {  	v7 =	vadd.f32 v12, v7  }
0x25f: {  	v12 =	vor.u32 s31, v10  }
0x260: {  	[tilespmem:v34+s24+$0x0] =	vst.idx.msk $0xffff, v7  }
0x261: {  	v7 =	vld.idx.msk [tilespmem:v13+s20+$0x0], $0xffff;
	v13 =	vor.u32 s31, v11  }
0x262: {  	v14 =	vld.idx.msk [tilespmem:v14+s20+$0x0], $0xffff;
	_ =	sdelay $0x1  }
0x263: {  	v12 =	vld.idx.msk [tilespmem:v12+s20+$0x0], $0xffff;
	_ =	sdelay $0x1  }
0x264: {  	v13 =	vld.idx.msk [tilespmem:v13+s20+$0x0], $0xffff  }
0x265: {  	v7 =	vmul.f32 v7, v3;
	v14 =	vmul.f32 v14, v4;
	_ =	sdelay $0x1  }
0x266: {  	v7 =	vadd.f32 v14, v7;
	v12 =	vmul.f32 v12, v5  }
0x267: {  	s31 =	sadd.s32 $0xFFFFFC00, s2  }
0x268: {  	v7 =	vadd.f32 v12, v7;
	v12 =	vmul.f32 v13, v6;
	v13 =	vor.u32 s31, v8  }
0x269: {  	v14 =	vor.u32 s31, v9  }
0x26a: {  	v7 =	vadd.f32 v12, v7  }
0x26b: {  	v12 =	vor.u32 s31, v10  }
0x26c: {  	[tilespmem:v35+s24+$0x0] =	vst.idx.msk $0xffff, v7  }
0x26d: {  	v7 =	vld.idx.msk [tilespmem:v13+s20+$0x0], $0xffff;
	v13 =	vor.u32 s31, v11  }
0x26e: {  	v14 =	vld.idx.msk [tilespmem:v14+s20+$0x0], $0xffff;
	_ =	sdelay $0x1  }
0x26f: {  	v12 =	vld.idx.msk [tilespmem:v12+s20+$0x0], $0xffff;
	_ =	sdelay $0x1  }
0x270: {  	v13 =	vld.idx.msk [tilespmem:v13+s20+$0x0], $0xffff  }
0x271: {  	v7 =	vmul.f32 v7, v3;
	v14 =	vmul.f32 v14, v4;
	_ =	sdelay $0x1  }
0x272: {  	v7 =	vadd.f32 v14, v7;
	v12 =	vmul.f32 v12, v5  }
0x273: {  	s31 =	sadd.s32 $0xFFFFFC80, s2  }
0x274: {  	v7 =	vadd.f32 v12, v7;
	v12 =	vmul.f32 v13, v6;
	v13 =	vor.u32 s31, v8  }
0x275: {  	v14 =	vor.u32 s31, v9  }
0x276: {  	v7 =	vadd.f32 v12, v7  }
0x277: {  	v12 =	vor.u32 s31, v10  }
0x278: {  	[tilespmem:v36+s24+$0x0] =	vst.idx.msk $0xffff, v7  }
0x279: {  	v7 =	vld.idx.msk [tilespmem:v13+s20+$0x0], $0xffff;
	v13 =	vor.u32 s31, v11  }
0x27a: {  	v14 =	vld.idx.msk [tilespmem:v14+s20+$0x0], $0xffff;
	_ =	sdelay $0x1  }
0x27b: {  	v12 =	vld.idx.msk [tilespmem:v12+s20+$0x0], $0xffff;
	_ =	sdelay $0x1  }
0x27c: {  	v13 =	vld.idx.msk [tilespmem:v13+s20+$0x0], $0xffff  }
0x27d: {  	v7 =	vmul.f32 v7, v3;
	v14 =	vmul.f32 v14, v4;
	_ =	sdelay $0x1  }
0x27e: {  	v7 =	vadd.f32 v14, v7;
	v12 =	vmul.f32 v12, v5  }
0x27f: {  	s31 =	sadd.s32 $0xFFFFFD00, s2  }
0x280: {  	v7 =	vadd.f32 v12, v7;
	v12 =	vmul.f32 v13, v6;
	v13 =	vor.u32 s31, v8  }
0x281: {  	v14 =	vor.u32 s31, v9  }
0x282: {  	v7 =	vadd.f32 v12, v7  }
0x283: {  	v12 =	vor.u32 s31, v10  }
0x284: {  	[tilespmem:v37+s24+$0x0] =	vst.idx.msk $0xffff, v7  }
0x285: {  	v7 =	vld.idx.msk [tilespmem:v13+s20+$0x0], $0xffff;
	v13 =	vor.u32 s31, v11  }
0x286: {  	v14 =	vld.idx.msk [tilespmem:v14+s20+$0x0], $0xffff;
	_ =	sdelay $0x1  }
0x287: {  	v12 =	vld.idx.msk [tilespmem:v12+s20+$0x0], $0xffff;
	_ =	sdelay $0x1  }
0x288: {  	v13 =	vld.idx.msk [tilespmem:v13+s20+$0x0], $0xffff  }
0x289: {  	v7 =	vmul.f32 v7, v3;
	v14 =	vmul.f32 v14, v4;
	_ =	sdelay $0x1  }
0x28a: {  	v7 =	vadd.f32 v14, v7;
	v12 =	vmul.f32 v12, v5  }
0x28b: {  	s31 =	sadd.s32 $0xFFFFFD80, s2  }
0x28c: {  	v7 =	vadd.f32 v12, v7;
	v12 =	vmul.f32 v13, v6;
	v13 =	vor.u32 s31, v8  }
0x28d: {  	v14 =	vor.u32 s31, v9  }
0x28e: {  	v7 =	vadd.f32 v12, v7  }
0x28f: {  	v12 =	vor.u32 s31, v10  }
0x290: {  	[tilespmem:v38+s24+$0x0] =	vst.idx.msk $0xffff, v7  }
0x291: {  	v7 =	vld.idx.msk [tilespmem:v13+s20+$0x0], $0xffff;
	v13 =	vor.u32 s31, v11  }
0x292: {  	v14 =	vld.idx.msk [tilespmem:v14+s20+$0x0], $0xffff;
	_ =	sdelay $0x1  }
0x293: {  	v12 =	vld.idx.msk [tilespmem:v12+s20+$0x0], $0xffff;
	_ =	sdelay $0x1  }
0x294: {  	v13 =	vld.idx.msk [tilespmem:v13+s20+$0x0], $0xffff  }
0x295: {  	v7 =	vmul.f32 v7, v3;
	v14 =	vmul.f32 v14, v4;
	_ =	sdelay $0x1  }
0x296: {  	v7 =	vadd.f32 v14, v7;
	v12 =	vmul.f32 v12, v5  }
0x297: {  	s31 =	sadd.s32 $0xFFFFFE00, s2  }
0x298: {  	v7 =	vadd.f32 v12, v7;
	v12 =	vmul.f32 v13, v6;
	v13 =	vor.u32 s31, v8  }
0x299: {  	v14 =	vor.u32 s31, v9  }
0x29a: {  	v7 =	vadd.f32 v12, v7  }
0x29b: {  	v12 =	vor.u32 s31, v10  }
0x29c: {  	[tilespmem:v39+s24+$0x0] =	vst.idx.msk $0xffff, v7  }
0x29d: {  	v7 =	vld.idx.msk [tilespmem:v13+s20+$0x0], $0xffff;
	v13 =	vor.u32 s31, v11  }
0x29e: {  	v14 =	vld.idx.msk [tilespmem:v14+s20+$0x0], $0xffff;
	_ =	sdelay $0x1  }
0x29f: {  	v12 =	vld.idx.msk [tilespmem:v12+s20+$0x0], $0xffff;
	_ =	sdelay $0x1  }
0x2a0: {  	v13 =	vld.idx.msk [tilespmem:v13+s20+$0x0], $0xffff  }
0x2a1: {  	v7 =	vmul.f32 v7, v3;
	v14 =	vmul.f32 v14, v4;
	_ =	sdelay $0x1  }
0x2a2: {  	v7 =	vadd.f32 v14, v7;
	v12 =	vmul.f32 v12, v5  }
0x2a3: {  	s31 =	sadd.s32 $0xFFFFFE80, s2  }
0x2a4: {  	v7 =	vadd.f32 v12, v7;
	v12 =	vmul.f32 v13, v6;
	v13 =	vor.u32 s31, v8  }
0x2a5: {  	v14 =	vor.u32 s31, v9  }
0x2a6: {  	v7 =	vadd.f32 v12, v7  }
0x2a7: {  	v12 =	vor.u32 s31, v10  }
0x2a8: {  	[tilespmem:v40+s24+$0x0] =	vst.idx.msk $0xffff, v7  }
0x2a9: {  	v7 =	vld.idx.msk [tilespmem:v13+s20+$0x0], $0xffff;
	v13 =	vor.u32 s31, v11  }
0x2aa: {  	v14 =	vld.idx.msk [tilespmem:v14+s20+$0x0], $0xffff;
	_ =	sdelay $0x1  }
0x2ab: {  	v12 =	vld.idx.msk [tilespmem:v12+s20+$0x0], $0xffff;
	_ =	sdelay $0x1  }
0x2ac: {  	v13 =	vld.idx.msk [tilespmem:v13+s20+$0x0], $0xffff  }
0x2ad: {  	v7 =	vmul.f32 v7, v3;
	v14 =	vmul.f32 v14, v4;
	_ =	sdelay $0x1  }
0x2ae: {  	v7 =	vadd.f32 v14, v7;
	v12 =	vmul.f32 v12, v5  }
0x2af: {  	s31 =	sadd.s32 $0xFFFFFF00, s2  }
0x2b0: {  	v7 =	vadd.f32 v12, v7;
	v12 =	vmul.f32 v13, v6;
	v13 =	vor.u32 s31, v8  }
0x2b1: {  	v14 =	vor.u32 s31, v9  }
0x2b2: {  	v7 =	vadd.f32 v12, v7  }
0x2b3: {  	v12 =	vor.u32 s31, v10  }
0x2b4: {  	[tilespmem:v41+s24+$0x0] =	vst.idx.msk $0xffff, v7  }
0x2b5: {  	v7 =	vld.idx.msk [tilespmem:v13+s20+$0x0], $0xffff;
	v13 =	vor.u32 s31, v11  }
0x2b6: {  	v14 =	vld.idx.msk [tilespmem:v14+s20+$0x0], $0xffff;
	_ =	sdelay $0x1  }
0x2b7: {  	v12 =	vld.idx.msk [tilespmem:v12+s20+$0x0], $0xffff;
	_ =	sdelay $0x1  }
0x2b8: {  	v13 =	vld.idx.msk [tilespmem:v13+s20+$0x0], $0xffff  }
0x2b9: {  	v7 =	vmul.f32 v7, v3;
	v14 =	vmul.f32 v14, v4;
	_ =	sdelay $0x1  }
0x2ba: {  	v7 =	vadd.f32 v14, v7;
	v12 =	vmul.f32 v12, v5  }
0x2bb: {  	s31 =	sadd.s32 $0xFFFFFF80, s2  }
0x2bc: {  	v7 =	vadd.f32 v12, v7;
	v12 =	vmul.f32 v13, v6;
	v13 =	vor.u32 s31, v8  }
0x2bd: {  	v14 =	vor.u32 s31, v9  }
0x2be: {  	v7 =	vadd.f32 v12, v7  }
0x2bf: {  	v12 =	vor.u32 s31, v10  }
0x2c0: {  	[tilespmem:v42+s24+$0x0] =	vst.idx.msk $0xffff, v7  }
0x2c1: {  	v7 =	vld.idx.msk [tilespmem:v13+s20+$0x0], $0xffff;
	v13 =	vor.u32 s31, v11  }
0x2c2: {  	v14 =	vld.idx.msk [tilespmem:v14+s20+$0x0], $0xffff;
	_ =	sdelay $0x1  }
0x2c3: {  	v12 =	vld.idx.msk [tilespmem:v12+s20+$0x0], $0xffff;
	_ =	sdelay $0x1  }
0x2c4: {  	v13 =	vld.idx.msk [tilespmem:v13+s20+$0x0], $0xffff  }
0x2c5: {  	v7 =	vmul.f32 v7, v3;
	v14 =	vmul.f32 v14, v4;
	_ =	sdelay $0x1  }
0x2c6: {  	v7 =	vadd.f32 v14, v7;
	v12 =	vmul.f32 v12, v5;
	_ =	sdelay $0x1  }
0x2c7: {  	v7 =	vadd.f32 v12, v7;
	v12 =	vmul.f32 v13, v6;
	v13 =	vor.u32 s2, v8  }
0x2c8: {  	v14 =	vor.u32 s2, v9  }
0x2c9: {  	v7 =	vadd.f32 v12, v7  }
0x2ca: {  	v12 =	vor.u32 s2, v10  }
0x2cb: {  	[tilespmem:v43+s24+$0x0] =	vst.idx.msk $0xffff, v7  }
0x2cc: {  	v7 =	vld.idx.msk [tilespmem:v13+s20+$0x0], $0xffff;
	v13 =	vor.u32 s2, v11  }
0x2cd: {  	v14 =	vld.idx.msk [tilespmem:v14+s20+$0x0], $0xffff;
	_ =	sdelay $0x1  }
0x2ce: {  	v12 =	vld.idx.msk [tilespmem:v12+s20+$0x0], $0xffff;
	_ =	sdelay $0x1  }
0x2cf: {  	v13 =	vld.idx.msk [tilespmem:v13+s20+$0x0], $0xffff  }
0x2d0: {  	v3 =	vmul.f32 v7, v3;
	v4 =	vmul.f32 v14, v4;
	_ =	sdelay $0x1  }
0x2d1: {  	v3 =	vadd.f32 v4, v3;
	v4 =	vmul.f32 v12, v5;
	_ =	sdelay $0x1  }
0x2d2: {  	v3 =	vadd.f32 v4, v3;
	v4 =	vmul.f32 v13, v6;
	_ =	sdelay $0x1  }
0x2d3: {  	v3 =	vadd.f32 v4, v3;
	_ =	sdelay $0x1  }
0x2d4: {  	[tilespmem:v44+s24+$0x0] =	vst.idx.msk $0xffff, v3  }
0x2d5: {  	v3 =	vld.idx.msk [tilespmem:v28+s24+$0x0], $0xffff  }
0x2d6: {  	v4 =	vld.idx.msk [tilespmem:v46+s24+$0x0], $0xffff;
	_ =	sdelay $0x1  }
0x2d7: {  	v5 =	vld.idx.msk [tilespmem:v48+s24+$0x0], $0xffff;
	_ =	sdelay $0x1  }
0x2d8: {  	v6 =	vld.idx.msk [tilespmem:v50+s24+$0x0], $0xffff  }
0x2d9: {  	v3 =	vadd.f32 v4, v3  }
0x2da: {  	v4 =	vld.idx.msk [tilespmem:v52+s24+$0x0], $0xffff  }
0x2db: {  	v3 =	vadd.f32 v5, v3  }
0x2dc: {  	v5 =	vld.idx.msk [tilespmem:v54+s24+$0x0], $0xffff  }
0x2dd: {  	v3 =	vadd.f32 v6, v3  }
0x2de: {  	v6 =	vld.idx.msk [tilespmem:v56+s24+$0x0], $0xffff  }
0x2df: {  	v3 =	vadd.f32 v4, v3  }
0x2e0: {  	v4 =	vld.idx.msk [tilespmem:v58+s24+$0x0], $0xffff  }
0x2e1: {  	v3 =	vadd.f32 v5, v3;
	_ =	sdelay $0x1  }
0x2e2: {  	v3 =	vadd.f32 v6, v3;
	_ =	sdelay $0x1  }
0x2e3: {  	v3 =	vadd.f32 v4, v3;
	v4 =	vld [tilespmem:$0x1FFF0];
	_ =	sdelay $0x1  }
0x2e4: {  	v5 =	vld.idx.msk [tilespmem:v60+s24+$0x0], $0xffff;
	_ =	sdelay $0x3  }
0x2e5: {  	v6 =	vld.idx.msk [tilespmem:v63+s24+$0x0], $0xffff  }
0x2e6: {  	v3 =	vadd.f32 v5, v3;
	v5 =	vld [tilespmem:$0x1FF40]  }
0x2e7: {  	v4 =	vld.idx.msk [tilespmem:v4+s24+$0x0], $0xffff;
	_ =	sdelay $0x2  }
0x2e8: {  	v3 =	vadd.f32 v6, v3;
	v6 =	vld [tilespmem:$0x1FF60];
	_ =	sdelay $0x1  }
0x2e9: {  	v3 =	vadd.f32 v4, v3;
	v4 =	vld [tilespmem:$0x1FF80];
	_ =	sdelay $0x1  }
0x2ea: {  	v5 =	vld.idx.msk [tilespmem:v5+s24+$0x0], $0xffff  }
0x2eb: {  	v7 =	vld.idx.msk [tilespmem:v45+s24+$0x0], $0xffff  }
0x2ec: {  	v12 =	vld.idx.msk [tilespmem:v47+s24+$0x0], $0xffff  }
0x2ed: {  	v13 =	vld.idx.msk [tilespmem:v49+s24+$0x0], $0xffff  }
0x2ee: {  	v6 =	vld.idx.msk [tilespmem:v6+s24+$0x0], $0xffff  }
0x2ef: {  	v3 =	vadd.f32 v5, v3;
	v5 =	vld [tilespmem:$0x1FFB0]  }
0x2f0: {  	v4 =	vld.idx.msk [tilespmem:v4+s24+$0x0], $0xffff  }
0x2f1: {  	v14 =	vld.idx.msk [tilespmem:v51+s24+$0x0], $0xffff  }
0x2f2: {  	v7 =	vadd.f32 v12, v7  }
0x2f3: {  	v12 =	vld.idx.msk [tilespmem:v53+s24+$0x0], $0xffff;
	v3 =	vadd.f32 v6, v3  }
0x2f4: {  	v7 =	vadd.f32 v13, v7;
	v13 =	vld.idx.msk [tilespmem:v55+s24+$0x0], $0xffff  }
0x2f5: {  	v3 =	vadd.f32 v4, v3;
	v4 =	vld [tilespmem:$0x1FFE0]  }
0x2f6: {  	v7 =	vadd.f32 v14, v7;
	v14 =	vld.idx.msk [tilespmem:v57+s24+$0x0], $0xffff  }
0x2f7: {  	v5 =	vld.idx.msk [tilespmem:v5+s24+$0x0], $0xffff  }
0x2f8: {  	v7 =	vadd.f32 v12, v7;
	v12 =	vld.idx.msk [tilespmem:v59+s24+$0x0], $0xffff  }
0x2f9: {  	v6 =	vld.idx.msk [tilespmem:v1+s24+$0x0], $0xffff  }
0x2fa: {  	v7 =	vadd.f32 v13, v7  }
0x2fb: {  	v13 =	vld.idx.msk [tilespmem:v62+s24+$0x0], $0xffff  }
0x2fc: {  	v7 =	vadd.f32 v14, v7;
	v3 =	vadd.f32 v5, v3;
	v5 =	vld [tilespmem:$0x1FF30]  }
0x2fd: {  	v4 =	vld.idx.msk [tilespmem:v4+s24+$0x0], $0xffff  }
0x2fe: {  	v7 =	vadd.f32 v12, v7;
	v3 =	vadd.f32 v6, v3;
	v6 =	vld [tilespmem:$0x1FF50];
	_ =	sdelay $0x1  }
0x2ff: {  	v7 =	vadd.f32 v13, v7;
	_ =	sdelay $0x1  }
0x300: {  	v4 =	vadd.f32 v4, v7;
	v7 =	vld [tilespmem:$0x1FFA0];
	_ =	sdelay $0x1  }
0x301: {  	v5 =	vld.idx.msk [tilespmem:v5+s24+$0x0], $0xffff;
	_ =	sdelay $0x1  }
0x302: {  	v6 =	vld.idx.msk [tilespmem:v6+s24+$0x0], $0xffff  }
0x303: {  	v3 =	vmul.f32 v7, v3;
	v7 =	vld [tilespmem:$0x1FF70];
	_ =	sdelay $0x1  }
0x304: {  	v12 =	vld [tilespmem:$0x1FF90];
	v4 =	vadd.f32 v5, v4;
	_ =	sdelay $0x1  }
0x305: {  	v4 =	vadd.f32 v6, v4;
	v6 =	vld [tilespmem:$0x1FFC0];
	_ =	sdelay $0x3  }
0x306: {  	v7 =	vld.idx.msk [tilespmem:v7+s24+$0x0], $0xffff  }
0x307: {  	v5 =	vand.u32 $0x7FFFFFFF, v3  }
0x308: {  	v12 =	vld.idx.msk [tilespmem:v12+s24+$0x0], $0xffff;
	v5 =	vsub.f32 $0.0e+00, v5;
	_ =	sdelay $0x1  }
0x309: {  	v5 =	vmul.f32 $1.442695020e+00, v5;
	v6 =	vld.idx.msk [tilespmem:v6+s24+$0x0], $0xffff  }
0x30a: {  	v4 =	vadd.f32 v7, v4  }
0x30b: {  	(erf) = vpow2.f32 v5;
	v7 =	vld.idx.msk [tilespmem:v2+s24+$0x0], $0xffff  }
0x30c: {  	v4 =	vadd.f32 v12, v4;
	_ =	sdelay $0x1  }
0x30d: {  	v4 =	vadd.f32 v6, v4;
	_ =	sdelay $0x1  }
0x30e: {  	v4 =	vadd.f32 v7, v4;
	_ =	sdelay $0x1  }
0x30f: {  	v4 =	vxor.u32 $0x80000000, v4  }
0x310: {  	v5 =	vand.u32 $0x7FFFFFFF, v4  }
0x311: {  	v6 =	vpop (erf);
	v5 =	vsub.f32 $0.0e+00, v5  }
0x312: {  	v7 =	vadd.f32 $2.000000000e+00, v6  }
0x313: {  	v5 =	vmul.f32 $1.442695020e+00, v5  }
0x314: {  	(erf) = vrcp.f32 v7  }
0x315: {  	(erf) = vpow2.f32 v5;
	_ =	sdelay $0x7  }
0x316: {  	v5 =	vpop (erf)  }
0x317: {  	v7 =	vpop (erf)  }
0x318: {  	v12 =	vadd.f32 $2.000000000e+00, v7;
	_ =	sdelay $0x1  }
0x319: {  	(erf) = vrcp.f32 v12;
	_ =	sdelay $0x8  }
0x31a: {  	v5 =	vmul.f32 v5, v6;
	v6 =	vpop (erf)  }
0x31b: {  	v6 =	vmul.f32 v6, v7;
	_ =	sdelay $0x1  }
0x31c: {  	v7 =	vmul.f32 v5, v5;
	v12 =	vmul.f32 v6, v6;
	_ =	sdelay $0x1  }
0x31d: {  	v13 =	vmul.f32 $1.111111120e-01, v7;
	v14 =	vmul.f32 $1.111111120e-01, v12;
	_ =	sdelay $0x1  }
0x31e: {  	v13 =	vadd.f32 $1.428571490e-01, v13;
	v14 =	vadd.f32 $1.428571490e-01, v14;
	_ =	sdelay $0x1  }
0x31f: {  	v13 =	vmul.f32 v13, v7;
	v14 =	vmul.f32 v14, v12;
	_ =	sdelay $0x1  }
0x320: {  	v13 =	vadd.f32 $2.000000030e-01, v13;
	v14 =	vadd.f32 $2.000000030e-01, v14;
	_ =	sdelay $0x1  }
0x321: {  	v13 =	vmul.f32 v13, v7;
	v14 =	vmul.f32 v14, v12;
	_ =	sdelay $0x1  }
0x322: {  	v13 =	vadd.f32 $3.333333430e-01, v13;
	v14 =	vadd.f32 $3.333333430e-01, v14;
	_ =	sdelay $0x1  }
0x323: {  	v7 =	vmul.f32 v13, v7;
	v12 =	vmul.f32 v14, v12  }
0x324: {  	v5 =	vadd.f32 v5, v5;
	v6 =	vadd.f32 v6, v6  }
0x325: {  	v7 =	vadd.f32 $1.000000000e+00, v7;
	v12 =	vadd.f32 $1.000000000e+00, v12;
	_ =	sdelay $0x1  }
0x326: {  	v5 =	vmul.f32 v7, v5;
	v6 =	vmul.f32 v12, v6  }
0x327: {  	p0 =	sne.s32 s30, $0x13F;
	v3 =	vmin.f32 v3, $0.0e+00;
	v4 =	vmin.f32 v4, $0.0e+00  }
.Ltmp1:
0x328: {  	v3 =	vsub.f32 v3, v5;
	v4 =	vsub.f32 v4, v6;
	(pc) =	sbr.rel @p0 .LBB2_5-.Ltmp1, $4  }
0x329: {  	_ = 	snop  }
0x32a: {  	v0 =	vadd.f32 v3, v0;
	v3 =	vmul.f32 v61, v4  }
0x32b: {  	v16 =	vmov v17;
	v17 =	vmov v18  }
0x32c: {  	s1 =	sadd.s32 $0x1, s1;
	s30 =	sadd.s32 $0x14, s30;
	v18 =	vmovc v19;
	v19 =	vmovc v20;
	v20 =	vmov v21;
	v21 =	vmov v22;
	v0 =	vadd.f32 v3, v0  }
0x32d: {  	s29 =	sadd.s32 $0x1, s29  }
0x32e: {  	p0 =	sne.s32 s29, $0x10  }
.Ltmp2:
0x32f: {  	_ = 	snop;
	(pc) =	sbr.rel @p0 .LBB2_2-.Ltmp2, $3  }
0x330: {  	_ =	sdelay $0x1  }
0x331: {  	v22 =	vld [tilespmem:$0x1FFE0]  }
0x332: {  	v4 =	vmov v61;
	v2 =	vld [tilespmem:$0x1FFF0]  }
0x333: {  	_ =	swait.ge [sflag:s23], $0x1000  }
0x334: {  	[sflag:s23] =	ssyncset.done $0x0  }
0x335: {  	[sflag:s23] =	ssyncadd.s32 $0xFFFFF000  }
0x336: {  	_ =	swait.ge [sflag:s23], $0x4000  }
0x337: {  	[sflag:s23] =	ssyncset.done $0x0  }
0x338: {  	[sflag:s23] =	ssyncadd.s32 $0xFFFFC000  }
0x339: {  	_ =	swait.ge [sflag:s23], $0x4000  }
0x33a: {  	[sflag:s23] =	ssyncset.done $0x0  }
0x33b: {  	[sflag:s23] =	ssyncadd.s32 $0xFFFFC000  }
0x33c: {  	_ =	swait.ge [sflag:s23], $0x2000  }
0x33d: {  	v0 =	vmul.f32 $6.103515630e-05, v0;
	s28 =	sadd.s32 $0x1, s28;
	[sflag:s23] =	ssyncset.done $0x0  }
0x33e: {  	p0 =	sne.s32 s28, s7;
	[sflag:s23] =	ssyncadd.s32 $0xFFFFE000  }
.Ltmp3:
0x33f: {  	[tilespmem:$0x18E80] =	vst v0;
	(pc) =	sbr.rel @p0 .LBB2_1-.Ltmp3, $4  }
0x340: {  	[hbm4b:s6+s3] =	stream.linear.scatter [tilespmem:s26], [sflag:$0x3], $0x10, $0x38;
	[tilespmem:$0x18F00] =	vst v63  }
0x341: {  	_ =	swait.ge [sflag:s8], $0x10  }
0x342: {  	[sflag:s8] =	ssyncset.done $0x0  }
0x343: {  	[sflag:s8] =	ssyncadd.s32 $0xFFFFFFF0  }
0x344: {  	_ =	sfence.sel $0x180000  }
0x345: {  	[bflag:$0x0] =	sbarrier.arrive $0xFFFF  }
0x346: {  	_ =	strace $0x90000047  }
0x347: {  	s0 =	stileid.u32;
	[bflag:$0x2] =	sbarrier.arrive $0xFFFF  }
0x348: {  	p0 =	sne.s32 s0, $0x0;
	s0 =	rddreg [dreg:$0x4]  }
0x349: {  	s0 =	sadd.s32 @!p0 $0x100000, s0  }
0x34a: {  	[sflag:s0] =	ssyncadd.tile.s32 @!p0 $0x1;
	_ =	shalt  }
.Lfunc_end2:
_tile_overlayer_lowered:
.L_overlay_start_2:
0x34b: {  	(tag) =	ssettag $0x2  }
0x34c: {  	s0 =	rddreg [dreg:$0x0];
	s2 =	stileid.u32  }
0x34d: {  	s1 =	rddreg [dreg:$0x1];
	p0 =	sne.s32 s2, $0x0  }
0x34e: {  	s3 =	rddreg [dreg:$0x2];
	[bflag:$0x3] =	sbarrier.arrive $0xFFFF;
	s2 =	simm.s32 @!p0 $0x1C03  }
0x34f: {  	[timem:s3], [sflag:s2] =	dma.local @!p0 [hbm:s0], s1  }
0x350: {  	s0 =	simm.s32 @!p0 $0x3  }
0x351: {  	_ =	swait.ge @!p0 [sflag:s0], s1  }
0x352: {  	s1 =	ssub.s32 @!p0 $0x0, s1;
	[sflag:s0] =	ssyncset.done @!p0 $0x0  }
0x353: {  	[sflag:s0] =	ssyncadd.s32 @!p0 s1  }
0x354: {  	[bflag:$0x3] =	sbarrier.arrive $0xFFFF  }
0x355: {  	_ =	shalt  }

</sc_bundles>
